<compile_context>
chip_gen: v7x
topology: tpu7x:2x2x1
jax: 0.10.2.dev20260603
libtpu: 0.0.44.dev20260713+nightly
codegen_flags: <defaults>
</compile_context>

<pallas_src>
import functools

import jax
import jax.numpy as jnp
from jax import lax
from jax.experimental import pallas as pl
from jax.experimental.pallas import tpu as pltpu
from jax.experimental.pallas import tpu_sc as plsc

_K = 16
_MM = 8


def _fps_body(xyz_ref, fidx_ref, px_ref, py_ref, pz_ref):
    B, _, S, L = xyz_ref.shape
    N = S * L
    M = N // 4
    x = xyz_ref[:, 0]
    y = xyz_ref[:, 1]
    z = xyz_ref[:, 2]
    iota3 = (lax.broadcasted_iota(jnp.int32, (B, S, L), 1) * L
             + lax.broadcasted_iota(jnp.int32, (B, S, L), 2))
    boff = lax.broadcasted_iota(jnp.int32, (B, 1), 0) * N
    iota128 = lax.broadcasted_iota(jnp.int32, (B, 128), 1)

    def inner(j, st):
        dist, far, cx, cy, cz, pf, ppx, ppy, ppz = st
        lane = iota128 == j
        pf = jnp.where(lane, far[:, 0, :] + boff, pf)
        ppx = jnp.where(lane, cx[:, 0, :], ppx)
        ppy = jnp.where(lane, cy[:, 0, :], ppy)
        ppz = jnp.where(lane, cz[:, 0, :], ppz)
        dx = x - cx
        dy = y - cy
        dz = z - cz
        d = (dx * dx + dy * dy) + dz * dz
        dist = jnp.minimum(dist, d)
        v, ii, xx, yy, zz = dist, iota3, x, y, z
        w = L
        while w > 128:
            h = w // 2
            v1, v2 = v[:, :, :h], v[:, :, h:w]
            i1, i2 = ii[:, :, :h], ii[:, :, h:w]
            cond = (v1 > v2) | ((v1 == v2) & (i1 < i2))
            v = jnp.where(cond, v1, v2)
            ii = jnp.where(cond, i1, i2)
            xx = jnp.where(cond, xx[:, :, :h], xx[:, :, h:w])
            yy = jnp.where(cond, yy[:, :, :h], yy[:, :, h:w])
            zz = jnp.where(cond, zz[:, :, :h], zz[:, :, h:w])
            w = h
        mxs = jnp.max(jnp.max(v, axis=2, keepdims=True), axis=1,
                      keepdims=True)
        cand = jnp.where(v == mxs, ii, N)
        far2 = jnp.min(jnp.min(cand, axis=2, keepdims=True), axis=1,
                       keepdims=True)
        sel = ii == far2
        cx2 = jnp.sum(jnp.sum(jnp.where(sel, xx, 0.0), axis=2,
                              keepdims=True), axis=1, keepdims=True)
        cy2 = jnp.sum(jnp.sum(jnp.where(sel, yy, 0.0), axis=2,
                              keepdims=True), axis=1, keepdims=True)
        cz2 = jnp.sum(jnp.sum(jnp.where(sel, zz, 0.0), axis=2,
                              keepdims=True), axis=1, keepdims=True)
        return dist, far2, cx2, cy2, cz2, pf, ppx, ppy, ppz

    def outer(o, carry):
        dist, far, cx, cy, cz = carry
        pf0 = jnp.zeros((B, 128), jnp.int32)
        pp0 = jnp.zeros((B, 128), jnp.float32)
        def inner2(j2, st2):
            return inner(2 * j2 + 1, inner(2 * j2, st2))

        st = lax.fori_loop(0, 64, inner2,
                           (dist, far, cx, cy, cz, pf0, pp0, pp0, pp0))
        dist, far, cx, cy, cz, pf, ppx, ppy, ppz = st
        off = pl.multiple_of(o * 128, 128)
        fidx_ref[:, pl.ds(off, 128)] = pf
        px_ref[:, pl.ds(off, 128)] = ppx
        py_ref[:, pl.ds(off, 128)] = ppy
        pz_ref[:, pl.ds(off, 128)] = ppz
        return dist, far, cx, cy, cz

    dist0 = jnp.full((B, S, L), 1e10, dtype=jnp.float32)
    far0 = jnp.zeros((B, 1, 1), jnp.int32)
    lax.fori_loop(0, M // 128, outer,
                  (dist0, far0, x[:, 0:1, 0:1], y[:, 0:1, 0:1],
                   z[:, 0:1, 0:1]))


def _fps_call(xyz_t):
    B, _, S, L = xyz_t.shape
    M = S * L // 4
    return pl.pallas_call(
        _fps_body,
        out_shape=[
            jax.ShapeDtypeStruct((B, M), jnp.int32),
            jax.ShapeDtypeStruct((B, M), jnp.float32),
            jax.ShapeDtypeStruct((B, M), jnp.float32),
            jax.ShapeDtypeStruct((B, M), jnp.float32),
        ],
    )(xyz_t)


def _knn_body(fm_ref, fmt_ref, kg_ref, km_ref):
    _, RT, C = fm_ref.shape
    _, _, M = fmt_ref.shape
    N = M * 4
    t = fm_ref[0]
    Ft = fmt_ref[0]
    ip = jnp.dot(t, Ft, preferred_element_type=jnp.float32)
    inner = -2.0 * ip
    xxF = jnp.sum(Ft * Ft, axis=0, keepdims=True)
    xxT = jnp.sum(t * t, axis=1, keepdims=True)
    pd = (-xxF - inner) - xxT
    iota2 = lax.broadcasted_iota(jnp.int32, (RT, M), 1)
    b = pl.program_id(0)
    neg = jnp.float32(-jnp.inf)
    for k in range(_K):
        mx = jnp.max(pd, axis=1, keepdims=True)
        idx = jnp.min(jnp.where(pd == mx, iota2, M), axis=1)
        kg_ref[0, k, :] = idx + b * N
        km_ref[0, k, :] = idx + b * M
        pd = jnp.where(iota2 == idx[:, None], neg, pd)


def _knn_call(featM, featM_T, RT=512):
    B, M, C = featM.shape
    grid = (B, M // RT)
    return pl.pallas_call(
        _knn_body,
        grid=grid,
        in_specs=[
            pl.BlockSpec((1, RT, C), lambda b, t: (b, t, 0)),
            pl.BlockSpec((1, C, M), lambda b, t: (b, 0, 0)),
        ],
        out_specs=[
            pl.BlockSpec((1, _K, RT), lambda b, t: (b, 0, t)),
            pl.BlockSpec((1, _K, RT), lambda b, t: (b, 0, t)),
        ],
        out_shape=[
            jax.ShapeDtypeStruct((B, _K, M), jnp.int32),
            jax.ShapeDtypeStruct((B, _K, M), jnp.int32),
        ],
    )(featM, featM_T)


def _sc_gather2(tableA, idxA, tableB, idxB, ch=128):
    D = tableA.shape[1]
    nA = idxA.shape[0]
    nB = idxB.shape[0]
    nw = 32
    perA = nA // nw
    perB = nB // nw
    mesh = plsc.VectorSubcoreMesh(core_axis_name="c", subcore_axis_name="s")

    nf = 8
    blk = nf * ch

    @functools.partial(
        pl.kernel,
        out_type=[
            jax.ShapeDtypeStruct((nA, D), jnp.float32),
            jax.ShapeDtypeStruct((nB, D), jnp.float32),
        ],
        mesh=mesh,
        scratch_types=[
            pltpu.VMEM((perA,), jnp.int32),
            pltpu.VMEM((perB,), jnp.int32),
            pltpu.VMEM((blk, D), jnp.float32),
            pltpu.SemaphoreType.DMA,
        ],
        compiler_params=pltpu.CompilerParams(use_tc_tiling_on_sc=False),
    )
    def k(tA, iA, tB, iB, oA, oB, idxa_v, idxb_v, rows_v, sem):
        wid = lax.axis_index("s") * 2 + lax.axis_index("c")
        pltpu.sync_copy(iA.at[pl.ds(wid * perA, perA)], idxa_v)
        pltpu.sync_copy(iB.at[pl.ds(wid * perB, perB)], idxb_v)

        def mk(tbl, idx_v, oh, base, per):
            def round_(r, _):
                off = r * blk
                cps = []
                for s in range(nf):
                    cps.append(pltpu.async_copy(
                        tbl.at[idx_v.at[pl.ds(off + s * ch, ch)]],
                        rows_v.at[pl.ds(s * ch, ch)], sem))
                for cp in cps:
                    cp.wait()
                pltpu.sync_copy(rows_v, oh.at[pl.ds(base + off, blk)])
                return 0
            lax.fori_loop(0, per // blk, round_, 0)

        mk(tA, idxa_v, oA, wid * perA, perA)
        mk(tB, idxb_v, oB, wid * perB, perB)

    return k(tableA, idxA, tableB, idxB)


def _sc_gather1(table, idx, ch=128):
    D = table.shape[1]
    n = idx.shape[0]
    nw = 32
    per = n // nw
    mesh = plsc.VectorSubcoreMesh(core_axis_name="c", subcore_axis_name="s")

    @functools.partial(
        pl.kernel,
        out_type=jax.ShapeDtypeStruct((n, D), jnp.float32),
        mesh=mesh,
        scratch_types=[
            pltpu.VMEM((ch,), jnp.int32),
            pltpu.VMEM((ch, D), jnp.float32),
            pltpu.SemaphoreType.DMA,
        ],
        compiler_params=pltpu.CompilerParams(use_tc_tiling_on_sc=False),
    )
    def k(tbl, ih, oh, idx_v, rows_v, sem):
        wid = lax.axis_index("s") * 2 + lax.axis_index("c")

        def body(c, _):
            off = wid * per + c * ch
            pltpu.sync_copy(ih.at[pl.ds(off, ch)], idx_v)
            pltpu.async_copy(tbl.at[idx_v], rows_v, sem).wait()
            pltpu.sync_copy(rows_v, oh.at[pl.ds(off, ch)])
            return 0

        lax.fori_loop(0, per // ch, body, 0)

    return k(table, idx)


def _dense_body(gf_ref, fnb_ref, sW1_ref, sb1_ref, sW2_ref, sb2_ref,
                wb_ref, out_ref):
    _, K, RT, C = gf_ref.shape
    OUT = wb_ref.shape[1] // _MM
    gflat = gf_ref[0].reshape(K * RT, C)
    h = jnp.maximum(
        jnp.dot(gflat, sW1_ref[:], preferred_element_type=jnp.float32)
        + sb1_ref[:], 0.0)
    zz = jnp.dot(h, sW2_ref[:], preferred_element_type=jnp.float32) + sb2_ref[:]
    zm = jnp.max(zz, axis=-1, keepdims=True)
    e = jnp.exp(zz - zm)
    s = e / jnp.sum(e, axis=-1, keepdims=True)
    s3 = s.reshape(K, RT, _MM)
    fnb3 = fnb_ref[0]
    acc = jnp.zeros((OUT, RT), jnp.float32)
    for m in range(_MM):
        gm = jnp.sum(fnb3 * s3[:, :, m:m + 1], axis=0)
        acc = acc + lax.dot_general(
            wb_ref[:, m * OUT:(m + 1) * OUT], gm,
            (((0,), (1,)), ((), ())),
            preferred_element_type=jnp.float32)
    out_ref[0] = acc


def _dense_call(gf, fnb, sW1, sb1r, sW2, sb2r, weightbank, RT=256):
    B, K, M, C = gf.shape
    OUT = weightbank.shape[1] // _MM
    grid = (B, M // RT)
    return pl.pallas_call(
        _dense_body,
        grid=grid,
        in_specs=[
            pl.BlockSpec((1, K, RT, C), lambda b, t: (b, 0, t, 0)),
            pl.BlockSpec((1, K, RT, C), lambda b, t: (b, 0, t, 0)),
            pl.BlockSpec(sW1.shape, lambda b, t: (0, 0)),
            pl.BlockSpec(sb1r.shape, lambda b, t: (0, 0)),
            pl.BlockSpec(sW2.shape, lambda b, t: (0, 0)),
            pl.BlockSpec(sb2r.shape, lambda b, t: (0, 0)),
            pl.BlockSpec(weightbank.shape, lambda b, t: (0, 0)),
        ],
        out_specs=pl.BlockSpec((1, OUT, RT), lambda b, t: (b, 0, t)),
        out_shape=jax.ShapeDtypeStruct((B, OUT, M), jnp.float32),
    )(gf, fnb, sW1, sb1r, sW2, sb2r, weightbank)


def _bn_body(x_ref, g_ref, b_ref, out_ref):
    B, OUT, M = x_ref.shape
    x = x_ref[:]
    cnt = jnp.float32(B * M)
    s0 = jnp.sum(x, axis=0)
    mean = (jnp.sum(s0, axis=1, keepdims=True) / cnt)
    diff = x - mean[None]
    d0 = jnp.sum(diff * diff, axis=0)
    var = jnp.sum(d0, axis=1, keepdims=True) / cnt
    xn = diff / jnp.sqrt(var + 1e-5)[None]
    y = g_ref[:] * xn + b_ref[:]
    out_ref[:] = jnp.maximum(y, 0.0)


def _bn_call(feats_t, gamma3, beta3):
    return pl.pallas_call(
        _bn_body,
        out_shape=jax.ShapeDtypeStruct(feats_t.shape, jnp.float32),
    )(feats_t, gamma3, beta3)


def kernel(xyz, feature, weightbank, sW1, sb1, sW2, sb2, gamma, beta):
    B, N, _ = xyz.shape
    C = feature.shape[1]
    M = N // 4
    OUT = weightbank.shape[1] // _MM

    xyz_t = xyz.transpose(0, 2, 1).reshape(B, 3, 8, N // 8)
    featT_flat = feature.transpose(0, 2, 1).reshape(B * N, C)

    fidx, px, py, pz = _fps_call(xyz_t)
    p2 = jnp.stack([px, py, pz], axis=-1)

    featM_flat = _sc_gather1(featT_flat, fidx.reshape(B * M))
    featM = featM_flat.reshape(B, M, C)
    featM_T = featM.transpose(0, 2, 1)

    kg, km = _knn_call(featM, featM_T)
    gf_flat, fnb_flat = _sc_gather2(featT_flat, kg.reshape(-1),
                                    featM_flat, km.reshape(-1))
    gf = gf_flat.reshape(B, _K, M, C)
    fnb = fnb_flat.reshape(B, _K, M, C)

    feats_t = _dense_call(gf, fnb, sW1, sb1.reshape(1, -1), sW2,
                          sb2.reshape(1, -1), weightbank)
    out = _bn_call(feats_t, gamma.reshape(1, OUT, 1),
                   beta.reshape(1, OUT, 1))
    return (p2, out)

# --- scband reference (transcript-rebuilt; emitter-appended) ---
"""Pipeline reference for scband-down-4054449128183 (READ-ONLY COPY).

The authoritative reference and input builder live on the scoring server;
editing this copy changes nothing except your own understanding.
"""

import jax, jax.numpy as jnp
import numpy as np

STRIDE = 4
M_MAT = 8
K_NN = 16


def fps(xyz, M):
    B, N, _ = xyz.shape
    def body(i, carry):
        dist, idxs, far = carry
        idxs = idxs.at[:, i].set(far)
        centroid = jnp.take_along_axis(xyz, far[:, None, None], axis=1)
        d = jnp.sum((xyz - centroid) ** 2, axis=-1)
        dist = jnp.minimum(dist, d)
        far = jnp.argmax(dist, axis=-1).astype(jnp.int32)
        return dist, idxs, far
    dist0 = jnp.full((B, N), 1e10, dtype=xyz.dtype)
    idxs0 = jnp.zeros((B, M), dtype=jnp.int32)
    far0 = jnp.zeros((B,), dtype=jnp.int32)
    _, idxs, _ = jax.lax.fori_loop(0, M, body, (dist0, idxs0, far0))
    return idxs


def setup_inputs(seed: int = 0) -> dict:
    key = jax.random.key(seed)
    ks = jax.random.split(key, 8)
    B, N, C, OUT = 2, 8192, 64, 64
    xyz = jax.random.normal(ks[0], (B, N, 3), dtype=jnp.float32)
    feature = jax.random.normal(ks[1], (B, C, N), dtype=jnp.float32)
    weightbank = jax.random.normal(ks[2], (C, M_MAT * OUT), dtype=jnp.float32) * np.sqrt(2.0 / C)
    sW1 = jax.random.normal(ks[3], (C, 16), dtype=jnp.float32) * np.sqrt(2.0 / C)
    sb1 = jnp.zeros((16,), dtype=jnp.float32)
    sW2 = jax.random.normal(ks[4], (16, M_MAT), dtype=jnp.float32) * np.sqrt(2.0 / 16)
    sb2 = jnp.zeros((M_MAT,), dtype=jnp.float32)
    gamma = jnp.ones((OUT,), dtype=jnp.float32)
    beta = jnp.zeros((OUT,), dtype=jnp.float32)
    return {"xyz": xyz, "feature": feature, "weightbank": weightbank,
            "sW1": sW1, "sb1": sb1, "sW2": sW2, "sb2": sb2,
            "gamma": gamma, "beta": beta}


def reference(xyz, feature, weightbank, sW1, sb1, sW2, sb2, gamma, beta):
    B, N, _ = xyz.shape
    M = N // STRIDE
    # furthest point sampling on xyz
    fidx = fps(xyz, M)  # [B, M] int32
    p2 = jnp.take_along_axis(xyz, fidx[:, :, None].astype(jnp.int32), axis=1)  # [B, M, 3]
    feat = jnp.take_along_axis(feature, fidx[:, None, :], axis=2)  # [B, C, M]
    # knn in feature space (as in torch: pairwise = -||xi-xj||^2, topk)
    inner = -2.0 * jnp.matmul(feat.transpose(0, 2, 1), feat)
    xx = jnp.sum(feat ** 2, axis=1, keepdims=True)  # [B, 1, M]
    pd = -xx - inner - xx.transpose(0, 2, 1)
    _, kidx = jax.lax.top_k(pd, K_NN)  # [B, M, K]
    # grouping: gather neighbor features from original feature tensor
    grouped = jax.vmap(lambda f, ix: f[:, ix])(feature, kidx)  # [B, C, M, K]
    gf = grouped.transpose(0, 2, 3, 1)  # [B, M, K, C]
    # PAConv ScoreNet: MLP -> softmax over m weight matrices
    h = jax.nn.relu(gf @ sW1 + sb1)
    scores = jax.nn.softmax(h @ sW2 + sb2, axis=-1)  # [B, M, K, m]
    # feat_trans_pointnet
    x_trans = jnp.matmul(feat.transpose(0, 2, 1), weightbank).reshape(B, M, M_MAT, -1)  # [B, M, m, out]
    # assemble: gather transformed neighbor feats, weight by scores, sum over k and m
    gathered = jax.vmap(lambda xt, ix: xt[ix])(x_trans, kidx)  # [B, M, K, m, out]
    feats = jnp.einsum('bikm,bikmo->bio', scores, gathered)  # [B, M, out]
    feats = feats.transpose(0, 2, 1)  # [B, out, M]
    # BatchNorm1d (training-mode batch stats) + ReLU
    mean = jnp.mean(feats, axis=(0, 2), keepdims=True)
    var = jnp.var(feats, axis=(0, 2), keepdims=True)
    xn = (feats - mean) / jnp.sqrt(var + 1e-5)
    out = gamma[None, :, None] * xn + beta[None, :, None]
    new_features = jax.nn.relu(out)
    return (p2, new_features)

if __name__ == "__main__":
    import jax
    _d = setup_inputs()
    print(jax.jit(kernel)(*tuple(_d.values())))

</pallas_src>

<mosaic_0001>
#map = affine_map<(d0, d1) -> (0, 0)>
#map1 = affine_map<(d0, d1) -> (0)>
module attributes {stable_mosaic.version = 14 : i64} {
  func.func @k(%arg0: i32, %arg1: i32, %arg2: memref<16384x64xf32, #tpu.memory_space<hbm>>, %arg3: memref<4096xi32, #tpu.memory_space<hbm>>, %arg4: memref<4096x64xf32, #tpu.memory_space<hbm>>, %arg5: memref<128xi32, #tpu.memory_space<vmem>>, %arg6: memref<128x64xf32, #tpu.memory_space<vmem>>, %arg7: memref<!tpu.dma_semaphore, #tpu.memory_space<semaphore_mem>>) attributes {dimension_semantics = [#tpu.dimension_semantics<core_parallel>, #tpu.dimension_semantics<subcore_parallel>], iteration_bounds = array<i64: 2, 16>, scalar_prefetch = 0 : i64, scratch_operands = 3 : i64, tpu.core_type = #tpu.core_type<sc_vector_subcore>, window_params = [{transform_indices = #map}, {transform_indices = #map1}, {transform_indices = #map}]} {
    %mul3A = arith.constant 2 : i32
    %mul3A_0 = arith.muli %arg1, %mul3A : i32
    %add3A = arith.addi %mul3A_0, %arg0 : i32
    %scan3A = arith.constant 0 : i32
    %scan3A_1 = arith.constant 0 : i32
    %mul3A_2 = arith.constant 128 : i32
    %mul3A_3 = arith.muli %add3A, %mul3A_2 : i32
    %mul3A_4 = arith.constant 128 : i32
    %mul3A_5 = arith.muli %scan3A_1, %mul3A_4 : i32
    %add3A_6 = arith.addi %mul3A_3, %mul3A_5 : i32
    "tpu.region"() ({
      %run_scoped3A = tpu.sem_alloc : memref<!tpu.dma_semaphore, #tpu.memory_space<semaphore_mem>>
      %dma_start3A_13 = tpu.memref_slice %arg3[%add3A_6] : memref<4096xi32, #tpu.memory_space<hbm>> -> memref<128xi32, #tpu.memory_space<hbm>>
      %dma_start3A_14 = tpu.memref_slice %arg3[%add3A_6] : memref<4096xi32, #tpu.memory_space<hbm>> -> memref<128xi32, #tpu.memory_space<hbm>>
      tpu.enqueue_dma source(%dma_start3A_14 : memref<128xi32, #tpu.memory_space<hbm>>) target(%arg5 : memref<128xi32, #tpu.memory_space<vmem>>) target_semaphore(%run_scoped3A : memref<!tpu.dma_semaphore, #tpu.memory_space<semaphore_mem>>)
      %dma_wait3A_15 = tpu.memref_slice %arg3[%add3A_6] : memref<4096xi32, #tpu.memory_space<hbm>> -> memref<128xi32, #tpu.memory_space<hbm>>
      %dma_wait3A_16 = tpu.memref_slice %arg3[%add3A_6] : memref<4096xi32, #tpu.memory_space<hbm>> -> memref<128xi32, #tpu.memory_space<hbm>>
      tpu.wait_dma2 semaphore(%run_scoped3A : memref<!tpu.dma_semaphore, #tpu.memory_space<semaphore_mem>>) src(%dma_wait3A_16 : memref<128xi32, #tpu.memory_space<hbm>>) dst(%arg5 : memref<128xi32, #tpu.memory_space<vmem>>)
      tpu.yield
    }) : () -> ()
    %dma_start3A = arith.constant 0 : i32
    %dma_start3A_7 = arith.constant 0 : i32
    %dma_start3A_8 = tpu.memref_slice %arg2[%dma_start3A, %dma_start3A_7] : memref<16384x64xf32, #tpu.memory_space<hbm>> -> memref<16384x64xf32, #tpu.memory_space<hbm>>
    tpu.enqueue_indirect_dma source(%dma_start3A_8 : memref<16384x64xf32, #tpu.memory_space<hbm>>) target(%arg6 : memref<128x64xf32, #tpu.memory_space<vmem>>) offsets(%arg5 : memref<128xi32, #tpu.memory_space<vmem>>) semaphore(%arg7 : memref<!tpu.dma_semaphore, #tpu.memory_space<semaphore_mem>>)
    %dma_wait3A = arith.constant 0 : i32
    %dma_wait3A_9 = arith.constant 0 : i32
    %dma_wait3A_10 = tpu.memref_slice %arg2[%dma_wait3A, %dma_wait3A_9] : memref<16384x64xf32, #tpu.memory_space<hbm>> -> memref<16384x64xf32, #tpu.memory_space<hbm>>
    tpu.wait_indirect_dma semaphore(%arg7 : memref<!tpu.dma_semaphore, #tpu.memory_space<semaphore_mem>>) src(%dma_wait3A_10 : memref<16384x64xf32, #tpu.memory_space<hbm>>) dst(%arg6 : memref<128x64xf32, #tpu.memory_space<vmem>>)
    "tpu.region"() ({
      %run_scoped3A = tpu.sem_alloc : memref<!tpu.dma_semaphore, #tpu.memory_space<semaphore_mem>>
      %dma_start3A_13 = arith.constant 0 : i32
      %dma_start3A_14 = tpu.memref_slice %arg4[%add3A_6, %dma_start3A_13] : memref<4096x64xf32, #tpu.memory_space<hbm>> -> memref<128x64xf32, #tpu.memory_space<hbm>>
      %dma_start3A_15 = arith.constant 0 : i32
      %dma_start3A_16 = tpu.memref_slice %arg4[%add3A_6, %dma_start3A_15] : memref<4096x64xf32, #tpu.memory_space<hbm>> -> memref<128x64xf32, #tpu.memory_space<hbm>>
      tpu.enqueue_dma source(%arg6 : memref<128x64xf32, #tpu.memory_space<vmem>>) target(%dma_start3A_16 : memref<128x64xf32, #tpu.memory_space<hbm>>) target_semaphore(%run_scoped3A : memref<!tpu.dma_semaphore, #tpu.memory_space<semaphore_mem>>)
      %dma_wait3A_17 = arith.constant 0 : i32
      %dma_wait3A_18 = tpu.memref_slice %arg4[%add3A_6, %dma_wait3A_17] : memref<4096x64xf32, #tpu.memory_space<hbm>> -> memref<128x64xf32, #tpu.memory_space<hbm>>
      %dma_wait3A_19 = arith.constant 0 : i32
      %dma_wait3A_20 = tpu.memref_slice %arg4[%add3A_6, %dma_wait3A_19] : memref<4096x64xf32, #tpu.memory_space<hbm>> -> memref<128x64xf32, #tpu.memory_space<hbm>>
      tpu.wait_dma2 semaphore(%run_scoped3A : memref<!tpu.dma_semaphore, #tpu.memory_space<semaphore_mem>>) src(%arg6 : memref<128x64xf32, #tpu.memory_space<vmem>>) dst(%dma_wait3A_20 : memref<128x64xf32, #tpu.memory_space<hbm>>)
      tpu.yield
    }) : () -> ()
    %scan3A_11 = arith.constant 0 : i32
    %scan3A_12 = arith.constant 1 : i32
    return
  }
}

#map = affine_map<(d0, d1) -> (0, 0)>
#map1 = affine_map<(d0, d1) -> (0)>
module attributes {stable_mosaic.version = 14 : i64} {
  func.func @k(%arg0: i32, %arg1: i32, %arg2: memref<16384x64xf32, #tpu.memory_space<hbm>>, %arg3: memref<65536xi32, #tpu.memory_space<hbm>>, %arg4: memref<4096x64xf32, #tpu.memory_space<hbm>>, %arg5: memref<65536xi32, #tpu.memory_space<hbm>>, %arg6: memref<65536x64xf32, #tpu.memory_space<hbm>>, %arg7: memref<65536x64xf32, #tpu.memory_space<hbm>>, %arg8: memref<2048xi32, #tpu.memory_space<vmem>>, %arg9: memref<2048xi32, #tpu.memory_space<vmem>>, %arg10: memref<1024x64xf32, #tpu.memory_space<vmem>>, %arg11: memref<!tpu.dma_semaphore, #tpu.memory_space<semaphore_mem>>) attributes {dimension_semantics = [#tpu.dimension_semantics<core_parallel>, #tpu.dimension_semantics<subcore_parallel>], iteration_bounds = array<i64: 2, 16>, scalar_prefetch = 0 : i64, scratch_operands = 4 : i64, tpu.core_type = #tpu.core_type<sc_vector_subcore>, window_params = [{transform_indices = #map}, {transform_indices = #map1}, {transform_indices = #map}, {transform_indices = #map1}, {transform_indices = #map}, {transform_indices = #map}]} {
    %mul3A = arith.constant 2 : i32
    %mul3A_0 = arith.muli %arg1, %mul3A : i32
    %add3A = arith.addi %mul3A_0, %arg0 : i32
    %mul3A_1 = arith.constant 2048 : i32
    %mul3A_2 = arith.muli %add3A, %mul3A_1 : i32
    "tpu.region"() ({
      %run_scoped3A = tpu.sem_alloc : memref<!tpu.dma_semaphore, #tpu.memory_space<semaphore_mem>>
      %dma_start3A = tpu.memref_slice %arg3[%mul3A_2] : memref<65536xi32, #tpu.memory_space<hbm>> -> memref<2048xi32, #tpu.memory_space<hbm>>
      %dma_start3A_22 = tpu.memref_slice %arg3[%mul3A_2] : memref<65536xi32, #tpu.memory_space<hbm>> -> memref<2048xi32, #tpu.memory_space<hbm>>
      tpu.enqueue_dma source(%dma_start3A_22 : memref<2048xi32, #tpu.memory_space<hbm>>) target(%arg8 : memref<2048xi32, #tpu.memory_space<vmem>>) target_semaphore(%run_scoped3A : memref<!tpu.dma_semaphore, #tpu.memory_space<semaphore_mem>>)
      %dma_wait3A = tpu.memref_slice %arg3[%mul3A_2] : memref<65536xi32, #tpu.memory_space<hbm>> -> memref<2048xi32, #tpu.memory_space<hbm>>
      %dma_wait3A_23 = tpu.memref_slice %arg3[%mul3A_2] : memref<65536xi32, #tpu.memory_space<hbm>> -> memref<2048xi32, #tpu.memory_space<hbm>>
      tpu.wait_dma2 semaphore(%run_scoped3A : memref<!tpu.dma_semaphore, #tpu.memory_space<semaphore_mem>>) src(%dma_wait3A_23 : memref<2048xi32, #tpu.memory_space<hbm>>) dst(%arg8 : memref<2048xi32, #tpu.memory_space<vmem>>)
      tpu.yield
    }) : () -> ()
    %mul3A_3 = arith.constant 2048 : i32
    %mul3A_4 = arith.muli %add3A, %mul3A_3 : i32
    "tpu.region"() ({
      %run_scoped3A = tpu.sem_alloc : memref<!tpu.dma_semaphore, #tpu.memory_space<semaphore_mem>>
      %dma_start3A = tpu.memref_slice %arg5[%mul3A_4] : memref<65536xi32, #tpu.memory_space<hbm>> -> memref<2048xi32, #tpu.memory_space<hbm>>
      %dma_start3A_22 = tpu.memref_slice %arg5[%mul3A_4] : memref<65536xi32, #tpu.memory_space<hbm>> -> memref<2048xi32, #tpu.memory_space<hbm>>
      tpu.enqueue_dma source(%dma_start3A_22 : memref<2048xi32, #tpu.memory_space<hbm>>) target(%arg9 : memref<2048xi32, #tpu.memory_space<vmem>>) target_semaphore(%run_scoped3A : memref<!tpu.dma_semaphore, #tpu.memory_space<semaphore_mem>>)
      %dma_wait3A = tpu.memref_slice %arg5[%mul3A_4] : memref<65536xi32, #tpu.memory_space<hbm>> -> memref<2048xi32, #tpu.memory_space<hbm>>
      %dma_wait3A_23 = tpu.memref_slice %arg5[%mul3A_4] : memref<65536xi32, #tpu.memory_space<hbm>> -> memref<2048xi32, #tpu.memory_space<hbm>>
      tpu.wait_dma2 semaphore(%run_scoped3A : memref<!tpu.dma_semaphore, #tpu.memory_space<semaphore_mem>>) src(%dma_wait3A_23 : memref<2048xi32, #tpu.memory_space<hbm>>) dst(%arg9 : memref<2048xi32, #tpu.memory_space<vmem>>)
      tpu.yield
    }) : () -> ()
    %mul3A_5 = arith.constant 2048 : i32
    %mul3A_6 = arith.muli %add3A, %mul3A_5 : i32
    %scan3A = arith.constant 0 : i32
    %scan3A_7 = arith.constant 0 : i32
    %scan3A_8 = arith.constant 2 : i32
    %scan3A_9 = arith.addi %scan3A_7, %scan3A_8 : i32
    %scan3A_10 = arith.constant 1 : i32
    %scan3A_11 = scf.for %scan3A_22 = %scan3A_7 to %scan3A_9 step %scan3A_10 iter_args(%scan3A_23 = %scan3A) -> (i32)  : i32 {
      %mul3A_24 = arith.constant 1024 : i32
      %mul3A_25 = arith.muli %scan3A_22, %mul3A_24 : i32
      %add3A_26 = arith.constant 0 : i32
      %add3A_27 = arith.addi %mul3A_25, %add3A_26 : i32
      %dma_start3A = arith.constant 0 : i32
      %dma_start3A_28 = arith.constant 0 : i32
      %dma_start3A_29 = tpu.memref_slice %arg10[%dma_start3A, %dma_start3A_28] : memref<1024x64xf32, #tpu.memory_space<vmem>> -> memref<128x64xf32, #tpu.memory_space<vmem>>
      %dma_start3A_30 = tpu.memref_slice %arg8[%add3A_27] : memref<2048xi32, #tpu.memory_space<vmem>> -> memref<128xi32, #tpu.memory_space<vmem>>
      %dma_start3A_31 = arith.constant 0 : i32
      %dma_start3A_32 = arith.constant 0 : i32
      %dma_start3A_33 = tpu.memref_slice %arg2[%dma_start3A_31, %dma_start3A_32] : memref<16384x64xf32, #tpu.memory_space<hbm>> -> memref<16384x64xf32, #tpu.memory_space<hbm>>
      tpu.enqueue_indirect_dma source(%dma_start3A_33 : memref<16384x64xf32, #tpu.memory_space<hbm>>) target(%dma_start3A_29 : memref<128x64xf32, #tpu.memory_space<vmem>>) offsets(%dma_start3A_30 : memref<128xi32, #tpu.memory_space<vmem>>) semaphore(%arg11 : memref<!tpu.dma_semaphore, #tpu.memory_space<semaphore_mem>>)
      %add3A_34 = arith.constant 128 : i32
      %add3A_35 = arith.addi %mul3A_25, %add3A_34 : i32
      %dma_start3A_36 = arith.constant 128 : i32
      %dma_start3A_37 = arith.constant 0 : i32
      %dma_start3A_38 = tpu.memref_slice %arg10[%dma_start3A_36, %dma_start3A_37] : memref<1024x64xf32, #tpu.memory_space<vmem>> -> memref<128x64xf32, #tpu.memory_space<vmem>>
      %dma_start3A_39 = tpu.memref_slice %arg8[%add3A_35] : memref<2048xi32, #tpu.memory_space<vmem>> -> memref<128xi32, #tpu.memory_space<vmem>>
      %dma_start3A_40 = arith.constant 0 : i32
      %dma_start3A_41 = arith.constant 0 : i32
      %dma_start3A_42 = tpu.memref_slice %arg2[%dma_start3A_40, %dma_start3A_41] : memref<16384x64xf32, #tpu.memory_space<hbm>> -> memref<16384x64xf32, #tpu.memory_space<hbm>>
      tpu.enqueue_indirect_dma source(%dma_start3A_42 : memref<16384x64xf32, #tpu.memory_space<hbm>>) target(%dma_start3A_38 : memref<128x64xf32, #tpu.memory_space<vmem>>) offsets(%dma_start3A_39 : memref<128xi32, #tpu.memory_space<vmem>>) semaphore(%arg11 : memref<!tpu.dma_semaphore, #tpu.memory_space<semaphore_mem>>)
      %add3A_43 = arith.constant 256 : i32
      %add3A_44 = arith.addi %mul3A_25, %add3A_43 : i32
      %dma_start3A_45 = arith.constant 256 : i32
      %dma_start3A_46 = arith.constant 0 : i32
      %dma_start3A_47 = tpu.memref_slice %arg10[%dma_start3A_45, %dma_start3A_46] : memref<1024x64xf32, #tpu.memory_space<vmem>> -> memref<128x64xf32, #tpu.memory_space<vmem>>
      %dma_start3A_48 = tpu.memref_slice %arg8[%add3A_44] : memref<2048xi32, #tpu.memory_space<vmem>> -> memref<128xi32, #tpu.memory_space<vmem>>
      %dma_start3A_49 = arith.constant 0 : i32
      %dma_start3A_50 = arith.constant 0 : i32
      %dma_start3A_51 = tpu.memref_slice %arg2[%dma_start3A_49, %dma_start3A_50] : memref<16384x64xf32, #tpu.memory_space<hbm>> -> memref<16384x64xf32, #tpu.memory_space<hbm>>
      tpu.enqueue_indirect_dma source(%dma_start3A_51 : memref<16384x64xf32, #tpu.memory_space<hbm>>) target(%dma_start3A_47 : memref<128x64xf32, #tpu.memory_space<vmem>>) offsets(%dma_start3A_48 : memref<128xi32, #tpu.memory_space<vmem>>) semaphore(%arg11 : memref<!tpu.dma_semaphore, #tpu.memory_space<semaphore_mem>>)
      %add3A_52 = arith.constant 384 : i32
      %add3A_53 = arith.addi %mul3A_25, %add3A_52 : i32
      %dma_start3A_54 = arith.constant 384 : i32
      %dma_start3A_55 = arith.constant 0 : i32
      %dma_start3A_56 = tpu.memref_slice %arg10[%dma_start3A_54, %dma_start3A_55] : memref<1024x64xf32, #tpu.memory_space<vmem>> -> memref<128x64xf32, #tpu.memory_space<vmem>>
      %dma_start3A_57 = tpu.memref_slice %arg8[%add3A_53] : memref<2048xi32, #tpu.memory_space<vmem>> -> memref<128xi32, #tpu.memory_space<vmem>>
      %dma_start3A_58 = arith.constant 0 : i32
      %dma_start3A_59 = arith.constant 0 : i32
      %dma_start3A_60 = tpu.memref_slice %arg2[%dma_start3A_58, %dma_start3A_59] : memref<16384x64xf32, #tpu.memory_space<hbm>> -> memref<16384x64xf32, #tpu.memory_space<hbm>>
      tpu.enqueue_indirect_dma source(%dma_start3A_60 : memref<16384x64xf32, #tpu.memory_space<hbm>>) target(%dma_start3A_56 : memref<128x64xf32, #tpu.memory_space<vmem>>) offsets(%dma_start3A_57 : memref<128xi32, #tpu.memory_space<vmem>>) semaphore(%arg11 : memref<!tpu.dma_semaphore, #tpu.memory_space<semaphore_mem>>)
      %add3A_61 = arith.constant 512 : i32
      %add3A_62 = arith.addi %mul3A_25, %add3A_61 : i32
      %dma_start3A_63 = arith.constant 512 : i32
      %dma_start3A_64 = arith.constant 0 : i32
      %dma_start3A_65 = tpu.memref_slice %arg10[%dma_start3A_63, %dma_start3A_64] : memref<1024x64xf32, #tpu.memory_space<vmem>> -> memref<128x64xf32, #tpu.memory_space<vmem>>
      %dma_start3A_66 = tpu.memref_slice %arg8[%add3A_62] : memref<2048xi32, #tpu.memory_space<vmem>> -> memref<128xi32, #tpu.memory_space<vmem>>
      %dma_start3A_67 = arith.constant 0 : i32
      %dma_start3A_68 = arith.constant 0 : i32
      %dma_start3A_69 = tpu.memref_slice %arg2[%dma_start3A_67, %dma_start3A_68] : memref<16384x64xf32, #tpu.memory_space<hbm>> -> memref<16384x64xf32, #tpu.memory_space<hbm>>
      tpu.enqueue_indirect_dma source(%dma_start3A_69 : memref<16384x64xf32, #tpu.memory_space<hbm>>) target(%dma_start3A_65 : memref<128x64xf32, #tpu.memory_space<vmem>>) offsets(%dma_start3A_66 : memref<128xi32, #tpu.memory_space<vmem>>) semaphore(%arg11 : memref<!tpu.dma_semaphore, #tpu.memory_space<semaphore_mem>>)
      %add3A_70 = arith.constant 640 : i32
      %add3A_71 = arith.addi %mul3A_25, %add3A_70 : i32
      %dma_start3A_72 = arith.constant 640 : i32
      %dma_start3A_73 = arith.constant 0 : i32
      %dma_start3A_74 = tpu.memref_slice %arg10[%dma_start3A_72, %dma_start3A_73] : memref<1024x64xf32, #tpu.memory_space<vmem>> -> memref<128x64xf32, #tpu.memory_space<vmem>>
      %dma_start3A_75 = tpu.memref_slice %arg8[%add3A_71] : memref<2048xi32, #tpu.memory_space<vmem>> -> memref<128xi32, #tpu.memory_space<vmem>>
      %dma_start3A_76 = arith.constant 0 : i32
      %dma_start3A_77 = arith.constant 0 : i32
      %dma_start3A_78 = tpu.memref_slice %arg2[%dma_start3A_76, %dma_start3A_77] : memref<16384x64xf32, #tpu.memory_space<hbm>> -> memref<16384x64xf32, #tpu.memory_space<hbm>>
      tpu.enqueue_indirect_dma source(%dma_start3A_78 : memref<16384x64xf32, #tpu.memory_space<hbm>>) target(%dma_start3A_74 : memref<128x64xf32, #tpu.memory_space<vmem>>) offsets(%dma_start3A_75 : memref<128xi32, #tpu.memory_space<vmem>>) semaphore(%arg11 : memref<!tpu.dma_semaphore, #tpu.memory_space<semaphore_mem>>)
      %add3A_79 = arith.constant 768 : i32
      %add3A_80 = arith.addi %mul3A_25, %add3A_79 : i32
      %dma_start3A_81 = arith.constant 768 : i32
      %dma_start3A_82 = arith.constant 0 : i32
      %dma_start3A_83 = tpu.memref_slice %arg10[%dma_start3A_81, %dma_start3A_82] : memref<1024x64xf32, #tpu.memory_space<vmem>> -> memref<128x64xf32, #tpu.memory_space<vmem>>
      %dma_start3A_84 = tpu.memref_slice %arg8[%add3A_80] : memref<2048xi32, #tpu.memory_space<vmem>> -> memref<128xi32, #tpu.memory_space<vmem>>
      %dma_start3A_85 = arith.constant 0 : i32
      %dma_start3A_86 = arith.constant 0 : i32
      %dma_start3A_87 = tpu.memref_slice %arg2[%dma_start3A_85, %dma_start3A_86] : memref<16384x64xf32, #tpu.memory_space<hbm>> -> memref<16384x64xf32, #tpu.memory_space<hbm>>
      tpu.enqueue_indirect_dma source(%dma_start3A_87 : memref<16384x64xf32, #tpu.memory_space<hbm>>) target(%dma_start3A_83 : memref<128x64xf32, #tpu.memory_space<vmem>>) offsets(%dma_start3A_84 : memref<128xi32, #tpu.memory_space<vmem>>) semaphore(%arg11 : memref<!tpu.dma_semaphore, #tpu.memory_space<semaphore_mem>>)
      %add3A_88 = arith.constant 896 : i32
      %add3A_89 = arith.addi %mul3A_25, %add3A_88 : i32
      %dma_start3A_90 = arith.constant 896 : i32
      %dma_start3A_91 = arith.constant 0 : i32
      %dma_start3A_92 = tpu.memref_slice %arg10[%dma_start3A_90, %dma_start3A_91] : memref<1024x64xf32, #tpu.memory_space<vmem>> -> memref<128x64xf32, #tpu.memory_space<vmem>>
      %dma_start3A_93 = tpu.memref_slice %arg8[%add3A_89] : memref<2048xi32, #tpu.memory_space<vmem>> -> memref<128xi32, #tpu.memory_space<vmem>>
      %dma_start3A_94 = arith.constant 0 : i32
      %dma_start3A_95 = arith.constant 0 : i32
      %dma_start3A_96 = tpu.memref_slice %arg2[%dma_start3A_94, %dma_start3A_95] : memref<16384x64xf32, #tpu.memory_space<hbm>> -> memref<16384x64xf32, #tpu.memory_space<hbm>>
      tpu.enqueue_indirect_dma source(%dma_start3A_96 : memref<16384x64xf32, #tpu.memory_space<hbm>>) target(%dma_start3A_92 : memref<128x64xf32, #tpu.memory_space<vmem>>) offsets(%dma_start3A_93 : memref<128xi32, #tpu.memory_space<vmem>>) semaphore(%arg11 : memref<!tpu.dma_semaphore, #tpu.memory_space<semaphore_mem>>)
      %dma_wait3A = arith.constant 0 : i32
      %dma_wait3A_97 = arith.constant 0 : i32
      %dma_wait3A_98 = tpu.memref_slice %arg10[%dma_wait3A, %dma_wait3A_97] : memref<1024x64xf32, #tpu.memory_space<vmem>> -> memref<128x64xf32, #tpu.memory_space<vmem>>
      %dma_wait3A_99 = tpu.memref_slice %arg8[%add3A_27] : memref<2048xi32, #tpu.memory_space<vmem>> -> memref<128xi32, #tpu.memory_space<vmem>>
      %dma_wait3A_100 = arith.constant 0 : i32
      %dma_wait3A_101 = arith.constant 0 : i32
      %dma_wait3A_102 = tpu.memref_slice %arg2[%dma_wait3A_100, %dma_wait3A_101] : memref<16384x64xf32, #tpu.memory_space<hbm>> -> memref<16384x64xf32, #tpu.memory_space<hbm>>
      tpu.wait_indirect_dma semaphore(%arg11 : memref<!tpu.dma_semaphore, #tpu.memory_space<semaphore_mem>>) src(%dma_wait3A_102 : memref<16384x64xf32, #tpu.memory_space<hbm>>) dst(%dma_wait3A_98 : memref<128x64xf32, #tpu.memory_space<vmem>>)
      %dma_wait3A_103 = arith.constant 128 : i32
      %dma_wait3A_104 = arith.constant 0 : i32
      %dma_wait3A_105 = tpu.memref_slice %arg10[%dma_wait3A_103, %dma_wait3A_104] : memref<1024x64xf32, #tpu.memory_space<vmem>> -> memref<128x64xf32, #tpu.memory_space<vmem>>
      %dma_wait3A_106 = tpu.memref_slice %arg8[%add3A_35] : memref<2048xi32, #tpu.memory_space<vmem>> -> memref<128xi32, #tpu.memory_space<vmem>>
      %dma_wait3A_107 = arith.constant 0 : i32
      %dma_wait3A_108 = arith.constant 0 : i32
      %dma_wait3A_109 = tpu.memref_slice %arg2[%dma_wait3A_107, %dma_wait3A_108] : memref<16384x64xf32, #tpu.memory_space<hbm>> -> memref<16384x64xf32, #tpu.memory_space<hbm>>
      tpu.wait_indirect_dma semaphore(%arg11 : memref<!tpu.dma_semaphore, #tpu.memory_space<semaphore_mem>>) src(%dma_wait3A_109 : memref<16384x64xf32, #tpu.memory_space<hbm>>) dst(%dma_wait3A_105 : memref<128x64xf32, #tpu.memory_space<vmem>>)
      %dma_wait3A_110 = arith.constant 256 : i32
      %dma_wait3A_111 = arith.constant 0 : i32
      %dma_wait3A_112 = tpu.memref_slice %arg10[%dma_wait3A_110, %dma_wait3A_111] : memref<1024x64xf32, #tpu.memory_space<vmem>> -> memref<128x64xf32, #tpu.memory_space<vmem>>
      %dma_wait3A_113 = tpu.memref_slice %arg8[%add3A_44] : memref<2048xi32, #tpu.memory_space<vmem>> -> memref<128xi32, #tpu.memory_space<vmem>>
      %dma_wait3A_114 = arith.constant 0 : i32
      %dma_wait3A_115 = arith.constant 0 : i32
      %dma_wait3A_116 = tpu.memref_slice %arg2[%dma_wait3A_114, %dma_wait3A_115] : memref<16384x64xf32, #tpu.memory_space<hbm>> -> memref<16384x64xf32, #tpu.memory_space<hbm>>
      tpu.wait_indirect_dma semaphore(%arg11 : memref<!tpu.dma_semaphore, #tpu.memory_space<semaphore_mem>>) src(%dma_wait3A_116 : memref<16384x64xf32, #tpu.memory_space<hbm>>) dst(%dma_wait3A_112 : memref<128x64xf32, #tpu.memory_space<vmem>>)
      %dma_wait3A_117 = arith.constant 384 : i32
      %dma_wait3A_118 = arith.constant 0 : i32
      %dma_wait3A_119 = tpu.memref_slice %arg10[%dma_wait3A_117, %dma_wait3A_118] : memref<1024x64xf32, #tpu.memory_space<vmem>> -> memref<128x64xf32, #tpu.memory_space<vmem>>
      %dma_wait3A_120 = tpu.memref_slice %arg8[%add3A_53] : memref<2048xi32, #tpu.memory_space<vmem>> -> memref<128xi32, #tpu.memory_space<vmem>>
      %dma_wait3A_121 = arith.constant 0 : i32
      %dma_wait3A_122 = arith.constant 0 : i32
      %dma_wait3A_123 = tpu.memref_slice %arg2[%dma_wait3A_121, %dma_wait3A_122] : memref<16384x64xf32, #tpu.memory_space<hbm>> -> memref<16384x64xf32, #tpu.memory_space<hbm>>
      tpu.wait_indirect_dma semaphore(%arg11 : memref<!tpu.dma_semaphore, #tpu.memory_space<semaphore_mem>>) src(%dma_wait3A_123 : memref<16384x64xf32, #tpu.memory_space<hbm>>) dst(%dma_wait3A_119 : memref<128x64xf32, #tpu.memory_space<vmem>>)
      %dma_wait3A_124 = arith.constant 512 : i32
      %dma_wait3A_125 = arith.constant 0 : i32
      %dma_wait3A_126 = tpu.memref_slice %arg10[%dma_wait3A_124, %dma_wait3A_125] : memref<1024x64xf32, #tpu.memory_space<vmem>> -> memref<128x64xf32, #tpu.memory_space<vmem>>
      %dma_wait3A_127 = tpu.memref_slice %arg8[%add3A_62] : memref<2048xi32, #tpu.memory_space<vmem>> -> memref<128xi32, #tpu.memory_space<vmem>>
      %dma_wait3A_128 = arith.constant 0 : i32
      %dma_wait3A_129 = arith.constant 0 : i32
      %dma_wait3A_130 = tpu.memref_slice %arg2[%dma_wait3A_128, %dma_wait3A_129] : memref<16384x64xf32, #tpu.memory_space<hbm>> -> memref<16384x64xf32, #tpu.memory_space<hbm>>
      tpu.wait_indirect_dma semaphore(%arg11 : memref<!tpu.dma_semaphore, #tpu.memory_space<semaphore_mem>>) src(%dma_wait3A_130 : memref<16384x64xf32, #tpu.memory_space<hbm>>) dst(%dma_wait3A_126 : memref<128x64xf32, #tpu.memory_space<vmem>>)
      %dma_wait3A_131 = arith.constant 640 : i32
      %dma_wait3A_132 = arith.constant 0 : i32
      %dma_wait3A_133 = tpu.memref_slice %arg10[%dma_wait3A_131, %dma_wait3A_132] : memref<1024x64xf32, #tpu.memory_space<vmem>> -> memref<128x64xf32, #tpu.memory_space<vmem>>
      %dma_wait3A_134 = tpu.memref_slice %arg8[%add3A_71] : memref<2048xi32, #tpu.memory_space<vmem>> -> memref<128xi32, #tpu.memory_space<vmem>>
      %dma_wait3A_135 = arith.constant 0 : i32
      %dma_wait3A_136 = arith.constant 0 : i32
      %dma_wait3A_137 = tpu.memref_slice %arg2[%dma_wait3A_135, %dma_wait3A_136] : memref<16384x64xf32, #tpu.memory_space<hbm>> -> memref<16384x64xf32, #tpu.memory_space<hbm>>
      tpu.wait_indirect_dma semaphore(%arg11 : memref<!tpu.dma_semaphore, #tpu.memory_space<semaphore_mem>>) src(%dma_wait3A_137 : memref<16384x64xf32, #tpu.memory_space<hbm>>) dst(%dma_wait3A_133 : memref<128x64xf32, #tpu.memory_space<vmem>>)
      %dma_wait3A_138 = arith.constant 768 : i32
      %dma_wait3A_139 = arith.constant 0 : i32
      %dma_wait3A_140 = tpu.memref_slice %arg10[%dma_wait3A_138, %dma_wait3A_139] : memref<1024x64xf32, #tpu.memory_space<vmem>> -> memref<128x64xf32, #tpu.memory_space<vmem>>
      %dma_wait3A_141 = tpu.memref_slice %arg8[%add3A_80] : memref<2048xi32, #tpu.memory_space<vmem>> -> memref<128xi32, #tpu.memory_space<vmem>>
      %dma_wait3A_142 = arith.constant 0 : i32
      %dma_wait3A_143 = arith.constant 0 : i32
      %dma_wait3A_144 = tpu.memref_slice %arg2[%dma_wait3A_142, %dma_wait3A_143] : memref<16384x64xf32, #tpu.memory_space<hbm>> -> memref<16384x64xf32, #tpu.memory_space<hbm>>
      tpu.wait_indirect_dma semaphore(%arg11 : memref<!tpu.dma_semaphore, #tpu.memory_space<semaphore_mem>>) src(%dma_wait3A_144 : memref<16384x64xf32, #tpu.memory_space<hbm>>) dst(%dma_wait3A_140 : memref<128x64xf32, #tpu.memory_space<vmem>>)
      %dma_wait3A_145 = arith.constant 896 : i32
      %dma_wait3A_146 = arith.constant 0 : i32
      %dma_wait3A_147 = tpu.memref_slice %arg10[%dma_wait3A_145, %dma_wait3A_146] : memref<1024x64xf32, #tpu.memory_space<vmem>> -> memref<128x64xf32, #tpu.memory_space<vmem>>
      %dma_wait3A_148 = tpu.memref_slice %arg8[%add3A_89] : memref<2048xi32, #tpu.memory_space<vmem>> -> memref<128xi32, #tpu.memory_space<vmem>>
      %dma_wait3A_149 = arith.constant 0 : i32
      %dma_wait3A_150 = arith.constant 0 : i32
      %dma_wait3A_151 = tpu.memref_slice %arg2[%dma_wait3A_149, %dma_wait3A_150] : memref<16384x64xf32, #tpu.memory_space<hbm>> -> memref<16384x64xf32, #tpu.memory_space<hbm>>
      tpu.wait_indirect_dma semaphore(%arg11 : memref<!tpu.dma_semaphore, #tpu.memory_space<semaphore_mem>>) src(%dma_wait3A_151 : memref<16384x64xf32, #tpu.memory_space<hbm>>) dst(%dma_wait3A_147 : memref<128x64xf32, #tpu.memory_space<vmem>>)
      %add3A_152 = arith.addi %mul3A_6, %mul3A_25 : i32
      "tpu.region"() ({
        %run_scoped3A = tpu.sem_alloc : memref<!tpu.dma_semaphore, #tpu.memory_space<semaphore_mem>>
        %dma_start3A_154 = arith.constant 0 : i32
        %dma_start3A_155 = tpu.memref_slice %arg6[%add3A_152, %dma_start3A_154] : memref<65536x64xf32, #tpu.memory_space<hbm>> -> memref<1024x64xf32, #tpu.memory_space<hbm>>
        %dma_start3A_156 = arith.constant 0 : i32
        %dma_start3A_157 = tpu.memref_slice %arg6[%add3A_152, %dma_start3A_156] : memref<65536x64xf32, #tpu.memory_space<hbm>> -> memref<1024x64xf32, #tpu.memory_space<hbm>>
        tpu.enqueue_dma source(%arg10 : memref<1024x64xf32, #tpu.memory_space<vmem>>) target(%dma_start3A_157 : memref<1024x64xf32, #tpu.memory_space<hbm>>) target_semaphore(%run_scoped3A : memref<!tpu.dma_semaphore, #tpu.memory_space<semaphore_mem>>)
        %dma_wait3A_158 = arith.constant 0 : i32
        %dma_wait3A_159 = tpu.memref_slice %arg6[%add3A_152, %dma_wait3A_158] : memref<65536x64xf32, #tpu.memory_space<hbm>> -> memref<1024x64xf32, #tpu.memory_space<hbm>>
        %dma_wait3A_160 = arith.constant 0 : i32
        %dma_wait3A_161 = tpu.memref_slice %arg6[%add3A_152, %dma_wait3A_160] : memref<65536x64xf32, #tpu.memory_space<hbm>> -> memref<1024x64xf32, #tpu.memory_space<hbm>>
        tpu.wait_dma2 semaphore(%run_scoped3A : memref<!tpu.dma_semaphore, #tpu.memory_space<semaphore_mem>>) src(%arg10 : memref<1024x64xf32, #tpu.memory_space<vmem>>) dst(%dma_wait3A_161 : memref<1024x64xf32, #tpu.memory_space<hbm>>)
        tpu.yield
      }) : () -> ()
      %scan3A_153 = arith.constant 0 : i32
      scf.yield %scan3A_153 : i32
    }
    %scan3A_12 = arith.constant 2 : i32
    %mul3A_13 = arith.constant 2048 : i32
    %mul3A_14 = arith.muli %add3A, %mul3A_13 : i32
    %scan3A_15 = arith.constant 0 : i32
    %scan3A_16 = arith.constant 0 : i32
    %scan3A_17 = arith.constant 2 : i32
    %scan3A_18 = arith.addi %scan3A_16, %scan3A_17 : i32
    %scan3A_19 = arith.constant 1 : i32
    %scan3A_20 = scf.for %scan3A_22 = %scan3A_16 to %scan3A_18 step %scan3A_19 iter_args(%scan3A_23 = %scan3A_15) -> (i32)  : i32 {
      %mul3A_24 = arith.constant 1024 : i32
      %mul3A_25 = arith.muli %scan3A_22, %mul3A_24 : i32
      %add3A_26 = arith.constant 0 : i32
      %add3A_27 = arith.addi %mul3A_25, %add3A_26 : i32
      %dma_start3A = arith.constant 0 : i32
      %dma_start3A_28 = arith.constant 0 : i32
      %dma_start3A_29 = tpu.memref_slice %arg10[%dma_start3A, %dma_start3A_28] : memref<1024x64xf32, #tpu.memory_space<vmem>> -> memref<128x64xf32, #tpu.memory_space<vmem>>
      %dma_start3A_30 = tpu.memref_slice %arg9[%add3A_27] : memref<2048xi32, #tpu.memory_space<vmem>> -> memref<128xi32, #tpu.memory_space<vmem>>
      %dma_start3A_31 = arith.constant 0 : i32
      %dma_start3A_32 = arith.constant 0 : i32
      %dma_start3A_33 = tpu.memref_slice %arg4[%dma_start3A_31, %dma_start3A_32] : memref<4096x64xf32, #tpu.memory_space<hbm>> -> memref<4096x64xf32, #tpu.memory_space<hbm>>
      tpu.enqueue_indirect_dma source(%dma_start3A_33 : memref<4096x64xf32, #tpu.memory_space<hbm>>) target(%dma_start3A_29 : memref<128x64xf32, #tpu.memory_space<vmem>>) offsets(%dma_start3A_30 : memref<128xi32, #tpu.memory_space<vmem>>) semaphore(%arg11 : memref<!tpu.dma_semaphore, #tpu.memory_space<semaphore_mem>>)
      %add3A_34 = arith.constant 128 : i32
      %add3A_35 = arith.addi %mul3A_25, %add3A_34 : i32
      %dma_start3A_36 = arith.constant 128 : i32
      %dma_start3A_37 = arith.constant 0 : i32
      %dma_start3A_38 = tpu.memref_slice %arg10[%dma_start3A_36, %dma_start3A_37] : memref<1024x64xf32, #tpu.memory_space<vmem>> -> memref<128x64xf32, #tpu.memory_space<vmem>>
      %dma_start3A_39 = tpu.memref_slice %arg9[%add3A_35] : memref<2048xi32, #tpu.memory_space<vmem>> -> memref<128xi32, #tpu.memory_space<vmem>>
      %dma_start3A_40 = arith.constant 0 : i32
      %dma_start3A_41 = arith.constant 0 : i32
      %dma_start3A_42 = tpu.memref_slice %arg4[%dma_start3A_40, %dma_start3A_41] : memref<4096x64xf32, #tpu.memory_space<hbm>> -> memref<4096x64xf32, #tpu.memory_space<hbm>>
      tpu.enqueue_indirect_dma source(%dma_start3A_42 : memref<4096x64xf32, #tpu.memory_space<hbm>>) target(%dma_start3A_38 : memref<128x64xf32, #tpu.memory_space<vmem>>) offsets(%dma_start3A_39 : memref<128xi32, #tpu.memory_space<vmem>>) semaphore(%arg11 : memref<!tpu.dma_semaphore, #tpu.memory_space<semaphore_mem>>)
      %add3A_43 = arith.constant 256 : i32
      %add3A_44 = arith.addi %mul3A_25, %add3A_43 : i32
      %dma_start3A_45 = arith.constant 256 : i32
      %dma_start3A_46 = arith.constant 0 : i32
      %dma_start3A_47 = tpu.memref_slice %arg10[%dma_start3A_45, %dma_start3A_46] : memref<1024x64xf32, #tpu.memory_space<vmem>> -> memref<128x64xf32, #tpu.memory_space<vmem>>
      %dma_start3A_48 = tpu.memref_slice %arg9[%add3A_44] : memref<2048xi32, #tpu.memory_space<vmem>> -> memref<128xi32, #tpu.memory_space<vmem>>
      %dma_start3A_49 = arith.constant 0 : i32
      %dma_start3A_50 = arith.constant 0 : i32
      %dma_start3A_51 = tpu.memref_slice %arg4[%dma_start3A_49, %dma_start3A_50] : memref<4096x64xf32, #tpu.memory_space<hbm>> -> memref<4096x64xf32, #tpu.memory_space<hbm>>
      tpu.enqueue_indirect_dma source(%dma_start3A_51 : memref<4096x64xf32, #tpu.memory_space<hbm>>) target(%dma_start3A_47 : memref<128x64xf32, #tpu.memory_space<vmem>>) offsets(%dma_start3A_48 : memref<128xi32, #tpu.memory_space<vmem>>) semaphore(%arg11 : memref<!tpu.dma_semaphore, #tpu.memory_space<semaphore_mem>>)
      %add3A_52 = arith.constant 384 : i32
      %add3A_53 = arith.addi %mul3A_25, %add3A_52 : i32
      %dma_start3A_54 = arith.constant 384 : i32
      %dma_start3A_55 = arith.constant 0 : i32
      %dma_start3A_56 = tpu.memref_slice %arg10[%dma_start3A_54, %dma_start3A_55] : memref<1024x64xf32, #tpu.memory_space<vmem>> -> memref<128x64xf32, #tpu.memory_space<vmem>>
      %dma_start3A_57 = tpu.memref_slice %arg9[%add3A_53] : memref<2048xi32, #tpu.memory_space<vmem>> -> memref<128xi32, #tpu.memory_space<vmem>>
      %dma_start3A_58 = arith.constant 0 : i32
      %dma_start3A_59 = arith.constant 0 : i32
      %dma_start3A_60 = tpu.memref_slice %arg4[%dma_start3A_58, %dma_start3A_59] : memref<4096x64xf32, #tpu.memory_space<hbm>> -> memref<4096x64xf32, #tpu.memory_space<hbm>>
      tpu.enqueue_indirect_dma source(%dma_start3A_60 : memref<4096x64xf32, #tpu.memory_space<hbm>>) target(%dma_start3A_56 : memref<128x64xf32, #tpu.memory_space<vmem>>) offsets(%dma_start3A_57 : memref<128xi32, #tpu.memory_space<vmem>>) semaphore(%arg11 : memref<!tpu.dma_semaphore, #tpu.memory_space<semaphore_mem>>)
      %add3A_61 = arith.constant 512 : i32
      %add3A_62 = arith.addi %mul3A_25, %add3A_61 : i32
      %dma_start3A_63 = arith.constant 512 : i32
      %dma_start3A_64 = arith.constant 0 : i32
      %dma_start3A_65 = tpu.memref_slice %arg10[%dma_start3A_63, %dma_start3A_64] : memref<1024x64xf32, #tpu.memory_space<vmem>> -> memref<128x64xf32, #tpu.memory_space<vmem>>
      %dma_start3A_66 = tpu.memref_slice %arg9[%add3A_62] : memref<2048xi32, #tpu.memory_space<vmem>> -> memref<128xi32, #tpu.memory_space<vmem>>
      %dma_start3A_67 = arith.constant 0 : i32
      %dma_start3A_68 = arith.constant 0 : i32
      %dma_start3A_69 = tpu.memref_slice %arg4[%dma_start3A_67, %dma_start3A_68] : memref<4096x64xf32, #tpu.memory_space<hbm>> -> memref<4096x64xf32, #tpu.memory_space<hbm>>
      tpu.enqueue_indirect_dma source(%dma_start3A_69 : memref<4096x64xf32, #tpu.memory_space<hbm>>) target(%dma_start3A_65 : memref<128x64xf32, #tpu.memory_space<vmem>>) offsets(%dma_start3A_66 : memref<128xi32, #tpu.memory_space<vmem>>) semaphore(%arg11 : memref<!tpu.dma_semaphore, #tpu.memory_space<semaphore_mem>>)
      %add3A_70 = arith.constant 640 : i32
      %add3A_71 = arith.addi %mul3A_25, %add3A_70 : i32
      %dma_start3A_72 = arith.constant 640 : i32
      %dma_start3A_73 = arith.constant 0 : i32
      %dma_start3A_74 = tpu.memref_slice %arg10[%dma_start3A_72, %dma_start3A_73] : memref<1024x64xf32, #tpu.memory_space<vmem>> -> memref<128x64xf32, #tpu.memory_space<vmem>>
      %dma_start3A_75 = tpu.memref_slice %arg9[%add3A_71] : memref<2048xi32, #tpu.memory_space<vmem>> -> memref<128xi32, #tpu.memory_space<vmem>>
      %dma_start3A_76 = arith.constant 0 : i32
      %dma_start3A_77 = arith.constant 0 : i32
      %dma_start3A_78 = tpu.memref_slice %arg4[%dma_start3A_76, %dma_start3A_77] : memref<4096x64xf32, #tpu.memory_space<hbm>> -> memref<4096x64xf32, #tpu.memory_space<hbm>>
      tpu.enqueue_indirect_dma source(%dma_start3A_78 : memref<4096x64xf32, #tpu.memory_space<hbm>>) target(%dma_start3A_74 : memref<128x64xf32, #tpu.memory_space<vmem>>) offsets(%dma_start3A_75 : memref<128xi32, #tpu.memory_space<vmem>>) semaphore(%arg11 : memref<!tpu.dma_semaphore, #tpu.memory_space<semaphore_mem>>)
      %add3A_79 = arith.constant 768 : i32
      %add3A_80 = arith.addi %mul3A_25, %add3A_79 : i32
      %dma_start3A_81 = arith.constant 768 : i32
      %dma_start3A_82 = arith.constant 0 : i32
      %dma_start3A_83 = tpu.memref_slice %arg10[%dma_start3A_81, %dma_start3A_82] : memref<1024x64xf32, #tpu.memory_space<vmem>> -> memref<128x64xf32, #tpu.memory_space<vmem>>
      %dma_start3A_84 = tpu.memref_slice %arg9[%add3A_80] : memref<2048xi32, #tpu.memory_space<vmem>> -> memref<128xi32, #tpu.memory_space<vmem>>
      %dma_start3A_85 = arith.constant 0 : i32
      %dma_start3A_86 = arith.constant 0 : i32
      %dma_start3A_87 = tpu.memref_slice %arg4[%dma_start3A_85, %dma_start3A_86] : memref<4096x64xf32, #tpu.memory_space<hbm>> -> memref<4096x64xf32, #tpu.memory_space<hbm>>
      tpu.enqueue_indirect_dma source(%dma_start3A_87 : memref<4096x64xf32, #tpu.memory_space<hbm>>) target(%dma_start3A_83 : memref<128x64xf32, #tpu.memory_space<vmem>>) offsets(%dma_start3A_84 : memref<128xi32, #tpu.memory_space<vmem>>) semaphore(%arg11 : memref<!tpu.dma_semaphore, #tpu.memory_space<semaphore_mem>>)
      %add3A_88 = arith.constant 896 : i32
      %add3A_89 = arith.addi %mul3A_25, %add3A_88 : i32
      %dma_start3A_90 = arith.constant 896 : i32
      %dma_start3A_91 = arith.constant 0 : i32
      %dma_start3A_92 = tpu.memref_slice %arg10[%dma_start3A_90, %dma_start3A_91] : memref<1024x64xf32, #tpu.memory_space<vmem>> -> memref<128x64xf32, #tpu.memory_space<vmem>>
      %dma_start3A_93 = tpu.memref_slice %arg9[%add3A_89] : memref<2048xi32, #tpu.memory_space<vmem>> -> memref<128xi32, #tpu.memory_space<vmem>>
      %dma_start3A_94 = arith.constant 0 : i32
      %dma_start3A_95 = arith.constant 0 : i32
      %dma_start3A_96 = tpu.memref_slice %arg4[%dma_start3A_94, %dma_start3A_95] : memref<4096x64xf32, #tpu.memory_space<hbm>> -> memref<4096x64xf32, #tpu.memory_space<hbm>>
      tpu.enqueue_indirect_dma source(%dma_start3A_96 : memref<4096x64xf32, #tpu.memory_space<hbm>>) target(%dma_start3A_92 : memref<128x64xf32, #tpu.memory_space<vmem>>) offsets(%dma_start3A_93 : memref<128xi32, #tpu.memory_space<vmem>>) semaphore(%arg11 : memref<!tpu.dma_semaphore, #tpu.memory_space<semaphore_mem>>)
      %dma_wait3A = arith.constant 0 : i32
      %dma_wait3A_97 = arith.constant 0 : i32
      %dma_wait3A_98 = tpu.memref_slice %arg10[%dma_wait3A, %dma_wait3A_97] : memref<1024x64xf32, #tpu.memory_space<vmem>> -> memref<128x64xf32, #tpu.memory_space<vmem>>
      %dma_wait3A_99 = tpu.memref_slice %arg9[%add3A_27] : memref<2048xi32, #tpu.memory_space<vmem>> -> memref<128xi32, #tpu.memory_space<vmem>>
      %dma_wait3A_100 = arith.constant 0 : i32
      %dma_wait3A_101 = arith.constant 0 : i32
      %dma_wait3A_102 = tpu.memref_slice %arg4[%dma_wait3A_100, %dma_wait3A_101] : memref<4096x64xf32, #tpu.memory_space<hbm>> -> memref<4096x64xf32, #tpu.memory_space<hbm>>
      tpu.wait_indirect_dma semaphore(%arg11 : memref<!tpu.dma_semaphore, #tpu.memory_space<semaphore_mem>>) src(%dma_wait3A_102 : memref<4096x64xf32, #tpu.memory_space<hbm>>) dst(%dma_wait3A_98 : memref<128x64xf32, #tpu.memory_space<vmem>>)
      %dma_wait3A_103 = arith.constant 128 : i32
      %dma_wait3A_104 = arith.constant 0 : i32
      %dma_wait3A_105 = tpu.memref_slice %arg10[%dma_wait3A_103, %dma_wait3A_104] : memref<1024x64xf32, #tpu.memory_space<vmem>> -> memref<128x64xf32, #tpu.memory_space<vmem>>
      %dma_wait3A_106 = tpu.memref_slice %arg9[%add3A_35] : memref<2048xi32, #tpu.memory_space<vmem>> -> memref<128xi32, #tpu.memory_space<vmem>>
      %dma_wait3A_107 = arith.constant 0 : i32
      %dma_wait3A_108 = arith.constant 0 : i32
      %dma_wait3A_109 = tpu.memref_slice %arg4[%dma_wait3A_107, %dma_wait3A_108] : memref<4096x64xf32, #tpu.memory_space<hbm>> -> memref<4096x64xf32, #tpu.memory_space<hbm>>
      tpu.wait_indirect_dma semaphore(%arg11 : memref<!tpu.dma_semaphore, #tpu.memory_space<semaphore_mem>>) src(%dma_wait3A_109 : memref<4096x64xf32, #tpu.memory_space<hbm>>) dst(%dma_wait3A_105 : memref<128x64xf32, #tpu.memory_space<vmem>>)
      %dma_wait3A_110 = arith.constant 256 : i32
      %dma_wait3A_111 = arith.constant 0 : i32
      %dma_wait3A_112 = tpu.memref_slice %arg10[%dma_wait3A_110, %dma_wait3A_111] : memref<1024x64xf32, #tpu.memory_space<vmem>> -> memref<128x64xf32, #tpu.memory_space<vmem>>
      %dma_wait3A_113 = tpu.memref_slice %arg9[%add3A_44] : memref<2048xi32, #tpu.memory_space<vmem>> -> memref<128xi32, #tpu.memory_space<vmem>>
      %dma_wait3A_114 = arith.constant 0 : i32
      %dma_wait3A_115 = arith.constant 0 : i32
      %dma_wait3A_116 = tpu.memref_slice %arg4[%dma_wait3A_114, %dma_wait3A_115] : memref<4096x64xf32, #tpu.memory_space<hbm>> -> memref<4096x64xf32, #tpu.memory_space<hbm>>
      tpu.wait_indirect_dma semaphore(%arg11 : memref<!tpu.dma_semaphore, #tpu.memory_space<semaphore_mem>>) src(%dma_wait3A_116 : memref<4096x64xf32, #tpu.memory_space<hbm>>) dst(%dma_wait3A_112 : memref<128x64xf32, #tpu.memory_space<vmem>>)
      %dma_wait3A_117 = arith.constant 384 : i32
      %dma_wait3A_118 = arith.constant 0 : i32
      %dma_wait3A_119 = tpu.memref_slice %arg10[%dma_wait3A_117, %dma_wait3A_118] : memref<1024x64xf32, #tpu.memory_space<vmem>> -> memref<128x64xf32, #tpu.memory_space<vmem>>
      %dma_wait3A_120 = tpu.memref_slice %arg9[%add3A_53] : memref<2048xi32, #tpu.memory_space<vmem>> -> memref<128xi32, #tpu.memory_space<vmem>>
      %dma_wait3A_121 = arith.constant 0 : i32
      %dma_wait3A_122 = arith.constant 0 : i32
      %dma_wait3A_123 = tpu.memref_slice %arg4[%dma_wait3A_121, %dma_wait3A_122] : memref<4096x64xf32, #tpu.memory_space<hbm>> -> memref<4096x64xf32, #tpu.memory_space<hbm>>
      tpu.wait_indirect_dma semaphore(%arg11 : memref<!tpu.dma_semaphore, #tpu.memory_space<semaphore_mem>>) src(%dma_wait3A_123 : memref<4096x64xf32, #tpu.memory_space<hbm>>) dst(%dma_wait3A_119 : memref<128x64xf32, #tpu.memory_space<vmem>>)
      %dma_wait3A_124 = arith.constant 512 : i32
      %dma_wait3A_125 = arith.constant 0 : i32
      %dma_wait3A_126 = tpu.memref_slice %arg10[%dma_wait3A_124, %dma_wait3A_125] : memref<1024x64xf32, #tpu.memory_space<vmem>> -> memref<128x64xf32, #tpu.memory_space<vmem>>
      %dma_wait3A_127 = tpu.memref_slice %arg9[%add3A_62] : memref<2048xi32, #tpu.memory_space<vmem>> -> memref<128xi32, #tpu.memory_space<vmem>>
      %dma_wait3A_128 = arith.constant 0 : i32
      %dma_wait3A_129 = arith.constant 0 : i32
      %dma_wait3A_130 = tpu.memref_slice %arg4[%dma_wait3A_128, %dma_wait3A_129] : memref<4096x64xf32, #tpu.memory_space<hbm>> -> memref<4096x64xf32, #tpu.memory_space<hbm>>
      tpu.wait_indirect_dma semaphore(%arg11 : memref<!tpu.dma_semaphore, #tpu.memory_space<semaphore_mem>>) src(%dma_wait3A_130 : memref<4096x64xf32, #tpu.memory_space<hbm>>) dst(%dma_wait3A_126 : memref<128x64xf32, #tpu.memory_space<vmem>>)
      %dma_wait3A_131 = arith.constant 640 : i32
      %dma_wait3A_132 = arith.constant 0 : i32
      %dma_wait3A_133 = tpu.memref_slice %arg10[%dma_wait3A_131, %dma_wait3A_132] : memref<1024x64xf32, #tpu.memory_space<vmem>> -> memref<128x64xf32, #tpu.memory_space<vmem>>
      %dma_wait3A_134 = tpu.memref_slice %arg9[%add3A_71] : memref<2048xi32, #tpu.memory_space<vmem>> -> memref<128xi32, #tpu.memory_space<vmem>>
      %dma_wait3A_135 = arith.constant 0 : i32
      %dma_wait3A_136 = arith.constant 0 : i32
      %dma_wait3A_137 = tpu.memref_slice %arg4[%dma_wait3A_135, %dma_wait3A_136] : memref<4096x64xf32, #tpu.memory_space<hbm>> -> memref<4096x64xf32, #tpu.memory_space<hbm>>
      tpu.wait_indirect_dma semaphore(%arg11 : memref<!tpu.dma_semaphore, #tpu.memory_space<semaphore_mem>>) src(%dma_wait3A_137 : memref<4096x64xf32, #tpu.memory_space<hbm>>) dst(%dma_wait3A_133 : memref<128x64xf32, #tpu.memory_space<vmem>>)
      %dma_wait3A_138 = arith.constant 768 : i32
      %dma_wait3A_139 = arith.constant 0 : i32
      %dma_wait3A_140 = tpu.memref_slice %arg10[%dma_wait3A_138, %dma_wait3A_139] : memref<1024x64xf32, #tpu.memory_space<vmem>> -> memref<128x64xf32, #tpu.memory_space<vmem>>
      %dma_wait3A_141 = tpu.memref_slice %arg9[%add3A_80] : memref<2048xi32, #tpu.memory_space<vmem>> -> memref<128xi32, #tpu.memory_space<vmem>>
      %dma_wait3A_142 = arith.constant 0 : i32
      %dma_wait3A_143 = arith.constant 0 : i32
      %dma_wait3A_144 = tpu.memref_slice %arg4[%dma_wait3A_142, %dma_wait3A_143] : memref<4096x64xf32, #tpu.memory_space<hbm>> -> memref<4096x64xf32, #tpu.memory_space<hbm>>
      tpu.wait_indirect_dma semaphore(%arg11 : memref<!tpu.dma_semaphore, #tpu.memory_space<semaphore_mem>>) src(%dma_wait3A_144 : memref<4096x64xf32, #tpu.memory_space<hbm>>) dst(%dma_wait3A_140 : memref<128x64xf32, #tpu.memory_space<vmem>>)
      %dma_wait3A_145 = arith.constant 896 : i32
      %dma_wait3A_146 = arith.constant 0 : i32
      %dma_wait3A_147 = tpu.memref_slice %arg10[%dma_wait3A_145, %dma_wait3A_146] : memref<1024x64xf32, #tpu.memory_space<vmem>> -> memref<128x64xf32, #tpu.memory_space<vmem>>
      %dma_wait3A_148 = tpu.memref_slice %arg9[%add3A_89] : memref<2048xi32, #tpu.memory_space<vmem>> -> memref<128xi32, #tpu.memory_space<vmem>>
      %dma_wait3A_149 = arith.constant 0 : i32
      %dma_wait3A_150 = arith.constant 0 : i32
      %dma_wait3A_151 = tpu.memref_slice %arg4[%dma_wait3A_149, %dma_wait3A_150] : memref<4096x64xf32, #tpu.memory_space<hbm>> -> memref<4096x64xf32, #tpu.memory_space<hbm>>
      tpu.wait_indirect_dma semaphore(%arg11 : memref<!tpu.dma_semaphore, #tpu.memory_space<semaphore_mem>>) src(%dma_wait3A_151 : memref<4096x64xf32, #tpu.memory_space<hbm>>) dst(%dma_wait3A_147 : memref<128x64xf32, #tpu.memory_space<vmem>>)
      %add3A_152 = arith.addi %mul3A_14, %mul3A_25 : i32
      "tpu.region"() ({
        %run_scoped3A = tpu.sem_alloc : memref<!tpu.dma_semaphore, #tpu.memory_space<semaphore_mem>>
        %dma_start3A_154 = arith.constant 0 : i32
        %dma_start3A_155 = tpu.memref_slice %arg7[%add3A_152, %dma_start3A_154] : memref<65536x64xf32, #tpu.memory_space<hbm>> -> memref<1024x64xf32, #tpu.memory_space<hbm>>
        %dma_start3A_156 = arith.constant 0 : i32
        %dma_start3A_157 = tpu.memref_slice %arg7[%add3A_152, %dma_start3A_156] : memref<65536x64xf32, #tpu.memory_space<hbm>> -> memref<1024x64xf32, #tpu.memory_space<hbm>>
        tpu.enqueue_dma source(%arg10 : memref<1024x64xf32, #tpu.memory_space<vmem>>) target(%dma_start3A_157 : memref<1024x64xf32, #tpu.memory_space<hbm>>) target_semaphore(%run_scoped3A : memref<!tpu.dma_semaphore, #tpu.memory_space<semaphore_mem>>)
        %dma_wait3A_158 = arith.constant 0 : i32
        %dma_wait3A_159 = tpu.memref_slice %arg7[%add3A_152, %dma_wait3A_158] : memref<65536x64xf32, #tpu.memory_space<hbm>> -> memref<1024x64xf32, #tpu.memory_space<hbm>>
        %dma_wait3A_160 = arith.constant 0 : i32
        %dma_wait3A_161 = tpu.memref_slice %arg7[%add3A_152, %dma_wait3A_160] : memref<65536x64xf32, #tpu.memory_space<hbm>> -> memref<1024x64xf32, #tpu.memory_space<hbm>>
        tpu.wait_dma2 semaphore(%run_scoped3A : memref<!tpu.dma_semaphore, #tpu.memory_space<semaphore_mem>>) src(%arg10 : memref<1024x64xf32, #tpu.memory_space<vmem>>) dst(%dma_wait3A_161 : memref<1024x64xf32, #tpu.memory_space<hbm>>)
        tpu.yield
      }) : () -> ()
      %scan3A_153 = arith.constant 0 : i32
      scf.yield %scan3A_153 : i32
    }
    %scan3A_21 = arith.constant 2 : i32
    return
  }
}

module attributes {stable_mosaic.version = 14 : i64} {
  func.func @_fps_body(%arg0: memref<2x3x8x1024xf32, #tpu.memory_space<vmem>>, %arg1: memref<2x2048xi32, #tpu.memory_space<vmem>>, %arg2: memref<2x2048xf32, #tpu.memory_space<vmem>>, %arg3: memref<2x2048xf32, #tpu.memory_space<vmem>>, %arg4: memref<2x2048xf32, #tpu.memory_space<vmem>>) attributes {dimension_semantics = [], scalar_prefetch = 0 : i64, scratch_operands = 0 : i64, tpu.core_type = #tpu.core_type<tc>} {
    %get3A = arith.constant 0 : index
    %get3A_0 = arith.constant 0 : index
    %get3A_1 = arith.constant 0 : index
    %get3A_2 = arith.constant 0 : index
    %get3A_3 = vector.load %arg0[%get3A, %get3A_0, %get3A_1, %get3A_2] : memref<2x3x8x1024xf32, #tpu.memory_space<vmem>>, vector<2x1x8x1024xf32>
    %get3A_4 = vector.shape_cast %get3A_3 : vector<2x1x8x1024xf32> to vector<2x8x1024xf32>
    %get3A_5 = arith.constant 0 : index
    %get3A_6 = arith.constant 1 : index
    %get3A_7 = arith.constant 0 : index
    %get3A_8 = arith.constant 0 : index
    %get3A_9 = vector.load %arg0[%get3A_5, %get3A_6, %get3A_7, %get3A_8] : memref<2x3x8x1024xf32, #tpu.memory_space<vmem>>, vector<2x1x8x1024xf32>
    %get3A_10 = vector.shape_cast %get3A_9 : vector<2x1x8x1024xf32> to vector<2x8x1024xf32>
    %get3A_11 = arith.constant 0 : index
    %get3A_12 = arith.constant 2 : index
    %get3A_13 = arith.constant 0 : index
    %get3A_14 = arith.constant 0 : index
    %get3A_15 = vector.load %arg0[%get3A_11, %get3A_12, %get3A_13, %get3A_14] : memref<2x3x8x1024xf32, #tpu.memory_space<vmem>>, vector<2x1x8x1024xf32>
    %get3A_16 = vector.shape_cast %get3A_15 : vector<2x1x8x1024xf32> to vector<2x8x1024xf32>
    %iota3A = tpu.iota {dimensions = array<i32: 1>} : vector<2x8x1024xi32>
    %mul3A = arith.constant 1024 : i32
    %mul3A_17 = vector.broadcast %mul3A : i32 to vector<2x8x1024xi32>
    %mul3A_18 = arith.muli %iota3A, %mul3A_17 : vector<2x8x1024xi32>
    %iota3A_19 = tpu.iota {dimensions = array<i32: 2>} : vector<2x8x1024xi32>
    %add3A = arith.addi %mul3A_18, %iota3A_19 : vector<2x8x1024xi32>
    %iota3A_20 = tpu.iota {dimensions = array<i32: 0>} : vector<2x1xi32>
    %mul3A_21 = arith.constant 8192 : i32
    %mul3A_22 = vector.broadcast %mul3A_21 : i32 to vector<2x1xi32>
    %mul3A_23 = arith.muli %iota3A_20, %mul3A_22 : vector<2x1xi32>
    %iota3A_24 = tpu.iota {dimensions = array<i32: 1>} : vector<2x128xi32>
    %broadcast_in_dim3A = arith.constant 1.000000e+10 : f32
    %broadcast_in_dim3A_25 = vector.broadcast %broadcast_in_dim3A : f32 to vector<2x8x1024xf32>
    %broadcast_in_dim3A_26 = arith.constant 0 : i32
    %broadcast_in_dim3A_27 = vector.broadcast %broadcast_in_dim3A_26 : i32 to vector<2x1x1xi32>
    %slice3A = vector.extract_strided_slice %get3A_4 {offsets = [0, 0, 0], sizes = [2, 1, 1], strides = [1, 1, 1]} : vector<2x8x1024xf32> to vector<2x1x1xf32>
    %slice3A_28 = vector.extract_strided_slice %get3A_10 {offsets = [0, 0, 0], sizes = [2, 1, 1], strides = [1, 1, 1]} : vector<2x8x1024xf32> to vector<2x1x1xf32>
    %slice3A_29 = vector.extract_strided_slice %get3A_16 {offsets = [0, 0, 0], sizes = [2, 1, 1], strides = [1, 1, 1]} : vector<2x8x1024xf32> to vector<2x1x1xf32>
    %scan3A = arith.constant 0 : i32
    %scan3A_30 = arith.constant 16 : i32
    %scan3A_31 = arith.addi %scan3A, %scan3A_30 : i32
    %scan3A_32 = arith.constant 1 : i32
    %scan3A_33:5 = scf.for %scan3A_35 = %scan3A to %scan3A_31 step %scan3A_32 iter_args(%scan3A_36 = %broadcast_in_dim3A_25, %scan3A_37 = %broadcast_in_dim3A_27, %scan3A_38 = %slice3A, %scan3A_39 = %slice3A_28, %scan3A_40 = %slice3A_29) -> (vector<2x8x1024xf32>, vector<2x1x1xi32>, vector<2x1x1xf32>, vector<2x1x1xf32>, vector<2x1x1xf32>)  : i32 {
      %broadcast_in_dim3A_41 = arith.constant 0 : i32
      %broadcast_in_dim3A_42 = vector.broadcast %broadcast_in_dim3A_41 : i32 to vector<2x128xi32>
      %broadcast_in_dim3A_43 = arith.constant 0.000000e+00 : f32
      %broadcast_in_dim3A_44 = vector.broadcast %broadcast_in_dim3A_43 : f32 to vector<2x128xf32>
      %scan3A_45 = arith.constant 0 : i32
      %scan3A_46 = arith.constant 64 : i32
      %scan3A_47 = arith.addi %scan3A_45, %scan3A_46 : i32
      %scan3A_48 = arith.constant 1 : i32
      %scan3A_49:9 = scf.for %scan3A_64 = %scan3A_45 to %scan3A_47 step %scan3A_48 iter_args(%scan3A_65 = %scan3A_36, %scan3A_66 = %scan3A_37, %scan3A_67 = %scan3A_38, %scan3A_68 = %scan3A_39, %scan3A_69 = %scan3A_40, %scan3A_70 = %broadcast_in_dim3A_42, %scan3A_71 = %broadcast_in_dim3A_44, %scan3A_72 = %broadcast_in_dim3A_44, %scan3A_73 = %broadcast_in_dim3A_44) -> (vector<2x8x1024xf32>, vector<2x1x1xi32>, vector<2x1x1xf32>, vector<2x1x1xf32>, vector<2x1x1xf32>, vector<2x128xi32>, vector<2x128xf32>, vector<2x128xf32>, vector<2x128xf32>)  : i32 {
        %mul3A_74 = arith.constant 2 : i32
        %mul3A_75 = arith.muli %mul3A_74, %scan3A_64 : i32
        %add3A_76 = arith.constant 1 : i32
        %add3A_77 = arith.addi %mul3A_75, %add3A_76 : i32
        %mul3A_78 = arith.constant 2 : i32
        %mul3A_79 = arith.muli %mul3A_78, %scan3A_64 : i32
        %eq3A = vector.broadcast %mul3A_79 : i32 to vector<2x128xi32>
        %eq3A_80 = arith.cmpi eq, %iota3A_24, %eq3A : vector<2x128xi32>
        %squeeze3A = vector.shape_cast %scan3A_66 : vector<2x1x1xi32> to vector<2x1xi32>
        %add3A_81 = arith.addi %squeeze3A, %mul3A_23 : vector<2x1xi32>
        %broadcast_in_dim3A_82 = vector.shape_cast %add3A_81 : vector<2x1xi32> to vector<2x1xi32>
        %broadcast_in_dim3A_83 = vector.broadcast %broadcast_in_dim3A_82 : vector<2x1xi32> to vector<2x128xi32>
        %select_n3A = arith.select %eq3A_80, %broadcast_in_dim3A_83, %scan3A_70 : vector<2x128xi1>, vector<2x128xi32>
        %squeeze3A_84 = vector.shape_cast %scan3A_67 : vector<2x1x1xf32> to vector<2x1xf32>
        %broadcast_in_dim3A_85 = vector.shape_cast %squeeze3A_84 : vector<2x1xf32> to vector<2x1xf32>
        %broadcast_in_dim3A_86 = vector.broadcast %broadcast_in_dim3A_85 : vector<2x1xf32> to vector<2x128xf32>
        %select_n3A_87 = arith.select %eq3A_80, %broadcast_in_dim3A_86, %scan3A_71 : vector<2x128xi1>, vector<2x128xf32>
        %squeeze3A_88 = vector.shape_cast %scan3A_68 : vector<2x1x1xf32> to vector<2x1xf32>
        %broadcast_in_dim3A_89 = vector.shape_cast %squeeze3A_88 : vector<2x1xf32> to vector<2x1xf32>
        %broadcast_in_dim3A_90 = vector.broadcast %broadcast_in_dim3A_89 : vector<2x1xf32> to vector<2x128xf32>
        %select_n3A_91 = arith.select %eq3A_80, %broadcast_in_dim3A_90, %scan3A_72 : vector<2x128xi1>, vector<2x128xf32>
        %squeeze3A_92 = vector.shape_cast %scan3A_69 : vector<2x1x1xf32> to vector<2x1xf32>
        %broadcast_in_dim3A_93 = vector.shape_cast %squeeze3A_92 : vector<2x1xf32> to vector<2x1xf32>
        %broadcast_in_dim3A_94 = vector.broadcast %broadcast_in_dim3A_93 : vector<2x1xf32> to vector<2x128xf32>
        %select_n3A_95 = arith.select %eq3A_80, %broadcast_in_dim3A_94, %scan3A_73 : vector<2x128xi1>, vector<2x128xf32>
        %sub3A = vector.broadcast %scan3A_67 : vector<2x1x1xf32> to vector<2x8x1024xf32>
        %sub3A_96 = arith.subf %get3A_4, %sub3A : vector<2x8x1024xf32>
        %sub3A_97 = vector.broadcast %scan3A_68 : vector<2x1x1xf32> to vector<2x8x1024xf32>
        %sub3A_98 = arith.subf %get3A_10, %sub3A_97 : vector<2x8x1024xf32>
        %sub3A_99 = vector.broadcast %scan3A_69 : vector<2x1x1xf32> to vector<2x8x1024xf32>
        %sub3A_100 = arith.subf %get3A_16, %sub3A_99 : vector<2x8x1024xf32>
        %mul3A_101 = arith.mulf %sub3A_96, %sub3A_96 : vector<2x8x1024xf32>
        %mul3A_102 = arith.mulf %sub3A_98, %sub3A_98 : vector<2x8x1024xf32>
        %add3A_103 = arith.addf %mul3A_101, %mul3A_102 : vector<2x8x1024xf32>
        %mul3A_104 = arith.mulf %sub3A_100, %sub3A_100 : vector<2x8x1024xf32>
        %add3A_105 = arith.addf %add3A_103, %mul3A_104 : vector<2x8x1024xf32>
        %min3A = arith.minimumf %scan3A_65, %add3A_105 : vector<2x8x1024xf32>
        %slice3A_106 = vector.extract_strided_slice %min3A {offsets = [0, 0, 0], sizes = [2, 8, 512], strides = [1, 1, 1]} : vector<2x8x1024xf32> to vector<2x8x512xf32>
        %slice3A_107 = vector.extract_strided_slice %min3A {offsets = [0, 0, 512], sizes = [2, 8, 512], strides = [1, 1, 1]} : vector<2x8x1024xf32> to vector<2x8x512xf32>
        %slice3A_108 = vector.extract_strided_slice %add3A {offsets = [0, 0, 0], sizes = [2, 8, 512], strides = [1, 1, 1]} : vector<2x8x1024xi32> to vector<2x8x512xi32>
        %slice3A_109 = vector.extract_strided_slice %add3A {offsets = [0, 0, 512], sizes = [2, 8, 512], strides = [1, 1, 1]} : vector<2x8x1024xi32> to vector<2x8x512xi32>
        %gt3A = arith.cmpf ogt, %slice3A_106, %slice3A_107 : vector<2x8x512xf32>
        %eq3A_110 = arith.cmpf oeq, %slice3A_106, %slice3A_107 : vector<2x8x512xf32>
        %lt3A = arith.cmpi slt, %slice3A_108, %slice3A_109 : vector<2x8x512xi32>
        %and3A = arith.andi %eq3A_110, %lt3A : vector<2x8x512xi1>
        %or3A = arith.ori %gt3A, %and3A : vector<2x8x512xi1>
        %select_n3A_111 = arith.select %or3A, %slice3A_106, %slice3A_107 : vector<2x8x512xi1>, vector<2x8x512xf32>
        %select_n3A_112 = arith.select %or3A, %slice3A_108, %slice3A_109 : vector<2x8x512xi1>, vector<2x8x512xi32>
        %slice3A_113 = vector.extract_strided_slice %get3A_4 {offsets = [0, 0, 0], sizes = [2, 8, 512], strides = [1, 1, 1]} : vector<2x8x1024xf32> to vector<2x8x512xf32>
        %slice3A_114 = vector.extract_strided_slice %get3A_4 {offsets = [0, 0, 512], sizes = [2, 8, 512], strides = [1, 1, 1]} : vector<2x8x1024xf32> to vector<2x8x512xf32>
        %select_n3A_115 = arith.select %or3A, %slice3A_113, %slice3A_114 : vector<2x8x512xi1>, vector<2x8x512xf32>
        %slice3A_116 = vector.extract_strided_slice %get3A_10 {offsets = [0, 0, 0], sizes = [2, 8, 512], strides = [1, 1, 1]} : vector<2x8x1024xf32> to vector<2x8x512xf32>
        %slice3A_117 = vector.extract_strided_slice %get3A_10 {offsets = [0, 0, 512], sizes = [2, 8, 512], strides = [1, 1, 1]} : vector<2x8x1024xf32> to vector<2x8x512xf32>
        %select_n3A_118 = arith.select %or3A, %slice3A_116, %slice3A_117 : vector<2x8x512xi1>, vector<2x8x512xf32>
        %slice3A_119 = vector.extract_strided_slice %get3A_16 {offsets = [0, 0, 0], sizes = [2, 8, 512], strides = [1, 1, 1]} : vector<2x8x1024xf32> to vector<2x8x512xf32>
        %slice3A_120 = vector.extract_strided_slice %get3A_16 {offsets = [0, 0, 512], sizes = [2, 8, 512], strides = [1, 1, 1]} : vector<2x8x1024xf32> to vector<2x8x512xf32>
        %select_n3A_121 = arith.select %or3A, %slice3A_119, %slice3A_120 : vector<2x8x512xi1>, vector<2x8x512xf32>
        %slice3A_122 = vector.extract_strided_slice %select_n3A_111 {offsets = [0, 0, 0], sizes = [2, 8, 256], strides = [1, 1, 1]} : vector<2x8x512xf32> to vector<2x8x256xf32>
        %slice3A_123 = vector.extract_strided_slice %select_n3A_111 {offsets = [0, 0, 256], sizes = [2, 8, 256], strides = [1, 1, 1]} : vector<2x8x512xf32> to vector<2x8x256xf32>
        %slice3A_124 = vector.extract_strided_slice %select_n3A_112 {offsets = [0, 0, 0], sizes = [2, 8, 256], strides = [1, 1, 1]} : vector<2x8x512xi32> to vector<2x8x256xi32>
        %slice3A_125 = vector.extract_strided_slice %select_n3A_112 {offsets = [0, 0, 256], sizes = [2, 8, 256], strides = [1, 1, 1]} : vector<2x8x512xi32> to vector<2x8x256xi32>
        %gt3A_126 = arith.cmpf ogt, %slice3A_122, %slice3A_123 : vector<2x8x256xf32>
        %eq3A_127 = arith.cmpf oeq, %slice3A_122, %slice3A_123 : vector<2x8x256xf32>
        %lt3A_128 = arith.cmpi slt, %slice3A_124, %slice3A_125 : vector<2x8x256xi32>
        %and3A_129 = arith.andi %eq3A_127, %lt3A_128 : vector<2x8x256xi1>
        %or3A_130 = arith.ori %gt3A_126, %and3A_129 : vector<2x8x256xi1>
        %select_n3A_131 = arith.select %or3A_130, %slice3A_122, %slice3A_123 : vector<2x8x256xi1>, vector<2x8x256xf32>
        %select_n3A_132 = arith.select %or3A_130, %slice3A_124, %slice3A_125 : vector<2x8x256xi1>, vector<2x8x256xi32>
        %slice3A_133 = vector.extract_strided_slice %select_n3A_115 {offsets = [0, 0, 0], sizes = [2, 8, 256], strides = [1, 1, 1]} : vector<2x8x512xf32> to vector<2x8x256xf32>
        %slice3A_134 = vector.extract_strided_slice %select_n3A_115 {offsets = [0, 0, 256], sizes = [2, 8, 256], strides = [1, 1, 1]} : vector<2x8x512xf32> to vector<2x8x256xf32>
        %select_n3A_135 = arith.select %or3A_130, %slice3A_133, %slice3A_134 : vector<2x8x256xi1>, vector<2x8x256xf32>
        %slice3A_136 = vector.extract_strided_slice %select_n3A_118 {offsets = [0, 0, 0], sizes = [2, 8, 256], strides = [1, 1, 1]} : vector<2x8x512xf32> to vector<2x8x256xf32>
        %slice3A_137 = vector.extract_strided_slice %select_n3A_118 {offsets = [0, 0, 256], sizes = [2, 8, 256], strides = [1, 1, 1]} : vector<2x8x512xf32> to vector<2x8x256xf32>
        %select_n3A_138 = arith.select %or3A_130, %slice3A_136, %slice3A_137 : vector<2x8x256xi1>, vector<2x8x256xf32>
        %slice3A_139 = vector.extract_strided_slice %select_n3A_121 {offsets = [0, 0, 0], sizes = [2, 8, 256], strides = [1, 1, 1]} : vector<2x8x512xf32> to vector<2x8x256xf32>
        %slice3A_140 = vector.extract_strided_slice %select_n3A_121 {offsets = [0, 0, 256], sizes = [2, 8, 256], strides = [1, 1, 1]} : vector<2x8x512xf32> to vector<2x8x256xf32>
        %select_n3A_141 = arith.select %or3A_130, %slice3A_139, %slice3A_140 : vector<2x8x256xi1>, vector<2x8x256xf32>
        %slice3A_142 = vector.extract_strided_slice %select_n3A_131 {offsets = [0, 0, 0], sizes = [2, 8, 128], strides = [1, 1, 1]} : vector<2x8x256xf32> to vector<2x8x128xf32>
        %slice3A_143 = vector.extract_strided_slice %select_n3A_131 {offsets = [0, 0, 128], sizes = [2, 8, 128], strides = [1, 1, 1]} : vector<2x8x256xf32> to vector<2x8x128xf32>
        %slice3A_144 = vector.extract_strided_slice %select_n3A_132 {offsets = [0, 0, 0], sizes = [2, 8, 128], strides = [1, 1, 1]} : vector<2x8x256xi32> to vector<2x8x128xi32>
        %slice3A_145 = vector.extract_strided_slice %select_n3A_132 {offsets = [0, 0, 128], sizes = [2, 8, 128], strides = [1, 1, 1]} : vector<2x8x256xi32> to vector<2x8x128xi32>
        %gt3A_146 = arith.cmpf ogt, %slice3A_142, %slice3A_143 : vector<2x8x128xf32>
        %eq3A_147 = arith.cmpf oeq, %slice3A_142, %slice3A_143 : vector<2x8x128xf32>
        %lt3A_148 = arith.cmpi slt, %slice3A_144, %slice3A_145 : vector<2x8x128xi32>
        %and3A_149 = arith.andi %eq3A_147, %lt3A_148 : vector<2x8x128xi1>
        %or3A_150 = arith.ori %gt3A_146, %and3A_149 : vector<2x8x128xi1>
        %select_n3A_151 = arith.select %or3A_150, %slice3A_142, %slice3A_143 : vector<2x8x128xi1>, vector<2x8x128xf32>
        %select_n3A_152 = arith.select %or3A_150, %slice3A_144, %slice3A_145 : vector<2x8x128xi1>, vector<2x8x128xi32>
        %slice3A_153 = vector.extract_strided_slice %select_n3A_135 {offsets = [0, 0, 0], sizes = [2, 8, 128], strides = [1, 1, 1]} : vector<2x8x256xf32> to vector<2x8x128xf32>
        %slice3A_154 = vector.extract_strided_slice %select_n3A_135 {offsets = [0, 0, 128], sizes = [2, 8, 128], strides = [1, 1, 1]} : vector<2x8x256xf32> to vector<2x8x128xf32>
        %select_n3A_155 = arith.select %or3A_150, %slice3A_153, %slice3A_154 : vector<2x8x128xi1>, vector<2x8x128xf32>
        %slice3A_156 = vector.extract_strided_slice %select_n3A_138 {offsets = [0, 0, 0], sizes = [2, 8, 128], strides = [1, 1, 1]} : vector<2x8x256xf32> to vector<2x8x128xf32>
        %slice3A_157 = vector.extract_strided_slice %select_n3A_138 {offsets = [0, 0, 128], sizes = [2, 8, 128], strides = [1, 1, 1]} : vector<2x8x256xf32> to vector<2x8x128xf32>
        %select_n3A_158 = arith.select %or3A_150, %slice3A_156, %slice3A_157 : vector<2x8x128xi1>, vector<2x8x128xf32>
        %slice3A_159 = vector.extract_strided_slice %select_n3A_141 {offsets = [0, 0, 0], sizes = [2, 8, 128], strides = [1, 1, 1]} : vector<2x8x256xf32> to vector<2x8x128xf32>
        %slice3A_160 = vector.extract_strided_slice %select_n3A_141 {offsets = [0, 0, 128], sizes = [2, 8, 128], strides = [1, 1, 1]} : vector<2x8x256xf32> to vector<2x8x128xf32>
        %select_n3A_161 = arith.select %or3A_150, %slice3A_159, %slice3A_160 : vector<2x8x128xi1>, vector<2x8x128xf32>
        %reduce_max3A = arith.constant dense<0xFF800000> : vector<2x8xf32>
        %reduce_max3A_162 = vector.multi_reduction <maximumf>, %select_n3A_151, %reduce_max3A [2] : vector<2x8x128xf32> to vector<2x8xf32>
        %broadcast_in_dim3A_163 = vector.shape_cast %reduce_max3A_162 : vector<2x8xf32> to vector<2x8x1xf32>
        %reduce_max3A_164 = arith.constant dense<0xFF800000> : vector<2x1xf32>
        %reduce_max3A_165 = vector.multi_reduction <maximumf>, %broadcast_in_dim3A_163, %reduce_max3A_164 [1] : vector<2x8x1xf32> to vector<2x1xf32>
        %broadcast_in_dim3A_166 = vector.shape_cast %reduce_max3A_165 : vector<2x1xf32> to vector<2x1x1xf32>
        %eq3A_167 = vector.broadcast %broadcast_in_dim3A_166 : vector<2x1x1xf32> to vector<2x8x128xf32>
        %eq3A_168 = arith.cmpf oeq, %select_n3A_151, %eq3A_167 : vector<2x8x128xf32>
        %jit3A = arith.constant 8192 : i32
        %broadcast_in_dim3A_169 = vector.broadcast %jit3A : i32 to vector<2x8x128xi32>
        %select_n3A_170 = arith.select %eq3A_168, %select_n3A_152, %broadcast_in_dim3A_169 : vector<2x8x128xi1>, vector<2x8x128xi32>
        %reduce_min3A = arith.constant dense<2147483647> : vector<2x8xi32>
        %reduce_min3A_171 = vector.multi_reduction <minsi>, %select_n3A_170, %reduce_min3A [2] : vector<2x8x128xi32> to vector<2x8xi32>
        %broadcast_in_dim3A_172 = vector.shape_cast %reduce_min3A_171 : vector<2x8xi32> to vector<2x8x1xi32>
        %reduce_min3A_173 = arith.constant dense<2147483647> : vector<2x1xi32>
        %reduce_min3A_174 = vector.multi_reduction <minsi>, %broadcast_in_dim3A_172, %reduce_min3A_173 [1] : vector<2x8x1xi32> to vector<2x1xi32>
        %broadcast_in_dim3A_175 = vector.shape_cast %reduce_min3A_174 : vector<2x1xi32> to vector<2x1x1xi32>
        %eq3A_176 = vector.broadcast %broadcast_in_dim3A_175 : vector<2x1x1xi32> to vector<2x8x128xi32>
        %eq3A_177 = arith.cmpi eq, %select_n3A_152, %eq3A_176 : vector<2x8x128xi32>
        %jit3A_178 = arith.constant 0.000000e+00 : f32
        %broadcast_in_dim3A_179 = vector.broadcast %jit3A_178 : f32 to vector<2x8x128xf32>
        %select_n3A_180 = arith.select %eq3A_177, %select_n3A_155, %broadcast_in_dim3A_179 : vector<2x8x128xi1>, vector<2x8x128xf32>
        %reduce_sum3A = arith.constant dense<0.000000e+00> : vector<2x8xf32>
        %reduce_sum3A_181 = vector.multi_reduction <add>, %select_n3A_180, %reduce_sum3A [2] : vector<2x8x128xf32> to vector<2x8xf32>
        %broadcast_in_dim3A_182 = vector.shape_cast %reduce_sum3A_181 : vector<2x8xf32> to vector<2x8x1xf32>
        %reduce_sum3A_183 = arith.constant dense<0.000000e+00> : vector<2x1xf32>
        %reduce_sum3A_184 = vector.multi_reduction <add>, %broadcast_in_dim3A_182, %reduce_sum3A_183 [1] : vector<2x8x1xf32> to vector<2x1xf32>
        %broadcast_in_dim3A_185 = vector.shape_cast %reduce_sum3A_184 : vector<2x1xf32> to vector<2x1x1xf32>
        %jit3A_186 = arith.constant 0.000000e+00 : f32
        %broadcast_in_dim3A_187 = vector.broadcast %jit3A_186 : f32 to vector<2x8x128xf32>
        %select_n3A_188 = arith.select %eq3A_177, %select_n3A_158, %broadcast_in_dim3A_187 : vector<2x8x128xi1>, vector<2x8x128xf32>
        %reduce_sum3A_189 = arith.constant dense<0.000000e+00> : vector<2x8xf32>
        %reduce_sum3A_190 = vector.multi_reduction <add>, %select_n3A_188, %reduce_sum3A_189 [2] : vector<2x8x128xf32> to vector<2x8xf32>
        %broadcast_in_dim3A_191 = vector.shape_cast %reduce_sum3A_190 : vector<2x8xf32> to vector<2x8x1xf32>
        %reduce_sum3A_192 = arith.constant dense<0.000000e+00> : vector<2x1xf32>
        %reduce_sum3A_193 = vector.multi_reduction <add>, %broadcast_in_dim3A_191, %reduce_sum3A_192 [1] : vector<2x8x1xf32> to vector<2x1xf32>
        %broadcast_in_dim3A_194 = vector.shape_cast %reduce_sum3A_193 : vector<2x1xf32> to vector<2x1x1xf32>
        %jit3A_195 = arith.constant 0.000000e+00 : f32
        %broadcast_in_dim3A_196 = vector.broadcast %jit3A_195 : f32 to vector<2x8x128xf32>
        %select_n3A_197 = arith.select %eq3A_177, %select_n3A_161, %broadcast_in_dim3A_196 : vector<2x8x128xi1>, vector<2x8x128xf32>
        %reduce_sum3A_198 = arith.constant dense<0.000000e+00> : vector<2x8xf32>
        %reduce_sum3A_199 = vector.multi_reduction <add>, %select_n3A_197, %reduce_sum3A_198 [2] : vector<2x8x128xf32> to vector<2x8xf32>
        %broadcast_in_dim3A_200 = vector.shape_cast %reduce_sum3A_199 : vector<2x8xf32> to vector<2x8x1xf32>
        %reduce_sum3A_201 = arith.constant dense<0.000000e+00> : vector<2x1xf32>
        %reduce_sum3A_202 = vector.multi_reduction <add>, %broadcast_in_dim3A_200, %reduce_sum3A_201 [1] : vector<2x8x1xf32> to vector<2x1xf32>
        %broadcast_in_dim3A_203 = vector.shape_cast %reduce_sum3A_202 : vector<2x1xf32> to vector<2x1x1xf32>
        %eq3A_204 = vector.broadcast %add3A_77 : i32 to vector<2x128xi32>
        %eq3A_205 = arith.cmpi eq, %iota3A_24, %eq3A_204 : vector<2x128xi32>
        %squeeze3A_206 = vector.shape_cast %broadcast_in_dim3A_175 : vector<2x1x1xi32> to vector<2x1xi32>
        %add3A_207 = arith.addi %squeeze3A_206, %mul3A_23 : vector<2x1xi32>
        %broadcast_in_dim3A_208 = vector.shape_cast %add3A_207 : vector<2x1xi32> to vector<2x1xi32>
        %broadcast_in_dim3A_209 = vector.broadcast %broadcast_in_dim3A_208 : vector<2x1xi32> to vector<2x128xi32>
        %select_n3A_210 = arith.select %eq3A_205, %broadcast_in_dim3A_209, %select_n3A : vector<2x128xi1>, vector<2x128xi32>
        %squeeze3A_211 = vector.shape_cast %broadcast_in_dim3A_185 : vector<2x1x1xf32> to vector<2x1xf32>
        %broadcast_in_dim3A_212 = vector.shape_cast %squeeze3A_211 : vector<2x1xf32> to vector<2x1xf32>
        %broadcast_in_dim3A_213 = vector.broadcast %broadcast_in_dim3A_212 : vector<2x1xf32> to vector<2x128xf32>
        %select_n3A_214 = arith.select %eq3A_205, %broadcast_in_dim3A_213, %select_n3A_87 : vector<2x128xi1>, vector<2x128xf32>
        %squeeze3A_215 = vector.shape_cast %broadcast_in_dim3A_194 : vector<2x1x1xf32> to vector<2x1xf32>
        %broadcast_in_dim3A_216 = vector.shape_cast %squeeze3A_215 : vector<2x1xf32> to vector<2x1xf32>
        %broadcast_in_dim3A_217 = vector.broadcast %broadcast_in_dim3A_216 : vector<2x1xf32> to vector<2x128xf32>
        %select_n3A_218 = arith.select %eq3A_205, %broadcast_in_dim3A_217, %select_n3A_91 : vector<2x128xi1>, vector<2x128xf32>
        %squeeze3A_219 = vector.shape_cast %broadcast_in_dim3A_203 : vector<2x1x1xf32> to vector<2x1xf32>
        %broadcast_in_dim3A_220 = vector.shape_cast %squeeze3A_219 : vector<2x1xf32> to vector<2x1xf32>
        %broadcast_in_dim3A_221 = vector.broadcast %broadcast_in_dim3A_220 : vector<2x1xf32> to vector<2x128xf32>
        %select_n3A_222 = arith.select %eq3A_205, %broadcast_in_dim3A_221, %select_n3A_95 : vector<2x128xi1>, vector<2x128xf32>
        %sub3A_223 = vector.broadcast %broadcast_in_dim3A_185 : vector<2x1x1xf32> to vector<2x8x1024xf32>
        %sub3A_224 = arith.subf %get3A_4, %sub3A_223 : vector<2x8x1024xf32>
        %sub3A_225 = vector.broadcast %broadcast_in_dim3A_194 : vector<2x1x1xf32> to vector<2x8x1024xf32>
        %sub3A_226 = arith.subf %get3A_10, %sub3A_225 : vector<2x8x1024xf32>
        %sub3A_227 = vector.broadcast %broadcast_in_dim3A_203 : vector<2x1x1xf32> to vector<2x8x1024xf32>
        %sub3A_228 = arith.subf %get3A_16, %sub3A_227 : vector<2x8x1024xf32>
        %mul3A_229 = arith.mulf %sub3A_224, %sub3A_224 : vector<2x8x1024xf32>
        %mul3A_230 = arith.mulf %sub3A_226, %sub3A_226 : vector<2x8x1024xf32>
        %add3A_231 = arith.addf %mul3A_229, %mul3A_230 : vector<2x8x1024xf32>
        %mul3A_232 = arith.mulf %sub3A_228, %sub3A_228 : vector<2x8x1024xf32>
        %add3A_233 = arith.addf %add3A_231, %mul3A_232 : vector<2x8x1024xf32>
        %min3A_234 = arith.minimumf %min3A, %add3A_233 : vector<2x8x1024xf32>
        %slice3A_235 = vector.extract_strided_slice %min3A_234 {offsets = [0, 0, 0], sizes = [2, 8, 512], strides = [1, 1, 1]} : vector<2x8x1024xf32> to vector<2x8x512xf32>
        %slice3A_236 = vector.extract_strided_slice %min3A_234 {offsets = [0, 0, 512], sizes = [2, 8, 512], strides = [1, 1, 1]} : vector<2x8x1024xf32> to vector<2x8x512xf32>
        %slice3A_237 = vector.extract_strided_slice %add3A {offsets = [0, 0, 0], sizes = [2, 8, 512], strides = [1, 1, 1]} : vector<2x8x1024xi32> to vector<2x8x512xi32>
        %slice3A_238 = vector.extract_strided_slice %add3A {offsets = [0, 0, 512], sizes = [2, 8, 512], strides = [1, 1, 1]} : vector<2x8x1024xi32> to vector<2x8x512xi32>
        %gt3A_239 = arith.cmpf ogt, %slice3A_235, %slice3A_236 : vector<2x8x512xf32>
        %eq3A_240 = arith.cmpf oeq, %slice3A_235, %slice3A_236 : vector<2x8x512xf32>
        %lt3A_241 = arith.cmpi slt, %slice3A_237, %slice3A_238 : vector<2x8x512xi32>
        %and3A_242 = arith.andi %eq3A_240, %lt3A_241 : vector<2x8x512xi1>
        %or3A_243 = arith.ori %gt3A_239, %and3A_242 : vector<2x8x512xi1>
        %select_n3A_244 = arith.select %or3A_243, %slice3A_235, %slice3A_236 : vector<2x8x512xi1>, vector<2x8x512xf32>
        %select_n3A_245 = arith.select %or3A_243, %slice3A_237, %slice3A_238 : vector<2x8x512xi1>, vector<2x8x512xi32>
        %slice3A_246 = vector.extract_strided_slice %get3A_4 {offsets = [0, 0, 0], sizes = [2, 8, 512], strides = [1, 1, 1]} : vector<2x8x1024xf32> to vector<2x8x512xf32>
        %slice3A_247 = vector.extract_strided_slice %get3A_4 {offsets = [0, 0, 512], sizes = [2, 8, 512], strides = [1, 1, 1]} : vector<2x8x1024xf32> to vector<2x8x512xf32>
        %select_n3A_248 = arith.select %or3A_243, %slice3A_246, %slice3A_247 : vector<2x8x512xi1>, vector<2x8x512xf32>
        %slice3A_249 = vector.extract_strided_slice %get3A_10 {offsets = [0, 0, 0], sizes = [2, 8, 512], strides = [1, 1, 1]} : vector<2x8x1024xf32> to vector<2x8x512xf32>
        %slice3A_250 = vector.extract_strided_slice %get3A_10 {offsets = [0, 0, 512], sizes = [2, 8, 512], strides = [1, 1, 1]} : vector<2x8x1024xf32> to vector<2x8x512xf32>
        %select_n3A_251 = arith.select %or3A_243, %slice3A_249, %slice3A_250 : vector<2x8x512xi1>, vector<2x8x512xf32>
        %slice3A_252 = vector.extract_strided_slice %get3A_16 {offsets = [0, 0, 0], sizes = [2, 8, 512], strides = [1, 1, 1]} : vector<2x8x1024xf32> to vector<2x8x512xf32>
        %slice3A_253 = vector.extract_strided_slice %get3A_16 {offsets = [0, 0, 512], sizes = [2, 8, 512], strides = [1, 1, 1]} : vector<2x8x1024xf32> to vector<2x8x512xf32>
        %select_n3A_254 = arith.select %or3A_243, %slice3A_252, %slice3A_253 : vector<2x8x512xi1>, vector<2x8x512xf32>
        %slice3A_255 = vector.extract_strided_slice %select_n3A_244 {offsets = [0, 0, 0], sizes = [2, 8, 256], strides = [1, 1, 1]} : vector<2x8x512xf32> to vector<2x8x256xf32>
        %slice3A_256 = vector.extract_strided_slice %select_n3A_244 {offsets = [0, 0, 256], sizes = [2, 8, 256], strides = [1, 1, 1]} : vector<2x8x512xf32> to vector<2x8x256xf32>
        %slice3A_257 = vector.extract_strided_slice %select_n3A_245 {offsets = [0, 0, 0], sizes = [2, 8, 256], strides = [1, 1, 1]} : vector<2x8x512xi32> to vector<2x8x256xi32>
        %slice3A_258 = vector.extract_strided_slice %select_n3A_245 {offsets = [0, 0, 256], sizes = [2, 8, 256], strides = [1, 1, 1]} : vector<2x8x512xi32> to vector<2x8x256xi32>
        %gt3A_259 = arith.cmpf ogt, %slice3A_255, %slice3A_256 : vector<2x8x256xf32>
        %eq3A_260 = arith.cmpf oeq, %slice3A_255, %slice3A_256 : vector<2x8x256xf32>
        %lt3A_261 = arith.cmpi slt, %slice3A_257, %slice3A_258 : vector<2x8x256xi32>
        %and3A_262 = arith.andi %eq3A_260, %lt3A_261 : vector<2x8x256xi1>
        %or3A_263 = arith.ori %gt3A_259, %and3A_262 : vector<2x8x256xi1>
        %select_n3A_264 = arith.select %or3A_263, %slice3A_255, %slice3A_256 : vector<2x8x256xi1>, vector<2x8x256xf32>
        %select_n3A_265 = arith.select %or3A_263, %slice3A_257, %slice3A_258 : vector<2x8x256xi1>, vector<2x8x256xi32>
        %slice3A_266 = vector.extract_strided_slice %select_n3A_248 {offsets = [0, 0, 0], sizes = [2, 8, 256], strides = [1, 1, 1]} : vector<2x8x512xf32> to vector<2x8x256xf32>
        %slice3A_267 = vector.extract_strided_slice %select_n3A_248 {offsets = [0, 0, 256], sizes = [2, 8, 256], strides = [1, 1, 1]} : vector<2x8x512xf32> to vector<2x8x256xf32>
        %select_n3A_268 = arith.select %or3A_263, %slice3A_266, %slice3A_267 : vector<2x8x256xi1>, vector<2x8x256xf32>
        %slice3A_269 = vector.extract_strided_slice %select_n3A_251 {offsets = [0, 0, 0], sizes = [2, 8, 256], strides = [1, 1, 1]} : vector<2x8x512xf32> to vector<2x8x256xf32>
        %slice3A_270 = vector.extract_strided_slice %select_n3A_251 {offsets = [0, 0, 256], sizes = [2, 8, 256], strides = [1, 1, 1]} : vector<2x8x512xf32> to vector<2x8x256xf32>
        %select_n3A_271 = arith.select %or3A_263, %slice3A_269, %slice3A_270 : vector<2x8x256xi1>, vector<2x8x256xf32>
        %slice3A_272 = vector.extract_strided_slice %select_n3A_254 {offsets = [0, 0, 0], sizes = [2, 8, 256], strides = [1, 1, 1]} : vector<2x8x512xf32> to vector<2x8x256xf32>
        %slice3A_273 = vector.extract_strided_slice %select_n3A_254 {offsets = [0, 0, 256], sizes = [2, 8, 256], strides = [1, 1, 1]} : vector<2x8x512xf32> to vector<2x8x256xf32>
        %select_n3A_274 = arith.select %or3A_263, %slice3A_272, %slice3A_273 : vector<2x8x256xi1>, vector<2x8x256xf32>
        %slice3A_275 = vector.extract_strided_slice %select_n3A_264 {offsets = [0, 0, 0], sizes = [2, 8, 128], strides = [1, 1, 1]} : vector<2x8x256xf32> to vector<2x8x128xf32>
        %slice3A_276 = vector.extract_strided_slice %select_n3A_264 {offsets = [0, 0, 128], sizes = [2, 8, 128], strides = [1, 1, 1]} : vector<2x8x256xf32> to vector<2x8x128xf32>
        %slice3A_277 = vector.extract_strided_slice %select_n3A_265 {offsets = [0, 0, 0], sizes = [2, 8, 128], strides = [1, 1, 1]} : vector<2x8x256xi32> to vector<2x8x128xi32>
        %slice3A_278 = vector.extract_strided_slice %select_n3A_265 {offsets = [0, 0, 128], sizes = [2, 8, 128], strides = [1, 1, 1]} : vector<2x8x256xi32> to vector<2x8x128xi32>
        %gt3A_279 = arith.cmpf ogt, %slice3A_275, %slice3A_276 : vector<2x8x128xf32>
        %eq3A_280 = arith.cmpf oeq, %slice3A_275, %slice3A_276 : vector<2x8x128xf32>
        %lt3A_281 = arith.cmpi slt, %slice3A_277, %slice3A_278 : vector<2x8x128xi32>
        %and3A_282 = arith.andi %eq3A_280, %lt3A_281 : vector<2x8x128xi1>
        %or3A_283 = arith.ori %gt3A_279, %and3A_282 : vector<2x8x128xi1>
        %select_n3A_284 = arith.select %or3A_283, %slice3A_275, %slice3A_276 : vector<2x8x128xi1>, vector<2x8x128xf32>
        %select_n3A_285 = arith.select %or3A_283, %slice3A_277, %slice3A_278 : vector<2x8x128xi1>, vector<2x8x128xi32>
        %slice3A_286 = vector.extract_strided_slice %select_n3A_268 {offsets = [0, 0, 0], sizes = [2, 8, 128], strides = [1, 1, 1]} : vector<2x8x256xf32> to vector<2x8x128xf32>
        %slice3A_287 = vector.extract_strided_slice %select_n3A_268 {offsets = [0, 0, 128], sizes = [2, 8, 128], strides = [1, 1, 1]} : vector<2x8x256xf32> to vector<2x8x128xf32>
        %select_n3A_288 = arith.select %or3A_283, %slice3A_286, %slice3A_287 : vector<2x8x128xi1>, vector<2x8x128xf32>
        %slice3A_289 = vector.extract_strided_slice %select_n3A_271 {offsets = [0, 0, 0], sizes = [2, 8, 128], strides = [1, 1, 1]} : vector<2x8x256xf32> to vector<2x8x128xf32>
        %slice3A_290 = vector.extract_strided_slice %select_n3A_271 {offsets = [0, 0, 128], sizes = [2, 8, 128], strides = [1, 1, 1]} : vector<2x8x256xf32> to vector<2x8x128xf32>
        %select_n3A_291 = arith.select %or3A_283, %slice3A_289, %slice3A_290 : vector<2x8x128xi1>, vector<2x8x128xf32>
        %slice3A_292 = vector.extract_strided_slice %select_n3A_274 {offsets = [0, 0, 0], sizes = [2, 8, 128], strides = [1, 1, 1]} : vector<2x8x256xf32> to vector<2x8x128xf32>
        %slice3A_293 = vector.extract_strided_slice %select_n3A_274 {offsets = [0, 0, 128], sizes = [2, 8, 128], strides = [1, 1, 1]} : vector<2x8x256xf32> to vector<2x8x128xf32>
        %select_n3A_294 = arith.select %or3A_283, %slice3A_292, %slice3A_293 : vector<2x8x128xi1>, vector<2x8x128xf32>
        %reduce_max3A_295 = arith.constant dense<0xFF800000> : vector<2x8xf32>
        %reduce_max3A_296 = vector.multi_reduction <maximumf>, %select_n3A_284, %reduce_max3A_295 [2] : vector<2x8x128xf32> to vector<2x8xf32>
        %broadcast_in_dim3A_297 = vector.shape_cast %reduce_max3A_296 : vector<2x8xf32> to vector<2x8x1xf32>
        %reduce_max3A_298 = arith.constant dense<0xFF800000> : vector<2x1xf32>
        %reduce_max3A_299 = vector.multi_reduction <maximumf>, %broadcast_in_dim3A_297, %reduce_max3A_298 [1] : vector<2x8x1xf32> to vector<2x1xf32>
        %broadcast_in_dim3A_300 = vector.shape_cast %reduce_max3A_299 : vector<2x1xf32> to vector<2x1x1xf32>
        %eq3A_301 = vector.broadcast %broadcast_in_dim3A_300 : vector<2x1x1xf32> to vector<2x8x128xf32>
        %eq3A_302 = arith.cmpf oeq, %select_n3A_284, %eq3A_301 : vector<2x8x128xf32>
        %jit3A_303 = arith.constant 8192 : i32
        %broadcast_in_dim3A_304 = vector.broadcast %jit3A_303 : i32 to vector<2x8x128xi32>
        %select_n3A_305 = arith.select %eq3A_302, %select_n3A_285, %broadcast_in_dim3A_304 : vector<2x8x128xi1>, vector<2x8x128xi32>
        %reduce_min3A_306 = arith.constant dense<2147483647> : vector<2x8xi32>
        %reduce_min3A_307 = vector.multi_reduction <minsi>, %select_n3A_305, %reduce_min3A_306 [2] : vector<2x8x128xi32> to vector<2x8xi32>
        %broadcast_in_dim3A_308 = vector.shape_cast %reduce_min3A_307 : vector<2x8xi32> to vector<2x8x1xi32>
        %reduce_min3A_309 = arith.constant dense<2147483647> : vector<2x1xi32>
        %reduce_min3A_310 = vector.multi_reduction <minsi>, %broadcast_in_dim3A_308, %reduce_min3A_309 [1] : vector<2x8x1xi32> to vector<2x1xi32>
        %broadcast_in_dim3A_311 = vector.shape_cast %reduce_min3A_310 : vector<2x1xi32> to vector<2x1x1xi32>
        %eq3A_312 = vector.broadcast %broadcast_in_dim3A_311 : vector<2x1x1xi32> to vector<2x8x128xi32>
        %eq3A_313 = arith.cmpi eq, %select_n3A_285, %eq3A_312 : vector<2x8x128xi32>
        %jit3A_314 = arith.constant 0.000000e+00 : f32
        %broadcast_in_dim3A_315 = vector.broadcast %jit3A_314 : f32 to vector<2x8x128xf32>
        %select_n3A_316 = arith.select %eq3A_313, %select_n3A_288, %broadcast_in_dim3A_315 : vector<2x8x128xi1>, vector<2x8x128xf32>
        %reduce_sum3A_317 = arith.constant dense<0.000000e+00> : vector<2x8xf32>
        %reduce_sum3A_318 = vector.multi_reduction <add>, %select_n3A_316, %reduce_sum3A_317 [2] : vector<2x8x128xf32> to vector<2x8xf32>
        %broadcast_in_dim3A_319 = vector.shape_cast %reduce_sum3A_318 : vector<2x8xf32> to vector<2x8x1xf32>
        %reduce_sum3A_320 = arith.constant dense<0.000000e+00> : vector<2x1xf32>
        %reduce_sum3A_321 = vector.multi_reduction <add>, %broadcast_in_dim3A_319, %reduce_sum3A_320 [1] : vector<2x8x1xf32> to vector<2x1xf32>
        %broadcast_in_dim3A_322 = vector.shape_cast %reduce_sum3A_321 : vector<2x1xf32> to vector<2x1x1xf32>
        %jit3A_323 = arith.constant 0.000000e+00 : f32
        %broadcast_in_dim3A_324 = vector.broadcast %jit3A_323 : f32 to vector<2x8x128xf32>
        %select_n3A_325 = arith.select %eq3A_313, %select_n3A_291, %broadcast_in_dim3A_324 : vector<2x8x128xi1>, vector<2x8x128xf32>
        %reduce_sum3A_326 = arith.constant dense<0.000000e+00> : vector<2x8xf32>
        %reduce_sum3A_327 = vector.multi_reduction <add>, %select_n3A_325, %reduce_sum3A_326 [2] : vector<2x8x128xf32> to vector<2x8xf32>
        %broadcast_in_dim3A_328 = vector.shape_cast %reduce_sum3A_327 : vector<2x8xf32> to vector<2x8x1xf32>
        %reduce_sum3A_329 = arith.constant dense<0.000000e+00> : vector<2x1xf32>
        %reduce_sum3A_330 = vector.multi_reduction <add>, %broadcast_in_dim3A_328, %reduce_sum3A_329 [1] : vector<2x8x1xf32> to vector<2x1xf32>
        %broadcast_in_dim3A_331 = vector.shape_cast %reduce_sum3A_330 : vector<2x1xf32> to vector<2x1x1xf32>
        %jit3A_332 = arith.constant 0.000000e+00 : f32
        %broadcast_in_dim3A_333 = vector.broadcast %jit3A_332 : f32 to vector<2x8x128xf32>
        %select_n3A_334 = arith.select %eq3A_313, %select_n3A_294, %broadcast_in_dim3A_333 : vector<2x8x128xi1>, vector<2x8x128xf32>
        %reduce_sum3A_335 = arith.constant dense<0.000000e+00> : vector<2x8xf32>
        %reduce_sum3A_336 = vector.multi_reduction <add>, %select_n3A_334, %reduce_sum3A_335 [2] : vector<2x8x128xf32> to vector<2x8xf32>
        %broadcast_in_dim3A_337 = vector.shape_cast %reduce_sum3A_336 : vector<2x8xf32> to vector<2x8x1xf32>
        %reduce_sum3A_338 = arith.constant dense<0.000000e+00> : vector<2x1xf32>
        %reduce_sum3A_339 = vector.multi_reduction <add>, %broadcast_in_dim3A_337, %reduce_sum3A_338 [1] : vector<2x8x1xf32> to vector<2x1xf32>
        %broadcast_in_dim3A_340 = vector.shape_cast %reduce_sum3A_339 : vector<2x1xf32> to vector<2x1x1xf32>
        scf.yield %min3A_234, %broadcast_in_dim3A_311, %broadcast_in_dim3A_322, %broadcast_in_dim3A_331, %broadcast_in_dim3A_340, %select_n3A_210, %select_n3A_214, %select_n3A_218, %select_n3A_222 : vector<2x8x1024xf32>, vector<2x1x1xi32>, vector<2x1x1xf32>, vector<2x1x1xf32>, vector<2x1x1xf32>, vector<2x128xi32>, vector<2x128xf32>, vector<2x128xf32>, vector<2x128xf32>
      }
      %scan3A_50 = arith.constant 64 : i32
      %mul3A_51 = arith.constant 128 : i32
      %mul3A_52 = arith.muli %scan3A_35, %mul3A_51 : i32
      %multiple_of3A = tpu.assume_multiple %mul3A_52, 128 : i32
      %swap3A = arith.constant 0 : index
      %swap3A_53 = arith.index_cast %multiple_of3A : i32 to index
      %swap3A_54 = vector.load %arg1[%swap3A, %swap3A_53] : memref<2x2048xi32, #tpu.memory_space<vmem>>, vector<2x128xi32>
      tpu.vector_store %arg1[%swap3A, %swap3A_53], %scan3A_49#5 {strides = array<i32>} : memref<2x2048xi32, #tpu.memory_space<vmem>>, vector<2x128xi32>,
      %swap3A_55 = arith.constant 0 : index
      %swap3A_56 = arith.index_cast %multiple_of3A : i32 to index
      %swap3A_57 = vector.load %arg2[%swap3A_55, %swap3A_56] : memref<2x2048xf32, #tpu.memory_space<vmem>>, vector<2x128xf32>
      tpu.vector_store %arg2[%swap3A_55, %swap3A_56], %scan3A_49#6 {strides = array<i32>} : memref<2x2048xf32, #tpu.memory_space<vmem>>, vector<2x128xf32>,
      %swap3A_58 = arith.constant 0 : index
      %swap3A_59 = arith.index_cast %multiple_of3A : i32 to index
      %swap3A_60 = vector.load %arg3[%swap3A_58, %swap3A_59] : memref<2x2048xf32, #tpu.memory_space<vmem>>, vector<2x128xf32>
      tpu.vector_store %arg3[%swap3A_58, %swap3A_59], %scan3A_49#7 {strides = array<i32>} : memref<2x2048xf32, #tpu.memory_space<vmem>>, vector<2x128xf32>,
      %swap3A_61 = arith.constant 0 : index
      %swap3A_62 = arith.index_cast %multiple_of3A : i32 to index
      %swap3A_63 = vector.load %arg4[%swap3A_61, %swap3A_62] : memref<2x2048xf32, #tpu.memory_space<vmem>>, vector<2x128xf32>
      tpu.vector_store %arg4[%swap3A_61, %swap3A_62], %scan3A_49#8 {strides = array<i32>} : memref<2x2048xf32, #tpu.memory_space<vmem>>, vector<2x128xf32>,
      scf.yield %scan3A_49#0, %scan3A_49#1, %scan3A_49#2, %scan3A_49#3, %scan3A_49#4 : vector<2x8x1024xf32>, vector<2x1x1xi32>, vector<2x1x1xf32>, vector<2x1x1xf32>, vector<2x1x1xf32>
    }
    %scan3A_34 = arith.constant 16 : i32
    return
  }
}

module attributes {stable_mosaic.version = 14 : i64} {
  func.func @_knn_body(%arg0: i32, %arg1: i32, %arg2: memref<1x512x64xf32, #tpu.memory_space<vmem>>, %arg3: memref<1x64x2048xf32, #tpu.memory_space<vmem>>, %arg4: memref<1x16x512xi32, #tpu.memory_space<vmem>>, %arg5: memref<1x16x512xi32, #tpu.memory_space<vmem>>) attributes {dimension_semantics = [#tpu.dimension_semantics<arbitrary>, #tpu.dimension_semantics<arbitrary>], iteration_bounds = array<i64: 2, 4>, scalar_prefetch = 0 : i64, scratch_operands = 0 : i64, tpu.core_type = #tpu.core_type<tc>, window_params = [{transform_indices = @transform_0, window_bounds = array<i64: 1, 512, 64>}, {transform_indices = @transform_1, window_bounds = array<i64: 1, 64, 2048>}, {transform_indices = @transform_2, window_bounds = array<i64: 1, 16, 512>}, {transform_indices = @transform_3, window_bounds = array<i64: 1, 16, 512>}]} {
    %get3A = arith.constant 0 : index
    %get3A_0 = arith.constant 0 : index
    %get3A_1 = arith.constant 0 : index
    %get3A_2 = vector.load %arg2[%get3A, %get3A_0, %get3A_1] : memref<1x512x64xf32, #tpu.memory_space<vmem>>, vector<1x512x64xf32>
    %get3A_3 = vector.shape_cast %get3A_2 : vector<1x512x64xf32> to vector<512x64xf32>
    %get3A_4 = arith.constant 0 : index
    %get3A_5 = arith.constant 0 : index
    %get3A_6 = arith.constant 0 : index
    %get3A_7 = vector.load %arg3[%get3A_4, %get3A_5, %get3A_6] : memref<1x64x2048xf32, #tpu.memory_space<vmem>>, vector<1x64x2048xf32>
    %get3A_8 = vector.shape_cast %get3A_7 : vector<1x64x2048xf32> to vector<64x2048xf32>
    %dot_general3A = arith.constant dense<0.000000e+00> : vector<512x2048xf32>
    %dot_general3A_9 = tpu.matmul %get3A_3, %get3A_8, %dot_general3A {dimension_numbers = #tpu.dot_dimension_numbers<[1], [0], [0], [1], [0, 0, 1, 1], [], []>, transpose_lhs_hint = false} : vector<512x64xf32>, vector<64x2048xf32>, vector<512x2048xf32> -> vector<512x2048xf32>
    %mul3A = arith.constant -2.000000e+00 : f32
    %mul3A_10 = vector.broadcast %mul3A : f32 to vector<512x2048xf32>
    %mul3A_11 = arith.mulf %mul3A_10, %dot_general3A_9 : vector<512x2048xf32>
    %mul3A_12 = arith.mulf %get3A_8, %get3A_8 : vector<64x2048xf32>
    %reduce_sum3A = arith.constant dense<0.000000e+00> : vector<2048xf32>
    %reduce_sum3A_13 = vector.multi_reduction <add>, %mul3A_12, %reduce_sum3A [0] : vector<64x2048xf32> to vector<2048xf32>
    %broadcast_in_dim3A = vector.shape_cast %reduce_sum3A_13 : vector<2048xf32> to vector<1x2048xf32>
    %mul3A_14 = arith.mulf %get3A_3, %get3A_3 : vector<512x64xf32>
    %reduce_sum3A_15 = arith.constant dense<0.000000e+00> : vector<512xf32>
    %reduce_sum3A_16 = vector.multi_reduction <add>, %mul3A_14, %reduce_sum3A_15 [1] : vector<512x64xf32> to vector<512xf32>
    %broadcast_in_dim3A_17 = vector.shape_cast %reduce_sum3A_16 : vector<512xf32> to vector<512x1xf32>
    %neg3A = arith.constant 0.000000e+00 : f32
    %neg3A_18 = vector.broadcast %neg3A : f32 to vector<1x2048xf32>
    %neg3A_19 = arith.subf %neg3A_18, %broadcast_in_dim3A : vector<1x2048xf32>
    %sub3A = vector.broadcast %neg3A_19 : vector<1x2048xf32> to vector<512x2048xf32>
    %sub3A_20 = arith.subf %sub3A, %mul3A_11 : vector<512x2048xf32>
    %sub3A_21 = vector.broadcast %broadcast_in_dim3A_17 : vector<512x1xf32> to vector<512x2048xf32>
    %sub3A_22 = arith.subf %sub3A_20, %sub3A_21 : vector<512x2048xf32>
    %iota3A = tpu.iota {dimensions = array<i32: 1>} : vector<512x2048xi32>
    %reduce_max3A = arith.constant dense<0xFF800000> : vector<512xf32>
    %reduce_max3A_23 = vector.multi_reduction <maximumf>, %sub3A_22, %reduce_max3A [1] : vector<512x2048xf32> to vector<512xf32>
    %broadcast_in_dim3A_24 = vector.shape_cast %reduce_max3A_23 : vector<512xf32> to vector<512x1xf32>
    %eq3A = vector.broadcast %broadcast_in_dim3A_24 : vector<512x1xf32> to vector<512x2048xf32>
    %eq3A_25 = arith.cmpf oeq, %sub3A_22, %eq3A : vector<512x2048xf32>
    %jit3A = arith.constant 2048 : i32
    %broadcast_in_dim3A_26 = vector.broadcast %jit3A : i32 to vector<512x2048xi32>
    %select_n3A = arith.select %eq3A_25, %iota3A, %broadcast_in_dim3A_26 : vector<512x2048xi1>, vector<512x2048xi32>
    %reduce_min3A = arith.constant dense<2147483647> : vector<512xi32>
    %reduce_min3A_27 = vector.multi_reduction <minsi>, %select_n3A, %reduce_min3A [1] : vector<512x2048xi32> to vector<512xi32>
    %mul3A_28 = arith.constant 8192 : i32
    %mul3A_29 = arith.muli %arg0, %mul3A_28 : i32
    %add3A = vector.broadcast %mul3A_29 : i32 to vector<512xi32>
    %add3A_30 = arith.addi %reduce_min3A_27, %add3A : vector<512xi32>
    %swap3A = arith.constant 0 : index
    %swap3A_31 = arith.constant 0 : index
    %swap3A_32 = arith.constant 0 : index
    %swap3A_33 = vector.load %arg4[%swap3A, %swap3A_31, %swap3A_32] : memref<1x16x512xi32, #tpu.memory_space<vmem>>, vector<1x1x512xi32>
    %swap3A_34 = vector.shape_cast %swap3A_33 : vector<1x1x512xi32> to vector<512xi32>
    %swap3A_35 = vector.shape_cast %add3A_30 : vector<512xi32> to vector<1x1x512xi32>
    tpu.vector_store %arg4[%swap3A, %swap3A_31, %swap3A_32], %swap3A_35 {strides = array<i32>} : memref<1x16x512xi32, #tpu.memory_space<vmem>>, vector<1x1x512xi32>,
    %mul3A_36 = arith.constant 2048 : i32
    %mul3A_37 = arith.muli %arg0, %mul3A_36 : i32
    %add3A_38 = vector.broadcast %mul3A_37 : i32 to vector<512xi32>
    %add3A_39 = arith.addi %reduce_min3A_27, %add3A_38 : vector<512xi32>
    %swap3A_40 = arith.constant 0 : index
    %swap3A_41 = arith.constant 0 : index
    %swap3A_42 = arith.constant 0 : index
    %swap3A_43 = vector.load %arg5[%swap3A_40, %swap3A_41, %swap3A_42] : memref<1x16x512xi32, #tpu.memory_space<vmem>>, vector<1x1x512xi32>
    %swap3A_44 = vector.shape_cast %swap3A_43 : vector<1x1x512xi32> to vector<512xi32>
    %swap3A_45 = vector.shape_cast %add3A_39 : vector<512xi32> to vector<1x1x512xi32>
    tpu.vector_store %arg5[%swap3A_40, %swap3A_41, %swap3A_42], %swap3A_45 {strides = array<i32>} : memref<1x16x512xi32, #tpu.memory_space<vmem>>, vector<1x1x512xi32>,
    %broadcast_in_dim3A_46 = vector.shape_cast %reduce_min3A_27 : vector<512xi32> to vector<512x1xi32>
    %eq3A_47 = vector.broadcast %broadcast_in_dim3A_46 : vector<512x1xi32> to vector<512x2048xi32>
    %eq3A_48 = arith.cmpi eq, %iota3A, %eq3A_47 : vector<512x2048xi32>
    %jit3A_49 = arith.constant 0xFF800000 : f32
    %broadcast_in_dim3A_50 = vector.broadcast %jit3A_49 : f32 to vector<512x2048xf32>
    %select_n3A_51 = arith.select %eq3A_48, %broadcast_in_dim3A_50, %sub3A_22 : vector<512x2048xi1>, vector<512x2048xf32>
    %reduce_max3A_52 = arith.constant dense<0xFF800000> : vector<512xf32>
    %reduce_max3A_53 = vector.multi_reduction <maximumf>, %select_n3A_51, %reduce_max3A_52 [1] : vector<512x2048xf32> to vector<512xf32>
    %broadcast_in_dim3A_54 = vector.shape_cast %reduce_max3A_53 : vector<512xf32> to vector<512x1xf32>
    %eq3A_55 = vector.broadcast %broadcast_in_dim3A_54 : vector<512x1xf32> to vector<512x2048xf32>
    %eq3A_56 = arith.cmpf oeq, %select_n3A_51, %eq3A_55 : vector<512x2048xf32>
    %jit3A_57 = arith.constant 2048 : i32
    %broadcast_in_dim3A_58 = vector.broadcast %jit3A_57 : i32 to vector<512x2048xi32>
    %select_n3A_59 = arith.select %eq3A_56, %iota3A, %broadcast_in_dim3A_58 : vector<512x2048xi1>, vector<512x2048xi32>
    %reduce_min3A_60 = arith.constant dense<2147483647> : vector<512xi32>
    %reduce_min3A_61 = vector.multi_reduction <minsi>, %select_n3A_59, %reduce_min3A_60 [1] : vector<512x2048xi32> to vector<512xi32>
    %mul3A_62 = arith.constant 8192 : i32
    %mul3A_63 = arith.muli %arg0, %mul3A_62 : i32
    %add3A_64 = vector.broadcast %mul3A_63 : i32 to vector<512xi32>
    %add3A_65 = arith.addi %reduce_min3A_61, %add3A_64 : vector<512xi32>
    %swap3A_66 = arith.constant 0 : index
    %swap3A_67 = arith.constant 1 : index
    %swap3A_68 = arith.constant 0 : index
    %swap3A_69 = vector.load %arg4[%swap3A_66, %swap3A_67, %swap3A_68] : memref<1x16x512xi32, #tpu.memory_space<vmem>>, vector<1x1x512xi32>
    %swap3A_70 = vector.shape_cast %swap3A_69 : vector<1x1x512xi32> to vector<512xi32>
    %swap3A_71 = vector.shape_cast %add3A_65 : vector<512xi32> to vector<1x1x512xi32>
    tpu.vector_store %arg4[%swap3A_66, %swap3A_67, %swap3A_68], %swap3A_71 {strides = array<i32>} : memref<1x16x512xi32, #tpu.memory_space<vmem>>, vector<1x1x512xi32>,
    %mul3A_72 = arith.constant 2048 : i32
    %mul3A_73 = arith.muli %arg0, %mul3A_72 : i32
    %add3A_74 = vector.broadcast %mul3A_73 : i32 to vector<512xi32>
    %add3A_75 = arith.addi %reduce_min3A_61, %add3A_74 : vector<512xi32>
    %swap3A_76 = arith.constant 0 : index
    %swap3A_77 = arith.constant 1 : index
    %swap3A_78 = arith.constant 0 : index
    %swap3A_79 = vector.load %arg5[%swap3A_76, %swap3A_77, %swap3A_78] : memref<1x16x512xi32, #tpu.memory_space<vmem>>, vector<1x1x512xi32>
    %swap3A_80 = vector.shape_cast %swap3A_79 : vector<1x1x512xi32> to vector<512xi32>
    %swap3A_81 = vector.shape_cast %add3A_75 : vector<512xi32> to vector<1x1x512xi32>
    tpu.vector_store %arg5[%swap3A_76, %swap3A_77, %swap3A_78], %swap3A_81 {strides = array<i32>} : memref<1x16x512xi32, #tpu.memory_space<vmem>>, vector<1x1x512xi32>,
    %broadcast_in_dim3A_82 = vector.shape_cast %reduce_min3A_61 : vector<512xi32> to vector<512x1xi32>
    %eq3A_83 = vector.broadcast %broadcast_in_dim3A_82 : vector<512x1xi32> to vector<512x2048xi32>
    %eq3A_84 = arith.cmpi eq, %iota3A, %eq3A_83 : vector<512x2048xi32>
    %jit3A_85 = arith.constant 0xFF800000 : f32
    %broadcast_in_dim3A_86 = vector.broadcast %jit3A_85 : f32 to vector<512x2048xf32>
    %select_n3A_87 = arith.select %eq3A_84, %broadcast_in_dim3A_86, %select_n3A_51 : vector<512x2048xi1>, vector<512x2048xf32>
    %reduce_max3A_88 = arith.constant dense<0xFF800000> : vector<512xf32>
    %reduce_max3A_89 = vector.multi_reduction <maximumf>, %select_n3A_87, %reduce_max3A_88 [1] : vector<512x2048xf32> to vector<512xf32>
    %broadcast_in_dim3A_90 = vector.shape_cast %reduce_max3A_89 : vector<512xf32> to vector<512x1xf32>
    %eq3A_91 = vector.broadcast %broadcast_in_dim3A_90 : vector<512x1xf32> to vector<512x2048xf32>
    %eq3A_92 = arith.cmpf oeq, %select_n3A_87, %eq3A_91 : vector<512x2048xf32>
    %jit3A_93 = arith.constant 2048 : i32
    %broadcast_in_dim3A_94 = vector.broadcast %jit3A_93 : i32 to vector<512x2048xi32>
    %select_n3A_95 = arith.select %eq3A_92, %iota3A, %broadcast_in_dim3A_94 : vector<512x2048xi1>, vector<512x2048xi32>
    %reduce_min3A_96 = arith.constant dense<2147483647> : vector<512xi32>
    %reduce_min3A_97 = vector.multi_reduction <minsi>, %select_n3A_95, %reduce_min3A_96 [1] : vector<512x2048xi32> to vector<512xi32>
    %mul3A_98 = arith.constant 8192 : i32
    %mul3A_99 = arith.muli %arg0, %mul3A_98 : i32
    %add3A_100 = vector.broadcast %mul3A_99 : i32 to vector<512xi32>
    %add3A_101 = arith.addi %reduce_min3A_97, %add3A_100 : vector<512xi32>
    %swap3A_102 = arith.constant 0 : index
    %swap3A_103 = arith.constant 2 : index
    %swap3A_104 = arith.constant 0 : index
    %swap3A_105 = vector.load %arg4[%swap3A_102, %swap3A_103, %swap3A_104] : memref<1x16x512xi32, #tpu.memory_space<vmem>>, vector<1x1x512xi32>
    %swap3A_106 = vector.shape_cast %swap3A_105 : vector<1x1x512xi32> to vector<512xi32>
    %swap3A_107 = vector.shape_cast %add3A_101 : vector<512xi32> to vector<1x1x512xi32>
    tpu.vector_store %arg4[%swap3A_102, %swap3A_103, %swap3A_104], %swap3A_107 {strides = array<i32>} : memref<1x16x512xi32, #tpu.memory_space<vmem>>, vector<1x1x512xi32>,
    %mul3A_108 = arith.constant 2048 : i32
    %mul3A_109 = arith.muli %arg0, %mul3A_108 : i32
    %add3A_110 = vector.broadcast %mul3A_109 : i32 to vector<512xi32>
    %add3A_111 = arith.addi %reduce_min3A_97, %add3A_110 : vector<512xi32>
    %swap3A_112 = arith.constant 0 : index
    %swap3A_113 = arith.constant 2 : index
    %swap3A_114 = arith.constant 0 : index
    %swap3A_115 = vector.load %arg5[%swap3A_112, %swap3A_113, %swap3A_114] : memref<1x16x512xi32, #tpu.memory_space<vmem>>, vector<1x1x512xi32>
    %swap3A_116 = vector.shape_cast %swap3A_115 : vector<1x1x512xi32> to vector<512xi32>
    %swap3A_117 = vector.shape_cast %add3A_111 : vector<512xi32> to vector<1x1x512xi32>
    tpu.vector_store %arg5[%swap3A_112, %swap3A_113, %swap3A_114], %swap3A_117 {strides = array<i32>} : memref<1x16x512xi32, #tpu.memory_space<vmem>>, vector<1x1x512xi32>,
    %broadcast_in_dim3A_118 = vector.shape_cast %reduce_min3A_97 : vector<512xi32> to vector<512x1xi32>
    %eq3A_119 = vector.broadcast %broadcast_in_dim3A_118 : vector<512x1xi32> to vector<512x2048xi32>
    %eq3A_120 = arith.cmpi eq, %iota3A, %eq3A_119 : vector<512x2048xi32>
    %jit3A_121 = arith.constant 0xFF800000 : f32
    %broadcast_in_dim3A_122 = vector.broadcast %jit3A_121 : f32 to vector<512x2048xf32>
    %select_n3A_123 = arith.select %eq3A_120, %broadcast_in_dim3A_122, %select_n3A_87 : vector<512x2048xi1>, vector<512x2048xf32>
    %reduce_max3A_124 = arith.constant dense<0xFF800000> : vector<512xf32>
    %reduce_max3A_125 = vector.multi_reduction <maximumf>, %select_n3A_123, %reduce_max3A_124 [1] : vector<512x2048xf32> to vector<512xf32>
    %broadcast_in_dim3A_126 = vector.shape_cast %reduce_max3A_125 : vector<512xf32> to vector<512x1xf32>
    %eq3A_127 = vector.broadcast %broadcast_in_dim3A_126 : vector<512x1xf32> to vector<512x2048xf32>
    %eq3A_128 = arith.cmpf oeq, %select_n3A_123, %eq3A_127 : vector<512x2048xf32>
    %jit3A_129 = arith.constant 2048 : i32
    %broadcast_in_dim3A_130 = vector.broadcast %jit3A_129 : i32 to vector<512x2048xi32>
    %select_n3A_131 = arith.select %eq3A_128, %iota3A, %broadcast_in_dim3A_130 : vector<512x2048xi1>, vector<512x2048xi32>
    %reduce_min3A_132 = arith.constant dense<2147483647> : vector<512xi32>
    %reduce_min3A_133 = vector.multi_reduction <minsi>, %select_n3A_131, %reduce_min3A_132 [1] : vector<512x2048xi32> to vector<512xi32>
    %mul3A_134 = arith.constant 8192 : i32
    %mul3A_135 = arith.muli %arg0, %mul3A_134 : i32
    %add3A_136 = vector.broadcast %mul3A_135 : i32 to vector<512xi32>
    %add3A_137 = arith.addi %reduce_min3A_133, %add3A_136 : vector<512xi32>
    %swap3A_138 = arith.constant 0 : index
    %swap3A_139 = arith.constant 3 : index
    %swap3A_140 = arith.constant 0 : index
    %swap3A_141 = vector.load %arg4[%swap3A_138, %swap3A_139, %swap3A_140] : memref<1x16x512xi32, #tpu.memory_space<vmem>>, vector<1x1x512xi32>
    %swap3A_142 = vector.shape_cast %swap3A_141 : vector<1x1x512xi32> to vector<512xi32>
    %swap3A_143 = vector.shape_cast %add3A_137 : vector<512xi32> to vector<1x1x512xi32>
    tpu.vector_store %arg4[%swap3A_138, %swap3A_139, %swap3A_140], %swap3A_143 {strides = array<i32>} : memref<1x16x512xi32, #tpu.memory_space<vmem>>, vector<1x1x512xi32>,
    %mul3A_144 = arith.constant 2048 : i32
    %mul3A_145 = arith.muli %arg0, %mul3A_144 : i32
    %add3A_146 = vector.broadcast %mul3A_145 : i32 to vector<512xi32>
    %add3A_147 = arith.addi %reduce_min3A_133, %add3A_146 : vector<512xi32>
    %swap3A_148 = arith.constant 0 : index
    %swap3A_149 = arith.constant 3 : index
    %swap3A_150 = arith.constant 0 : index
    %swap3A_151 = vector.load %arg5[%swap3A_148, %swap3A_149, %swap3A_150] : memref<1x16x512xi32, #tpu.memory_space<vmem>>, vector<1x1x512xi32>
    %swap3A_152 = vector.shape_cast %swap3A_151 : vector<1x1x512xi32> to vector<512xi32>
    %swap3A_153 = vector.shape_cast %add3A_147 : vector<512xi32> to vector<1x1x512xi32>
    tpu.vector_store %arg5[%swap3A_148, %swap3A_149, %swap3A_150], %swap3A_153 {strides = array<i32>} : memref<1x16x512xi32, #tpu.memory_space<vmem>>, vector<1x1x512xi32>,
    %broadcast_in_dim3A_154 = vector.shape_cast %reduce_min3A_133 : vector<512xi32> to vector<512x1xi32>
    %eq3A_155 = vector.broadcast %broadcast_in_dim3A_154 : vector<512x1xi32> to vector<512x2048xi32>
    %eq3A_156 = arith.cmpi eq, %iota3A, %eq3A_155 : vector<512x2048xi32>
    %jit3A_157 = arith.constant 0xFF800000 : f32
    %broadcast_in_dim3A_158 = vector.broadcast %jit3A_157 : f32 to vector<512x2048xf32>
    %select_n3A_159 = arith.select %eq3A_156, %broadcast_in_dim3A_158, %select_n3A_123 : vector<512x2048xi1>, vector<512x2048xf32>
    %reduce_max3A_160 = arith.constant dense<0xFF800000> : vector<512xf32>
    %reduce_max3A_161 = vector.multi_reduction <maximumf>, %select_n3A_159, %reduce_max3A_160 [1] : vector<512x2048xf32> to vector<512xf32>
    %broadcast_in_dim3A_162 = vector.shape_cast %reduce_max3A_161 : vector<512xf32> to vector<512x1xf32>
    %eq3A_163 = vector.broadcast %broadcast_in_dim3A_162 : vector<512x1xf32> to vector<512x2048xf32>
    %eq3A_164 = arith.cmpf oeq, %select_n3A_159, %eq3A_163 : vector<512x2048xf32>
    %jit3A_165 = arith.constant 2048 : i32
    %broadcast_in_dim3A_166 = vector.broadcast %jit3A_165 : i32 to vector<512x2048xi32>
    %select_n3A_167 = arith.select %eq3A_164, %iota3A, %broadcast_in_dim3A_166 : vector<512x2048xi1>, vector<512x2048xi32>
    %reduce_min3A_168 = arith.constant dense<2147483647> : vector<512xi32>
    %reduce_min3A_169 = vector.multi_reduction <minsi>, %select_n3A_167, %reduce_min3A_168 [1] : vector<512x2048xi32> to vector<512xi32>
    %mul3A_170 = arith.constant 8192 : i32
    %mul3A_171 = arith.muli %arg0, %mul3A_170 : i32
    %add3A_172 = vector.broadcast %mul3A_171 : i32 to vector<512xi32>
    %add3A_173 = arith.addi %reduce_min3A_169, %add3A_172 : vector<512xi32>
    %swap3A_174 = arith.constant 0 : index
    %swap3A_175 = arith.constant 4 : index
    %swap3A_176 = arith.constant 0 : index
    %swap3A_177 = vector.load %arg4[%swap3A_174, %swap3A_175, %swap3A_176] : memref<1x16x512xi32, #tpu.memory_space<vmem>>, vector<1x1x512xi32>
    %swap3A_178 = vector.shape_cast %swap3A_177 : vector<1x1x512xi32> to vector<512xi32>
    %swap3A_179 = vector.shape_cast %add3A_173 : vector<512xi32> to vector<1x1x512xi32>
    tpu.vector_store %arg4[%swap3A_174, %swap3A_175, %swap3A_176], %swap3A_179 {strides = array<i32>} : memref<1x16x512xi32, #tpu.memory_space<vmem>>, vector<1x1x512xi32>,
    %mul3A_180 = arith.constant 2048 : i32
    %mul3A_181 = arith.muli %arg0, %mul3A_180 : i32
    %add3A_182 = vector.broadcast %mul3A_181 : i32 to vector<512xi32>
    %add3A_183 = arith.addi %reduce_min3A_169, %add3A_182 : vector<512xi32>
    %swap3A_184 = arith.constant 0 : index
    %swap3A_185 = arith.constant 4 : index
    %swap3A_186 = arith.constant 0 : index
    %swap3A_187 = vector.load %arg5[%swap3A_184, %swap3A_185, %swap3A_186] : memref<1x16x512xi32, #tpu.memory_space<vmem>>, vector<1x1x512xi32>
    %swap3A_188 = vector.shape_cast %swap3A_187 : vector<1x1x512xi32> to vector<512xi32>
    %swap3A_189 = vector.shape_cast %add3A_183 : vector<512xi32> to vector<1x1x512xi32>
    tpu.vector_store %arg5[%swap3A_184, %swap3A_185, %swap3A_186], %swap3A_189 {strides = array<i32>} : memref<1x16x512xi32, #tpu.memory_space<vmem>>, vector<1x1x512xi32>,
    %broadcast_in_dim3A_190 = vector.shape_cast %reduce_min3A_169 : vector<512xi32> to vector<512x1xi32>
    %eq3A_191 = vector.broadcast %broadcast_in_dim3A_190 : vector<512x1xi32> to vector<512x2048xi32>
    %eq3A_192 = arith.cmpi eq, %iota3A, %eq3A_191 : vector<512x2048xi32>
    %jit3A_193 = arith.constant 0xFF800000 : f32
    %broadcast_in_dim3A_194 = vector.broadcast %jit3A_193 : f32 to vector<512x2048xf32>
    %select_n3A_195 = arith.select %eq3A_192, %broadcast_in_dim3A_194, %select_n3A_159 : vector<512x2048xi1>, vector<512x2048xf32>
    %reduce_max3A_196 = arith.constant dense<0xFF800000> : vector<512xf32>
    %reduce_max3A_197 = vector.multi_reduction <maximumf>, %select_n3A_195, %reduce_max3A_196 [1] : vector<512x2048xf32> to vector<512xf32>
    %broadcast_in_dim3A_198 = vector.shape_cast %reduce_max3A_197 : vector<512xf32> to vector<512x1xf32>
    %eq3A_199 = vector.broadcast %broadcast_in_dim3A_198 : vector<512x1xf32> to vector<512x2048xf32>
    %eq3A_200 = arith.cmpf oeq, %select_n3A_195, %eq3A_199 : vector<512x2048xf32>
    %jit3A_201 = arith.constant 2048 : i32
    %broadcast_in_dim3A_202 = vector.broadcast %jit3A_201 : i32 to vector<512x2048xi32>
    %select_n3A_203 = arith.select %eq3A_200, %iota3A, %broadcast_in_dim3A_202 : vector<512x2048xi1>, vector<512x2048xi32>
    %reduce_min3A_204 = arith.constant dense<2147483647> : vector<512xi32>
    %reduce_min3A_205 = vector.multi_reduction <minsi>, %select_n3A_203, %reduce_min3A_204 [1] : vector<512x2048xi32> to vector<512xi32>
    %mul3A_206 = arith.constant 8192 : i32
    %mul3A_207 = arith.muli %arg0, %mul3A_206 : i32
    %add3A_208 = vector.broadcast %mul3A_207 : i32 to vector<512xi32>
    %add3A_209 = arith.addi %reduce_min3A_205, %add3A_208 : vector<512xi32>
    %swap3A_210 = arith.constant 0 : index
    %swap3A_211 = arith.constant 5 : index
    %swap3A_212 = arith.constant 0 : index
    %swap3A_213 = vector.load %arg4[%swap3A_210, %swap3A_211, %swap3A_212] : memref<1x16x512xi32, #tpu.memory_space<vmem>>, vector<1x1x512xi32>
    %swap3A_214 = vector.shape_cast %swap3A_213 : vector<1x1x512xi32> to vector<512xi32>
    %swap3A_215 = vector.shape_cast %add3A_209 : vector<512xi32> to vector<1x1x512xi32>
    tpu.vector_store %arg4[%swap3A_210, %swap3A_211, %swap3A_212], %swap3A_215 {strides = array<i32>} : memref<1x16x512xi32, #tpu.memory_space<vmem>>, vector<1x1x512xi32>,
    %mul3A_216 = arith.constant 2048 : i32
    %mul3A_217 = arith.muli %arg0, %mul3A_216 : i32
    %add3A_218 = vector.broadcast %mul3A_217 : i32 to vector<512xi32>
    %add3A_219 = arith.addi %reduce_min3A_205, %add3A_218 : vector<512xi32>
    %swap3A_220 = arith.constant 0 : index
    %swap3A_221 = arith.constant 5 : index
    %swap3A_222 = arith.constant 0 : index
    %swap3A_223 = vector.load %arg5[%swap3A_220, %swap3A_221, %swap3A_222] : memref<1x16x512xi32, #tpu.memory_space<vmem>>, vector<1x1x512xi32>
    %swap3A_224 = vector.shape_cast %swap3A_223 : vector<1x1x512xi32> to vector<512xi32>
    %swap3A_225 = vector.shape_cast %add3A_219 : vector<512xi32> to vector<1x1x512xi32>
    tpu.vector_store %arg5[%swap3A_220, %swap3A_221, %swap3A_222], %swap3A_225 {strides = array<i32>} : memref<1x16x512xi32, #tpu.memory_space<vmem>>, vector<1x1x512xi32>,
    %broadcast_in_dim3A_226 = vector.shape_cast %reduce_min3A_205 : vector<512xi32> to vector<512x1xi32>
    %eq3A_227 = vector.broadcast %broadcast_in_dim3A_226 : vector<512x1xi32> to vector<512x2048xi32>
    %eq3A_228 = arith.cmpi eq, %iota3A, %eq3A_227 : vector<512x2048xi32>
    %jit3A_229 = arith.constant 0xFF800000 : f32
    %broadcast_in_dim3A_230 = vector.broadcast %jit3A_229 : f32 to vector<512x2048xf32>
    %select_n3A_231 = arith.select %eq3A_228, %broadcast_in_dim3A_230, %select_n3A_195 : vector<512x2048xi1>, vector<512x2048xf32>
    %reduce_max3A_232 = arith.constant dense<0xFF800000> : vector<512xf32>
    %reduce_max3A_233 = vector.multi_reduction <maximumf>, %select_n3A_231, %reduce_max3A_232 [1] : vector<512x2048xf32> to vector<512xf32>
    %broadcast_in_dim3A_234 = vector.shape_cast %reduce_max3A_233 : vector<512xf32> to vector<512x1xf32>
    %eq3A_235 = vector.broadcast %broadcast_in_dim3A_234 : vector<512x1xf32> to vector<512x2048xf32>
    %eq3A_236 = arith.cmpf oeq, %select_n3A_231, %eq3A_235 : vector<512x2048xf32>
    %jit3A_237 = arith.constant 2048 : i32
    %broadcast_in_dim3A_238 = vector.broadcast %jit3A_237 : i32 to vector<512x2048xi32>
    %select_n3A_239 = arith.select %eq3A_236, %iota3A, %broadcast_in_dim3A_238 : vector<512x2048xi1>, vector<512x2048xi32>
    %reduce_min3A_240 = arith.constant dense<2147483647> : vector<512xi32>
    %reduce_min3A_241 = vector.multi_reduction <minsi>, %select_n3A_239, %reduce_min3A_240 [1] : vector<512x2048xi32> to vector<512xi32>
    %mul3A_242 = arith.constant 8192 : i32
    %mul3A_243 = arith.muli %arg0, %mul3A_242 : i32
    %add3A_244 = vector.broadcast %mul3A_243 : i32 to vector<512xi32>
    %add3A_245 = arith.addi %reduce_min3A_241, %add3A_244 : vector<512xi32>
    %swap3A_246 = arith.constant 0 : index
    %swap3A_247 = arith.constant 6 : index
    %swap3A_248 = arith.constant 0 : index
    %swap3A_249 = vector.load %arg4[%swap3A_246, %swap3A_247, %swap3A_248] : memref<1x16x512xi32, #tpu.memory_space<vmem>>, vector<1x1x512xi32>
    %swap3A_250 = vector.shape_cast %swap3A_249 : vector<1x1x512xi32> to vector<512xi32>
    %swap3A_251 = vector.shape_cast %add3A_245 : vector<512xi32> to vector<1x1x512xi32>
    tpu.vector_store %arg4[%swap3A_246, %swap3A_247, %swap3A_248], %swap3A_251 {strides = array<i32>} : memref<1x16x512xi32, #tpu.memory_space<vmem>>, vector<1x1x512xi32>,
    %mul3A_252 = arith.constant 2048 : i32
    %mul3A_253 = arith.muli %arg0, %mul3A_252 : i32
    %add3A_254 = vector.broadcast %mul3A_253 : i32 to vector<512xi32>
    %add3A_255 = arith.addi %reduce_min3A_241, %add3A_254 : vector<512xi32>
    %swap3A_256 = arith.constant 0 : index
    %swap3A_257 = arith.constant 6 : index
    %swap3A_258 = arith.constant 0 : index
    %swap3A_259 = vector.load %arg5[%swap3A_256, %swap3A_257, %swap3A_258] : memref<1x16x512xi32, #tpu.memory_space<vmem>>, vector<1x1x512xi32>
    %swap3A_260 = vector.shape_cast %swap3A_259 : vector<1x1x512xi32> to vector<512xi32>
    %swap3A_261 = vector.shape_cast %add3A_255 : vector<512xi32> to vector<1x1x512xi32>
    tpu.vector_store %arg5[%swap3A_256, %swap3A_257, %swap3A_258], %swap3A_261 {strides = array<i32>} : memref<1x16x512xi32, #tpu.memory_space<vmem>>, vector<1x1x512xi32>,
    %broadcast_in_dim3A_262 = vector.shape_cast %reduce_min3A_241 : vector<512xi32> to vector<512x1xi32>
    %eq3A_263 = vector.broadcast %broadcast_in_dim3A_262 : vector<512x1xi32> to vector<512x2048xi32>
    %eq3A_264 = arith.cmpi eq, %iota3A, %eq3A_263 : vector<512x2048xi32>
    %jit3A_265 = arith.constant 0xFF800000 : f32
    %broadcast_in_dim3A_266 = vector.broadcast %jit3A_265 : f32 to vector<512x2048xf32>
    %select_n3A_267 = arith.select %eq3A_264, %broadcast_in_dim3A_266, %select_n3A_231 : vector<512x2048xi1>, vector<512x2048xf32>
    %reduce_max3A_268 = arith.constant dense<0xFF800000> : vector<512xf32>
    %reduce_max3A_269 = vector.multi_reduction <maximumf>, %select_n3A_267, %reduce_max3A_268 [1] : vector<512x2048xf32> to vector<512xf32>
    %broadcast_in_dim3A_270 = vector.shape_cast %reduce_max3A_269 : vector<512xf32> to vector<512x1xf32>
    %eq3A_271 = vector.broadcast %broadcast_in_dim3A_270 : vector<512x1xf32> to vector<512x2048xf32>
    %eq3A_272 = arith.cmpf oeq, %select_n3A_267, %eq3A_271 : vector<512x2048xf32>
    %jit3A_273 = arith.constant 2048 : i32
    %broadcast_in_dim3A_274 = vector.broadcast %jit3A_273 : i32 to vector<512x2048xi32>
    %select_n3A_275 = arith.select %eq3A_272, %iota3A, %broadcast_in_dim3A_274 : vector<512x2048xi1>, vector<512x2048xi32>
    %reduce_min3A_276 = arith.constant dense<2147483647> : vector<512xi32>
    %reduce_min3A_277 = vector.multi_reduction <minsi>, %select_n3A_275, %reduce_min3A_276 [1] : vector<512x2048xi32> to vector<512xi32>
    %mul3A_278 = arith.constant 8192 : i32
    %mul3A_279 = arith.muli %arg0, %mul3A_278 : i32
    %add3A_280 = vector.broadcast %mul3A_279 : i32 to vector<512xi32>
    %add3A_281 = arith.addi %reduce_min3A_277, %add3A_280 : vector<512xi32>
    %swap3A_282 = arith.constant 0 : index
    %swap3A_283 = arith.constant 7 : index
    %swap3A_284 = arith.constant 0 : index
    %swap3A_285 = vector.load %arg4[%swap3A_282, %swap3A_283, %swap3A_284] : memref<1x16x512xi32, #tpu.memory_space<vmem>>, vector<1x1x512xi32>
    %swap3A_286 = vector.shape_cast %swap3A_285 : vector<1x1x512xi32> to vector<512xi32>
    %swap3A_287 = vector.shape_cast %add3A_281 : vector<512xi32> to vector<1x1x512xi32>
    tpu.vector_store %arg4[%swap3A_282, %swap3A_283, %swap3A_284], %swap3A_287 {strides = array<i32>} : memref<1x16x512xi32, #tpu.memory_space<vmem>>, vector<1x1x512xi32>,
    %mul3A_288 = arith.constant 2048 : i32
    %mul3A_289 = arith.muli %arg0, %mul3A_288 : i32
    %add3A_290 = vector.broadcast %mul3A_289 : i32 to vector<512xi32>
    %add3A_291 = arith.addi %reduce_min3A_277, %add3A_290 : vector<512xi32>
    %swap3A_292 = arith.constant 0 : index
    %swap3A_293 = arith.constant 7 : index
    %swap3A_294 = arith.constant 0 : index
    %swap3A_295 = vector.load %arg5[%swap3A_292, %swap3A_293, %swap3A_294] : memref<1x16x512xi32, #tpu.memory_space<vmem>>, vector<1x1x512xi32>
    %swap3A_296 = vector.shape_cast %swap3A_295 : vector<1x1x512xi32> to vector<512xi32>
    %swap3A_297 = vector.shape_cast %add3A_291 : vector<512xi32> to vector<1x1x512xi32>
    tpu.vector_store %arg5[%swap3A_292, %swap3A_293, %swap3A_294], %swap3A_297 {strides = array<i32>} : memref<1x16x512xi32, #tpu.memory_space<vmem>>, vector<1x1x512xi32>,
    %broadcast_in_dim3A_298 = vector.shape_cast %reduce_min3A_277 : vector<512xi32> to vector<512x1xi32>
    %eq3A_299 = vector.broadcast %broadcast_in_dim3A_298 : vector<512x1xi32> to vector<512x2048xi32>
    %eq3A_300 = arith.cmpi eq, %iota3A, %eq3A_299 : vector<512x2048xi32>
    %jit3A_301 = arith.constant 0xFF800000 : f32
    %broadcast_in_dim3A_302 = vector.broadcast %jit3A_301 : f32 to vector<512x2048xf32>
    %select_n3A_303 = arith.select %eq3A_300, %broadcast_in_dim3A_302, %select_n3A_267 : vector<512x2048xi1>, vector<512x2048xf32>
    %reduce_max3A_304 = arith.constant dense<0xFF800000> : vector<512xf32>
    %reduce_max3A_305 = vector.multi_reduction <maximumf>, %select_n3A_303, %reduce_max3A_304 [1] : vector<512x2048xf32> to vector<512xf32>
    %broadcast_in_dim3A_306 = vector.shape_cast %reduce_max3A_305 : vector<512xf32> to vector<512x1xf32>
    %eq3A_307 = vector.broadcast %broadcast_in_dim3A_306 : vector<512x1xf32> to vector<512x2048xf32>
    %eq3A_308 = arith.cmpf oeq, %select_n3A_303, %eq3A_307 : vector<512x2048xf32>
    %jit3A_309 = arith.constant 2048 : i32
    %broadcast_in_dim3A_310 = vector.broadcast %jit3A_309 : i32 to vector<512x2048xi32>
    %select_n3A_311 = arith.select %eq3A_308, %iota3A, %broadcast_in_dim3A_310 : vector<512x2048xi1>, vector<512x2048xi32>
    %reduce_min3A_312 = arith.constant dense<2147483647> : vector<512xi32>
    %reduce_min3A_313 = vector.multi_reduction <minsi>, %select_n3A_311, %reduce_min3A_312 [1] : vector<512x2048xi32> to vector<512xi32>
    %mul3A_314 = arith.constant 8192 : i32
    %mul3A_315 = arith.muli %arg0, %mul3A_314 : i32
    %add3A_316 = vector.broadcast %mul3A_315 : i32 to vector<512xi32>
    %add3A_317 = arith.addi %reduce_min3A_313, %add3A_316 : vector<512xi32>
    %swap3A_318 = arith.constant 0 : index
    %swap3A_319 = arith.constant 8 : index
    %swap3A_320 = arith.constant 0 : index
    %swap3A_321 = vector.load %arg4[%swap3A_318, %swap3A_319, %swap3A_320] : memref<1x16x512xi32, #tpu.memory_space<vmem>>, vector<1x1x512xi32>
    %swap3A_322 = vector.shape_cast %swap3A_321 : vector<1x1x512xi32> to vector<512xi32>
    %swap3A_323 = vector.shape_cast %add3A_317 : vector<512xi32> to vector<1x1x512xi32>
    tpu.vector_store %arg4[%swap3A_318, %swap3A_319, %swap3A_320], %swap3A_323 {strides = array<i32>} : memref<1x16x512xi32, #tpu.memory_space<vmem>>, vector<1x1x512xi32>,
    %mul3A_324 = arith.constant 2048 : i32
    %mul3A_325 = arith.muli %arg0, %mul3A_324 : i32
    %add3A_326 = vector.broadcast %mul3A_325 : i32 to vector<512xi32>
    %add3A_327 = arith.addi %reduce_min3A_313, %add3A_326 : vector<512xi32>
    %swap3A_328 = arith.constant 0 : index
    %swap3A_329 = arith.constant 8 : index
    %swap3A_330 = arith.constant 0 : index
    %swap3A_331 = vector.load %arg5[%swap3A_328, %swap3A_329, %swap3A_330] : memref<1x16x512xi32, #tpu.memory_space<vmem>>, vector<1x1x512xi32>
    %swap3A_332 = vector.shape_cast %swap3A_331 : vector<1x1x512xi32> to vector<512xi32>
    %swap3A_333 = vector.shape_cast %add3A_327 : vector<512xi32> to vector<1x1x512xi32>
    tpu.vector_store %arg5[%swap3A_328, %swap3A_329, %swap3A_330], %swap3A_333 {strides = array<i32>} : memref<1x16x512xi32, #tpu.memory_space<vmem>>, vector<1x1x512xi32>,
    %broadcast_in_dim3A_334 = vector.shape_cast %reduce_min3A_313 : vector<512xi32> to vector<512x1xi32>
    %eq3A_335 = vector.broadcast %broadcast_in_dim3A_334 : vector<512x1xi32> to vector<512x2048xi32>
    %eq3A_336 = arith.cmpi eq, %iota3A, %eq3A_335 : vector<512x2048xi32>
    %jit3A_337 = arith.constant 0xFF800000 : f32
    %broadcast_in_dim3A_338 = vector.broadcast %jit3A_337 : f32 to vector<512x2048xf32>
    %select_n3A_339 = arith.select %eq3A_336, %broadcast_in_dim3A_338, %select_n3A_303 : vector<512x2048xi1>, vector<512x2048xf32>
    %reduce_max3A_340 = arith.constant dense<0xFF800000> : vector<512xf32>
    %reduce_max3A_341 = vector.multi_reduction <maximumf>, %select_n3A_339, %reduce_max3A_340 [1] : vector<512x2048xf32> to vector<512xf32>
    %broadcast_in_dim3A_342 = vector.shape_cast %reduce_max3A_341 : vector<512xf32> to vector<512x1xf32>
    %eq3A_343 = vector.broadcast %broadcast_in_dim3A_342 : vector<512x1xf32> to vector<512x2048xf32>
    %eq3A_344 = arith.cmpf oeq, %select_n3A_339, %eq3A_343 : vector<512x2048xf32>
    %jit3A_345 = arith.constant 2048 : i32
    %broadcast_in_dim3A_346 = vector.broadcast %jit3A_345 : i32 to vector<512x2048xi32>
    %select_n3A_347 = arith.select %eq3A_344, %iota3A, %broadcast_in_dim3A_346 : vector<512x2048xi1>, vector<512x2048xi32>
    %reduce_min3A_348 = arith.constant dense<2147483647> : vector<512xi32>
    %reduce_min3A_349 = vector.multi_reduction <minsi>, %select_n3A_347, %reduce_min3A_348 [1] : vector<512x2048xi32> to vector<512xi32>
    %mul3A_350 = arith.constant 8192 : i32
    %mul3A_351 = arith.muli %arg0, %mul3A_350 : i32
    %add3A_352 = vector.broadcast %mul3A_351 : i32 to vector<512xi32>
    %add3A_353 = arith.addi %reduce_min3A_349, %add3A_352 : vector<512xi32>
    %swap3A_354 = arith.constant 0 : index
    %swap3A_355 = arith.constant 9 : index
    %swap3A_356 = arith.constant 0 : index
    %swap3A_357 = vector.load %arg4[%swap3A_354, %swap3A_355, %swap3A_356] : memref<1x16x512xi32, #tpu.memory_space<vmem>>, vector<1x1x512xi32>
    %swap3A_358 = vector.shape_cast %swap3A_357 : vector<1x1x512xi32> to vector<512xi32>
    %swap3A_359 = vector.shape_cast %add3A_353 : vector<512xi32> to vector<1x1x512xi32>
    tpu.vector_store %arg4[%swap3A_354, %swap3A_355, %swap3A_356], %swap3A_359 {strides = array<i32>} : memref<1x16x512xi32, #tpu.memory_space<vmem>>, vector<1x1x512xi32>,
    %mul3A_360 = arith.constant 2048 : i32
    %mul3A_361 = arith.muli %arg0, %mul3A_360 : i32
    %add3A_362 = vector.broadcast %mul3A_361 : i32 to vector<512xi32>
    %add3A_363 = arith.addi %reduce_min3A_349, %add3A_362 : vector<512xi32>
    %swap3A_364 = arith.constant 0 : index
    %swap3A_365 = arith.constant 9 : index
    %swap3A_366 = arith.constant 0 : index
    %swap3A_367 = vector.load %arg5[%swap3A_364, %swap3A_365, %swap3A_366] : memref<1x16x512xi32, #tpu.memory_space<vmem>>, vector<1x1x512xi32>
    %swap3A_368 = vector.shape_cast %swap3A_367 : vector<1x1x512xi32> to vector<512xi32>
    %swap3A_369 = vector.shape_cast %add3A_363 : vector<512xi32> to vector<1x1x512xi32>
    tpu.vector_store %arg5[%swap3A_364, %swap3A_365, %swap3A_366], %swap3A_369 {strides = array<i32>} : memref<1x16x512xi32, #tpu.memory_space<vmem>>, vector<1x1x512xi32>,
    %broadcast_in_dim3A_370 = vector.shape_cast %reduce_min3A_349 : vector<512xi32> to vector<512x1xi32>
    %eq3A_371 = vector.broadcast %broadcast_in_dim3A_370 : vector<512x1xi32> to vector<512x2048xi32>
    %eq3A_372 = arith.cmpi eq, %iota3A, %eq3A_371 : vector<512x2048xi32>
    %jit3A_373 = arith.constant 0xFF800000 : f32
    %broadcast_in_dim3A_374 = vector.broadcast %jit3A_373 : f32 to vector<512x2048xf32>
    %select_n3A_375 = arith.select %eq3A_372, %broadcast_in_dim3A_374, %select_n3A_339 : vector<512x2048xi1>, vector<512x2048xf32>
    %reduce_max3A_376 = arith.constant dense<0xFF800000> : vector<512xf32>
    %reduce_max3A_377 = vector.multi_reduction <maximumf>, %select_n3A_375, %reduce_max3A_376 [1] : vector<512x2048xf32> to vector<512xf32>
    %broadcast_in_dim3A_378 = vector.shape_cast %reduce_max3A_377 : vector<512xf32> to vector<512x1xf32>
    %eq3A_379 = vector.broadcast %broadcast_in_dim3A_378 : vector<512x1xf32> to vector<512x2048xf32>
    %eq3A_380 = arith.cmpf oeq, %select_n3A_375, %eq3A_379 : vector<512x2048xf32>
    %jit3A_381 = arith.constant 2048 : i32
    %broadcast_in_dim3A_382 = vector.broadcast %jit3A_381 : i32 to vector<512x2048xi32>
    %select_n3A_383 = arith.select %eq3A_380, %iota3A, %broadcast_in_dim3A_382 : vector<512x2048xi1>, vector<512x2048xi32>
    %reduce_min3A_384 = arith.constant dense<2147483647> : vector<512xi32>
    %reduce_min3A_385 = vector.multi_reduction <minsi>, %select_n3A_383, %reduce_min3A_384 [1] : vector<512x2048xi32> to vector<512xi32>
    %mul3A_386 = arith.constant 8192 : i32
    %mul3A_387 = arith.muli %arg0, %mul3A_386 : i32
    %add3A_388 = vector.broadcast %mul3A_387 : i32 to vector<512xi32>
    %add3A_389 = arith.addi %reduce_min3A_385, %add3A_388 : vector<512xi32>
    %swap3A_390 = arith.constant 0 : index
    %swap3A_391 = arith.constant 10 : index
    %swap3A_392 = arith.constant 0 : index
    %swap3A_393 = vector.load %arg4[%swap3A_390, %swap3A_391, %swap3A_392] : memref<1x16x512xi32, #tpu.memory_space<vmem>>, vector<1x1x512xi32>
    %swap3A_394 = vector.shape_cast %swap3A_393 : vector<1x1x512xi32> to vector<512xi32>
    %swap3A_395 = vector.shape_cast %add3A_389 : vector<512xi32> to vector<1x1x512xi32>
    tpu.vector_store %arg4[%swap3A_390, %swap3A_391, %swap3A_392], %swap3A_395 {strides = array<i32>} : memref<1x16x512xi32, #tpu.memory_space<vmem>>, vector<1x1x512xi32>,
    %mul3A_396 = arith.constant 2048 : i32
    %mul3A_397 = arith.muli %arg0, %mul3A_396 : i32
    %add3A_398 = vector.broadcast %mul3A_397 : i32 to vector<512xi32>
    %add3A_399 = arith.addi %reduce_min3A_385, %add3A_398 : vector<512xi32>
    %swap3A_400 = arith.constant 0 : index
    %swap3A_401 = arith.constant 10 : index
    %swap3A_402 = arith.constant 0 : index
    %swap3A_403 = vector.load %arg5[%swap3A_400, %swap3A_401, %swap3A_402] : memref<1x16x512xi32, #tpu.memory_space<vmem>>, vector<1x1x512xi32>
    %swap3A_404 = vector.shape_cast %swap3A_403 : vector<1x1x512xi32> to vector<512xi32>
    %swap3A_405 = vector.shape_cast %add3A_399 : vector<512xi32> to vector<1x1x512xi32>
    tpu.vector_store %arg5[%swap3A_400, %swap3A_401, %swap3A_402], %swap3A_405 {strides = array<i32>} : memref<1x16x512xi32, #tpu.memory_space<vmem>>, vector<1x1x512xi32>,
    %broadcast_in_dim3A_406 = vector.shape_cast %reduce_min3A_385 : vector<512xi32> to vector<512x1xi32>
    %eq3A_407 = vector.broadcast %broadcast_in_dim3A_406 : vector<512x1xi32> to vector<512x2048xi32>
    %eq3A_408 = arith.cmpi eq, %iota3A, %eq3A_407 : vector<512x2048xi32>
    %jit3A_409 = arith.constant 0xFF800000 : f32
    %broadcast_in_dim3A_410 = vector.broadcast %jit3A_409 : f32 to vector<512x2048xf32>
    %select_n3A_411 = arith.select %eq3A_408, %broadcast_in_dim3A_410, %select_n3A_375 : vector<512x2048xi1>, vector<512x2048xf32>
    %reduce_max3A_412 = arith.constant dense<0xFF800000> : vector<512xf32>
    %reduce_max3A_413 = vector.multi_reduction <maximumf>, %select_n3A_411, %reduce_max3A_412 [1] : vector<512x2048xf32> to vector<512xf32>
    %broadcast_in_dim3A_414 = vector.shape_cast %reduce_max3A_413 : vector<512xf32> to vector<512x1xf32>
    %eq3A_415 = vector.broadcast %broadcast_in_dim3A_414 : vector<512x1xf32> to vector<512x2048xf32>
    %eq3A_416 = arith.cmpf oeq, %select_n3A_411, %eq3A_415 : vector<512x2048xf32>
    %jit3A_417 = arith.constant 2048 : i32
    %broadcast_in_dim3A_418 = vector.broadcast %jit3A_417 : i32 to vector<512x2048xi32>
    %select_n3A_419 = arith.select %eq3A_416, %iota3A, %broadcast_in_dim3A_418 : vector<512x2048xi1>, vector<512x2048xi32>
    %reduce_min3A_420 = arith.constant dense<2147483647> : vector<512xi32>
    %reduce_min3A_421 = vector.multi_reduction <minsi>, %select_n3A_419, %reduce_min3A_420 [1] : vector<512x2048xi32> to vector<512xi32>
    %mul3A_422 = arith.constant 8192 : i32
    %mul3A_423 = arith.muli %arg0, %mul3A_422 : i32
    %add3A_424 = vector.broadcast %mul3A_423 : i32 to vector<512xi32>
    %add3A_425 = arith.addi %reduce_min3A_421, %add3A_424 : vector<512xi32>
    %swap3A_426 = arith.constant 0 : index
    %swap3A_427 = arith.constant 11 : index
    %swap3A_428 = arith.constant 0 : index
    %swap3A_429 = vector.load %arg4[%swap3A_426, %swap3A_427, %swap3A_428] : memref<1x16x512xi32, #tpu.memory_space<vmem>>, vector<1x1x512xi32>
    %swap3A_430 = vector.shape_cast %swap3A_429 : vector<1x1x512xi32> to vector<512xi32>
    %swap3A_431 = vector.shape_cast %add3A_425 : vector<512xi32> to vector<1x1x512xi32>
    tpu.vector_store %arg4[%swap3A_426, %swap3A_427, %swap3A_428], %swap3A_431 {strides = array<i32>} : memref<1x16x512xi32, #tpu.memory_space<vmem>>, vector<1x1x512xi32>,
    %mul3A_432 = arith.constant 2048 : i32
    %mul3A_433 = arith.muli %arg0, %mul3A_432 : i32
    %add3A_434 = vector.broadcast %mul3A_433 : i32 to vector<512xi32>
    %add3A_435 = arith.addi %reduce_min3A_421, %add3A_434 : vector<512xi32>
    %swap3A_436 = arith.constant 0 : index
    %swap3A_437 = arith.constant 11 : index
    %swap3A_438 = arith.constant 0 : index
    %swap3A_439 = vector.load %arg5[%swap3A_436, %swap3A_437, %swap3A_438] : memref<1x16x512xi32, #tpu.memory_space<vmem>>, vector<1x1x512xi32>
    %swap3A_440 = vector.shape_cast %swap3A_439 : vector<1x1x512xi32> to vector<512xi32>
    %swap3A_441 = vector.shape_cast %add3A_435 : vector<512xi32> to vector<1x1x512xi32>
    tpu.vector_store %arg5[%swap3A_436, %swap3A_437, %swap3A_438], %swap3A_441 {strides = array<i32>} : memref<1x16x512xi32, #tpu.memory_space<vmem>>, vector<1x1x512xi32>,
    %broadcast_in_dim3A_442 = vector.shape_cast %reduce_min3A_421 : vector<512xi32> to vector<512x1xi32>
    %eq3A_443 = vector.broadcast %broadcast_in_dim3A_442 : vector<512x1xi32> to vector<512x2048xi32>
    %eq3A_444 = arith.cmpi eq, %iota3A, %eq3A_443 : vector<512x2048xi32>
    %jit3A_445 = arith.constant 0xFF800000 : f32
    %broadcast_in_dim3A_446 = vector.broadcast %jit3A_445 : f32 to vector<512x2048xf32>
    %select_n3A_447 = arith.select %eq3A_444, %broadcast_in_dim3A_446, %select_n3A_411 : vector<512x2048xi1>, vector<512x2048xf32>
    %reduce_max3A_448 = arith.constant dense<0xFF800000> : vector<512xf32>
    %reduce_max3A_449 = vector.multi_reduction <maximumf>, %select_n3A_447, %reduce_max3A_448 [1] : vector<512x2048xf32> to vector<512xf32>
    %broadcast_in_dim3A_450 = vector.shape_cast %reduce_max3A_449 : vector<512xf32> to vector<512x1xf32>
    %eq3A_451 = vector.broadcast %broadcast_in_dim3A_450 : vector<512x1xf32> to vector<512x2048xf32>
    %eq3A_452 = arith.cmpf oeq, %select_n3A_447, %eq3A_451 : vector<512x2048xf32>
    %jit3A_453 = arith.constant 2048 : i32
    %broadcast_in_dim3A_454 = vector.broadcast %jit3A_453 : i32 to vector<512x2048xi32>
    %select_n3A_455 = arith.select %eq3A_452, %iota3A, %broadcast_in_dim3A_454 : vector<512x2048xi1>, vector<512x2048xi32>
    %reduce_min3A_456 = arith.constant dense<2147483647> : vector<512xi32>
    %reduce_min3A_457 = vector.multi_reduction <minsi>, %select_n3A_455, %reduce_min3A_456 [1] : vector<512x2048xi32> to vector<512xi32>
    %mul3A_458 = arith.constant 8192 : i32
    %mul3A_459 = arith.muli %arg0, %mul3A_458 : i32
    %add3A_460 = vector.broadcast %mul3A_459 : i32 to vector<512xi32>
    %add3A_461 = arith.addi %reduce_min3A_457, %add3A_460 : vector<512xi32>
    %swap3A_462 = arith.constant 0 : index
    %swap3A_463 = arith.constant 12 : index
    %swap3A_464 = arith.constant 0 : index
    %swap3A_465 = vector.load %arg4[%swap3A_462, %swap3A_463, %swap3A_464] : memref<1x16x512xi32, #tpu.memory_space<vmem>>, vector<1x1x512xi32>
    %swap3A_466 = vector.shape_cast %swap3A_465 : vector<1x1x512xi32> to vector<512xi32>
    %swap3A_467 = vector.shape_cast %add3A_461 : vector<512xi32> to vector<1x1x512xi32>
    tpu.vector_store %arg4[%swap3A_462, %swap3A_463, %swap3A_464], %swap3A_467 {strides = array<i32>} : memref<1x16x512xi32, #tpu.memory_space<vmem>>, vector<1x1x512xi32>,
    %mul3A_468 = arith.constant 2048 : i32
    %mul3A_469 = arith.muli %arg0, %mul3A_468 : i32
    %add3A_470 = vector.broadcast %mul3A_469 : i32 to vector<512xi32>
    %add3A_471 = arith.addi %reduce_min3A_457, %add3A_470 : vector<512xi32>
    %swap3A_472 = arith.constant 0 : index
    %swap3A_473 = arith.constant 12 : index
    %swap3A_474 = arith.constant 0 : index
    %swap3A_475 = vector.load %arg5[%swap3A_472, %swap3A_473, %swap3A_474] : memref<1x16x512xi32, #tpu.memory_space<vmem>>, vector<1x1x512xi32>
    %swap3A_476 = vector.shape_cast %swap3A_475 : vector<1x1x512xi32> to vector<512xi32>
    %swap3A_477 = vector.shape_cast %add3A_471 : vector<512xi32> to vector<1x1x512xi32>
    tpu.vector_store %arg5[%swap3A_472, %swap3A_473, %swap3A_474], %swap3A_477 {strides = array<i32>} : memref<1x16x512xi32, #tpu.memory_space<vmem>>, vector<1x1x512xi32>,
    %broadcast_in_dim3A_478 = vector.shape_cast %reduce_min3A_457 : vector<512xi32> to vector<512x1xi32>
    %eq3A_479 = vector.broadcast %broadcast_in_dim3A_478 : vector<512x1xi32> to vector<512x2048xi32>
    %eq3A_480 = arith.cmpi eq, %iota3A, %eq3A_479 : vector<512x2048xi32>
    %jit3A_481 = arith.constant 0xFF800000 : f32
    %broadcast_in_dim3A_482 = vector.broadcast %jit3A_481 : f32 to vector<512x2048xf32>
    %select_n3A_483 = arith.select %eq3A_480, %broadcast_in_dim3A_482, %select_n3A_447 : vector<512x2048xi1>, vector<512x2048xf32>
    %reduce_max3A_484 = arith.constant dense<0xFF800000> : vector<512xf32>
    %reduce_max3A_485 = vector.multi_reduction <maximumf>, %select_n3A_483, %reduce_max3A_484 [1] : vector<512x2048xf32> to vector<512xf32>
    %broadcast_in_dim3A_486 = vector.shape_cast %reduce_max3A_485 : vector<512xf32> to vector<512x1xf32>
    %eq3A_487 = vector.broadcast %broadcast_in_dim3A_486 : vector<512x1xf32> to vector<512x2048xf32>
    %eq3A_488 = arith.cmpf oeq, %select_n3A_483, %eq3A_487 : vector<512x2048xf32>
    %jit3A_489 = arith.constant 2048 : i32
    %broadcast_in_dim3A_490 = vector.broadcast %jit3A_489 : i32 to vector<512x2048xi32>
    %select_n3A_491 = arith.select %eq3A_488, %iota3A, %broadcast_in_dim3A_490 : vector<512x2048xi1>, vector<512x2048xi32>
    %reduce_min3A_492 = arith.constant dense<2147483647> : vector<512xi32>
    %reduce_min3A_493 = vector.multi_reduction <minsi>, %select_n3A_491, %reduce_min3A_492 [1] : vector<512x2048xi32> to vector<512xi32>
    %mul3A_494 = arith.constant 8192 : i32
    %mul3A_495 = arith.muli %arg0, %mul3A_494 : i32
    %add3A_496 = vector.broadcast %mul3A_495 : i32 to vector<512xi32>
    %add3A_497 = arith.addi %reduce_min3A_493, %add3A_496 : vector<512xi32>
    %swap3A_498 = arith.constant 0 : index
    %swap3A_499 = arith.constant 13 : index
    %swap3A_500 = arith.constant 0 : index
    %swap3A_501 = vector.load %arg4[%swap3A_498, %swap3A_499, %swap3A_500] : memref<1x16x512xi32, #tpu.memory_space<vmem>>, vector<1x1x512xi32>
    %swap3A_502 = vector.shape_cast %swap3A_501 : vector<1x1x512xi32> to vector<512xi32>
    %swap3A_503 = vector.shape_cast %add3A_497 : vector<512xi32> to vector<1x1x512xi32>
    tpu.vector_store %arg4[%swap3A_498, %swap3A_499, %swap3A_500], %swap3A_503 {strides = array<i32>} : memref<1x16x512xi32, #tpu.memory_space<vmem>>, vector<1x1x512xi32>,
    %mul3A_504 = arith.constant 2048 : i32
    %mul3A_505 = arith.muli %arg0, %mul3A_504 : i32
    %add3A_506 = vector.broadcast %mul3A_505 : i32 to vector<512xi32>
    %add3A_507 = arith.addi %reduce_min3A_493, %add3A_506 : vector<512xi32>
    %swap3A_508 = arith.constant 0 : index
    %swap3A_509 = arith.constant 13 : index
    %swap3A_510 = arith.constant 0 : index
    %swap3A_511 = vector.load %arg5[%swap3A_508, %swap3A_509, %swap3A_510] : memref<1x16x512xi32, #tpu.memory_space<vmem>>, vector<1x1x512xi32>
    %swap3A_512 = vector.shape_cast %swap3A_511 : vector<1x1x512xi32> to vector<512xi32>
    %swap3A_513 = vector.shape_cast %add3A_507 : vector<512xi32> to vector<1x1x512xi32>
    tpu.vector_store %arg5[%swap3A_508, %swap3A_509, %swap3A_510], %swap3A_513 {strides = array<i32>} : memref<1x16x512xi32, #tpu.memory_space<vmem>>, vector<1x1x512xi32>,
    %broadcast_in_dim3A_514 = vector.shape_cast %reduce_min3A_493 : vector<512xi32> to vector<512x1xi32>
    %eq3A_515 = vector.broadcast %broadcast_in_dim3A_514 : vector<512x1xi32> to vector<512x2048xi32>
    %eq3A_516 = arith.cmpi eq, %iota3A, %eq3A_515 : vector<512x2048xi32>
    %jit3A_517 = arith.constant 0xFF800000 : f32
    %broadcast_in_dim3A_518 = vector.broadcast %jit3A_517 : f32 to vector<512x2048xf32>
    %select_n3A_519 = arith.select %eq3A_516, %broadcast_in_dim3A_518, %select_n3A_483 : vector<512x2048xi1>, vector<512x2048xf32>
    %reduce_max3A_520 = arith.constant dense<0xFF800000> : vector<512xf32>
    %reduce_max3A_521 = vector.multi_reduction <maximumf>, %select_n3A_519, %reduce_max3A_520 [1] : vector<512x2048xf32> to vector<512xf32>
    %broadcast_in_dim3A_522 = vector.shape_cast %reduce_max3A_521 : vector<512xf32> to vector<512x1xf32>
    %eq3A_523 = vector.broadcast %broadcast_in_dim3A_522 : vector<512x1xf32> to vector<512x2048xf32>
    %eq3A_524 = arith.cmpf oeq, %select_n3A_519, %eq3A_523 : vector<512x2048xf32>
    %jit3A_525 = arith.constant 2048 : i32
    %broadcast_in_dim3A_526 = vector.broadcast %jit3A_525 : i32 to vector<512x2048xi32>
    %select_n3A_527 = arith.select %eq3A_524, %iota3A, %broadcast_in_dim3A_526 : vector<512x2048xi1>, vector<512x2048xi32>
    %reduce_min3A_528 = arith.constant dense<2147483647> : vector<512xi32>
    %reduce_min3A_529 = vector.multi_reduction <minsi>, %select_n3A_527, %reduce_min3A_528 [1] : vector<512x2048xi32> to vector<512xi32>
    %mul3A_530 = arith.constant 8192 : i32
    %mul3A_531 = arith.muli %arg0, %mul3A_530 : i32
    %add3A_532 = vector.broadcast %mul3A_531 : i32 to vector<512xi32>
    %add3A_533 = arith.addi %reduce_min3A_529, %add3A_532 : vector<512xi32>
    %swap3A_534 = arith.constant 0 : index
    %swap3A_535 = arith.constant 14 : index
    %swap3A_536 = arith.constant 0 : index
    %swap3A_537 = vector.load %arg4[%swap3A_534, %swap3A_535, %swap3A_536] : memref<1x16x512xi32, #tpu.memory_space<vmem>>, vector<1x1x512xi32>
    %swap3A_538 = vector.shape_cast %swap3A_537 : vector<1x1x512xi32> to vector<512xi32>
    %swap3A_539 = vector.shape_cast %add3A_533 : vector<512xi32> to vector<1x1x512xi32>
    tpu.vector_store %arg4[%swap3A_534, %swap3A_535, %swap3A_536], %swap3A_539 {strides = array<i32>} : memref<1x16x512xi32, #tpu.memory_space<vmem>>, vector<1x1x512xi32>,
    %mul3A_540 = arith.constant 2048 : i32
    %mul3A_541 = arith.muli %arg0, %mul3A_540 : i32
    %add3A_542 = vector.broadcast %mul3A_541 : i32 to vector<512xi32>
    %add3A_543 = arith.addi %reduce_min3A_529, %add3A_542 : vector<512xi32>
    %swap3A_544 = arith.constant 0 : index
    %swap3A_545 = arith.constant 14 : index
    %swap3A_546 = arith.constant 0 : index
    %swap3A_547 = vector.load %arg5[%swap3A_544, %swap3A_545, %swap3A_546] : memref<1x16x512xi32, #tpu.memory_space<vmem>>, vector<1x1x512xi32>
    %swap3A_548 = vector.shape_cast %swap3A_547 : vector<1x1x512xi32> to vector<512xi32>
    %swap3A_549 = vector.shape_cast %add3A_543 : vector<512xi32> to vector<1x1x512xi32>
    tpu.vector_store %arg5[%swap3A_544, %swap3A_545, %swap3A_546], %swap3A_549 {strides = array<i32>} : memref<1x16x512xi32, #tpu.memory_space<vmem>>, vector<1x1x512xi32>,
    %broadcast_in_dim3A_550 = vector.shape_cast %reduce_min3A_529 : vector<512xi32> to vector<512x1xi32>
    %eq3A_551 = vector.broadcast %broadcast_in_dim3A_550 : vector<512x1xi32> to vector<512x2048xi32>
    %eq3A_552 = arith.cmpi eq, %iota3A, %eq3A_551 : vector<512x2048xi32>
    %jit3A_553 = arith.constant 0xFF800000 : f32
    %broadcast_in_dim3A_554 = vector.broadcast %jit3A_553 : f32 to vector<512x2048xf32>
    %select_n3A_555 = arith.select %eq3A_552, %broadcast_in_dim3A_554, %select_n3A_519 : vector<512x2048xi1>, vector<512x2048xf32>
    %reduce_max3A_556 = arith.constant dense<0xFF800000> : vector<512xf32>
    %reduce_max3A_557 = vector.multi_reduction <maximumf>, %select_n3A_555, %reduce_max3A_556 [1] : vector<512x2048xf32> to vector<512xf32>
    %broadcast_in_dim3A_558 = vector.shape_cast %reduce_max3A_557 : vector<512xf32> to vector<512x1xf32>
    %eq3A_559 = vector.broadcast %broadcast_in_dim3A_558 : vector<512x1xf32> to vector<512x2048xf32>
    %eq3A_560 = arith.cmpf oeq, %select_n3A_555, %eq3A_559 : vector<512x2048xf32>
    %jit3A_561 = arith.constant 2048 : i32
    %broadcast_in_dim3A_562 = vector.broadcast %jit3A_561 : i32 to vector<512x2048xi32>
    %select_n3A_563 = arith.select %eq3A_560, %iota3A, %broadcast_in_dim3A_562 : vector<512x2048xi1>, vector<512x2048xi32>
    %reduce_min3A_564 = arith.constant dense<2147483647> : vector<512xi32>
    %reduce_min3A_565 = vector.multi_reduction <minsi>, %select_n3A_563, %reduce_min3A_564 [1] : vector<512x2048xi32> to vector<512xi32>
    %mul3A_566 = arith.constant 8192 : i32
    %mul3A_567 = arith.muli %arg0, %mul3A_566 : i32
    %add3A_568 = vector.broadcast %mul3A_567 : i32 to vector<512xi32>
    %add3A_569 = arith.addi %reduce_min3A_565, %add3A_568 : vector<512xi32>
    %swap3A_570 = arith.constant 0 : index
    %swap3A_571 = arith.constant 15 : index
    %swap3A_572 = arith.constant 0 : index
    %swap3A_573 = vector.load %arg4[%swap3A_570, %swap3A_571, %swap3A_572] : memref<1x16x512xi32, #tpu.memory_space<vmem>>, vector<1x1x512xi32>
    %swap3A_574 = vector.shape_cast %swap3A_573 : vector<1x1x512xi32> to vector<512xi32>
    %swap3A_575 = vector.shape_cast %add3A_569 : vector<512xi32> to vector<1x1x512xi32>
    tpu.vector_store %arg4[%swap3A_570, %swap3A_571, %swap3A_572], %swap3A_575 {strides = array<i32>} : memref<1x16x512xi32, #tpu.memory_space<vmem>>, vector<1x1x512xi32>,
    %mul3A_576 = arith.constant 2048 : i32
    %mul3A_577 = arith.muli %arg0, %mul3A_576 : i32
    %add3A_578 = vector.broadcast %mul3A_577 : i32 to vector<512xi32>
    %add3A_579 = arith.addi %reduce_min3A_565, %add3A_578 : vector<512xi32>
    %swap3A_580 = arith.constant 0 : index
    %swap3A_581 = arith.constant 15 : index
    %swap3A_582 = arith.constant 0 : index
    %swap3A_583 = vector.load %arg5[%swap3A_580, %swap3A_581, %swap3A_582] : memref<1x16x512xi32, #tpu.memory_space<vmem>>, vector<1x1x512xi32>
    %swap3A_584 = vector.shape_cast %swap3A_583 : vector<1x1x512xi32> to vector<512xi32>
    %swap3A_585 = vector.shape_cast %add3A_579 : vector<512xi32> to vector<1x1x512xi32>
    tpu.vector_store %arg5[%swap3A_580, %swap3A_581, %swap3A_582], %swap3A_585 {strides = array<i32>} : memref<1x16x512xi32, #tpu.memory_space<vmem>>, vector<1x1x512xi32>,
    return
  }
  func.func @transform_0(%arg0: i32, %arg1: i32) -> (i32, i32, i32) {
    %c0_i32 = arith.constant 0 : i32
    %c0_i32_0 = arith.constant 0 : i32
    return %arg0, %arg1, %c0_i32 : i32, i32, i32
  }
  func.func @transform_1(%arg0: i32, %arg1: i32) -> (i32, i32, i32) {
    %c0_i32 = arith.constant 0 : i32
    %c0_i32_0 = arith.constant 0 : i32
    %c0_i32_1 = arith.constant 0 : i32
    return %arg0, %c0_i32, %c0_i32_0 : i32, i32, i32
  }
  func.func @transform_2(%arg0: i32, %arg1: i32) -> (i32, i32, i32) {
    %c0_i32 = arith.constant 0 : i32
    %c0_i32_0 = arith.constant 0 : i32
    return %arg0, %c0_i32, %arg1 : i32, i32, i32
  }
  func.func @transform_3(%arg0: i32, %arg1: i32) -> (i32, i32, i32) {
    %c0_i32 = arith.constant 0 : i32
    %c0_i32_0 = arith.constant 0 : i32
    return %arg0, %c0_i32, %arg1 : i32, i32, i32
  }
}

module attributes {stable_mosaic.version = 14 : i64} {
  func.func @_dense_body(%arg0: i32, %arg1: i32, %arg2: memref<1x16x256x64xf32, #tpu.memory_space<vmem>>, %arg3: memref<1x16x256x64xf32, #tpu.memory_space<vmem>>, %arg4: memref<64x16xf32, #tpu.memory_space<vmem>>, %arg5: memref<1x16xf32, #tpu.memory_space<vmem>>, %arg6: memref<16x8xf32, #tpu.memory_space<vmem>>, %arg7: memref<1x8xf32, #tpu.memory_space<vmem>>, %arg8: memref<64x512xf32, #tpu.memory_space<vmem>>, %arg9: memref<1x64x256xf32, #tpu.memory_space<vmem>>) attributes {dimension_semantics = [#tpu.dimension_semantics<arbitrary>, #tpu.dimension_semantics<arbitrary>], iteration_bounds = array<i64: 2, 8>, scalar_prefetch = 0 : i64, scratch_operands = 0 : i64, tpu.core_type = #tpu.core_type<tc>, window_params = [{transform_indices = @transform_0, window_bounds = array<i64: 1, 16, 256, 64>}, {transform_indices = @transform_1, window_bounds = array<i64: 1, 16, 256, 64>}, {pipeline_mode = #tpu.pipeline_mode<synchronous>, transform_indices = @transform_2, window_bounds = array<i64: 64, 16>}, {pipeline_mode = #tpu.pipeline_mode<synchronous>, transform_indices = @transform_3, window_bounds = array<i64: 1, 16>}, {pipeline_mode = #tpu.pipeline_mode<synchronous>, transform_indices = @transform_4, window_bounds = array<i64: 16, 8>}, {pipeline_mode = #tpu.pipeline_mode<synchronous>, transform_indices = @transform_5, window_bounds = array<i64: 1, 8>}, {pipeline_mode = #tpu.pipeline_mode<synchronous>, transform_indices = @transform_6, window_bounds = array<i64: 64, 512>}, {transform_indices = @transform_7, window_bounds = array<i64: 1, 64, 256>}]} {
    %get3A = arith.constant 0 : index
    %get3A_0 = arith.constant 0 : index
    %get3A_1 = arith.constant 0 : index
    %get3A_2 = arith.constant 0 : index
    %get3A_3 = vector.load %arg2[%get3A, %get3A_0, %get3A_1, %get3A_2] : memref<1x16x256x64xf32, #tpu.memory_space<vmem>>, vector<1x16x256x64xf32>
    %get3A_4 = vector.shape_cast %get3A_3 : vector<1x16x256x64xf32> to vector<16x256x64xf32>
    %reshape3A = vector.shape_cast %get3A_4 : vector<16x256x64xf32> to vector<4096x64xf32>
    %get3A_5 = arith.constant 0 : index
    %get3A_6 = arith.constant 0 : index
    %get3A_7 = vector.load %arg4[%get3A_5, %get3A_6] : memref<64x16xf32, #tpu.memory_space<vmem>>, vector<64x16xf32>
    %dot_general3A = arith.constant dense<0.000000e+00> : vector<4096x16xf32>
    %dot_general3A_8 = tpu.matmul %reshape3A, %get3A_7, %dot_general3A {dimension_numbers = #tpu.dot_dimension_numbers<[1], [0], [0], [1], [0, 0, 1, 1], [], []>, transpose_lhs_hint = false} : vector<4096x64xf32>, vector<64x16xf32>, vector<4096x16xf32> -> vector<4096x16xf32>
    %get3A_9 = arith.constant 0 : index
    %get3A_10 = arith.constant 0 : index
    %get3A_11 = vector.load %arg5[%get3A_9, %get3A_10] : memref<1x16xf32, #tpu.memory_space<vmem>>, vector<1x16xf32>
    %add3A = vector.broadcast %get3A_11 : vector<1x16xf32> to vector<4096x16xf32>
    %add3A_12 = arith.addf %dot_general3A_8, %add3A : vector<4096x16xf32>
    %max3A = arith.constant 0.000000e+00 : f32
    %max3A_13 = vector.broadcast %max3A : f32 to vector<4096x16xf32>
    %max3A_14 = arith.maximumf %add3A_12, %max3A_13 : vector<4096x16xf32>
    %get3A_15 = arith.constant 0 : index
    %get3A_16 = arith.constant 0 : index
    %get3A_17 = vector.load %arg6[%get3A_15, %get3A_16] : memref<16x8xf32, #tpu.memory_space<vmem>>, vector<16x8xf32>
    %dot_general3A_18 = arith.constant dense<0.000000e+00> : vector<4096x8xf32>
    %dot_general3A_19 = tpu.matmul %max3A_14, %get3A_17, %dot_general3A_18 {dimension_numbers = #tpu.dot_dimension_numbers<[1], [0], [0], [1], [0, 0, 1, 1], [], []>, transpose_lhs_hint = false} : vector<4096x16xf32>, vector<16x8xf32>, vector<4096x8xf32> -> vector<4096x8xf32>
    %get3A_20 = arith.constant 0 : index
    %get3A_21 = arith.constant 0 : index
    %get3A_22 = vector.load %arg7[%get3A_20, %get3A_21] : memref<1x8xf32, #tpu.memory_space<vmem>>, vector<1x8xf32>
    %add3A_23 = vector.broadcast %get3A_22 : vector<1x8xf32> to vector<4096x8xf32>
    %add3A_24 = arith.addf %dot_general3A_19, %add3A_23 : vector<4096x8xf32>
    %reduce_max3A = arith.constant dense<0xFF800000> : vector<4096xf32>
    %reduce_max3A_25 = vector.multi_reduction <maximumf>, %add3A_24, %reduce_max3A [1] : vector<4096x8xf32> to vector<4096xf32>
    %broadcast_in_dim3A = vector.shape_cast %reduce_max3A_25 : vector<4096xf32> to vector<4096x1xf32>
    %sub3A = vector.broadcast %broadcast_in_dim3A : vector<4096x1xf32> to vector<4096x8xf32>
    %sub3A_26 = arith.subf %add3A_24, %sub3A : vector<4096x8xf32>
    %exp3A = math.exp %sub3A_26 : vector<4096x8xf32>
    %reduce_sum3A = arith.constant dense<0.000000e+00> : vector<4096xf32>
    %reduce_sum3A_27 = vector.multi_reduction <add>, %exp3A, %reduce_sum3A [1] : vector<4096x8xf32> to vector<4096xf32>
    %broadcast_in_dim3A_28 = vector.shape_cast %reduce_sum3A_27 : vector<4096xf32> to vector<4096x1xf32>
    %div3A = vector.broadcast %broadcast_in_dim3A_28 : vector<4096x1xf32> to vector<4096x8xf32>
    %div3A_29 = arith.divf %exp3A, %div3A : vector<4096x8xf32>
    %reshape3A_30 = vector.shape_cast %div3A_29 : vector<4096x8xf32> to vector<16x256x8xf32>
    %get3A_31 = arith.constant 0 : index
    %get3A_32 = arith.constant 0 : index
    %get3A_33 = arith.constant 0 : index
    %get3A_34 = arith.constant 0 : index
    %get3A_35 = vector.load %arg3[%get3A_31, %get3A_32, %get3A_33, %get3A_34] : memref<1x16x256x64xf32, #tpu.memory_space<vmem>>, vector<1x16x256x64xf32>
    %get3A_36 = vector.shape_cast %get3A_35 : vector<1x16x256x64xf32> to vector<16x256x64xf32>
    %broadcast_in_dim3A_37 = arith.constant 0.000000e+00 : f32
    %broadcast_in_dim3A_38 = vector.broadcast %broadcast_in_dim3A_37 : f32 to vector<64x256xf32>
    %slice3A = vector.extract_strided_slice %reshape3A_30 {offsets = [0, 0, 0], sizes = [16, 256, 1], strides = [1, 1, 1]} : vector<16x256x8xf32> to vector<16x256x1xf32>
    %mul3A = vector.broadcast %slice3A : vector<16x256x1xf32> to vector<16x256x64xf32>
    %mul3A_39 = arith.mulf %get3A_36, %mul3A : vector<16x256x64xf32>
    %reduce_sum3A_40 = arith.constant dense<0.000000e+00> : vector<256x64xf32>
    %reduce_sum3A_41 = vector.multi_reduction <add>, %mul3A_39, %reduce_sum3A_40 [0] : vector<16x256x64xf32> to vector<256x64xf32>
    %get3A_42 = arith.constant 0 : index
    %get3A_43 = arith.constant 0 : index
    %get3A_44 = vector.load %arg8[%get3A_42, %get3A_43] : memref<64x512xf32, #tpu.memory_space<vmem>>, vector<64x64xf32>
    %dot_general3A_45 = arith.constant dense<0.000000e+00> : vector<64x256xf32>
    %dot_general3A_46 = tpu.matmul %get3A_44, %reduce_sum3A_41, %dot_general3A_45 {dimension_numbers = #tpu.dot_dimension_numbers<[0], [1], [1], [0], [0, 1, 1, 0], [], []>, transpose_lhs_hint = false} : vector<64x64xf32>, vector<256x64xf32>, vector<64x256xf32> -> vector<64x256xf32>
    %add3A_47 = arith.addf %broadcast_in_dim3A_38, %dot_general3A_46 : vector<64x256xf32>
    %slice3A_48 = vector.extract_strided_slice %reshape3A_30 {offsets = [0, 0, 1], sizes = [16, 256, 1], strides = [1, 1, 1]} : vector<16x256x8xf32> to vector<16x256x1xf32>
    %mul3A_49 = vector.broadcast %slice3A_48 : vector<16x256x1xf32> to vector<16x256x64xf32>
    %mul3A_50 = arith.mulf %get3A_36, %mul3A_49 : vector<16x256x64xf32>
    %reduce_sum3A_51 = arith.constant dense<0.000000e+00> : vector<256x64xf32>
    %reduce_sum3A_52 = vector.multi_reduction <add>, %mul3A_50, %reduce_sum3A_51 [0] : vector<16x256x64xf32> to vector<256x64xf32>
    %get3A_53 = arith.constant 0 : index
    %get3A_54 = arith.constant 64 : index
    %get3A_55 = vector.load %arg8[%get3A_53, %get3A_54] : memref<64x512xf32, #tpu.memory_space<vmem>>, vector<64x64xf32>
    %dot_general3A_56 = arith.constant dense<0.000000e+00> : vector<64x256xf32>
    %dot_general3A_57 = tpu.matmul %get3A_55, %reduce_sum3A_52, %dot_general3A_56 {dimension_numbers = #tpu.dot_dimension_numbers<[0], [1], [1], [0], [0, 1, 1, 0], [], []>, transpose_lhs_hint = false} : vector<64x64xf32>, vector<256x64xf32>, vector<64x256xf32> -> vector<64x256xf32>
    %add3A_58 = arith.addf %add3A_47, %dot_general3A_57 : vector<64x256xf32>
    %slice3A_59 = vector.extract_strided_slice %reshape3A_30 {offsets = [0, 0, 2], sizes = [16, 256, 1], strides = [1, 1, 1]} : vector<16x256x8xf32> to vector<16x256x1xf32>
    %mul3A_60 = vector.broadcast %slice3A_59 : vector<16x256x1xf32> to vector<16x256x64xf32>
    %mul3A_61 = arith.mulf %get3A_36, %mul3A_60 : vector<16x256x64xf32>
    %reduce_sum3A_62 = arith.constant dense<0.000000e+00> : vector<256x64xf32>
    %reduce_sum3A_63 = vector.multi_reduction <add>, %mul3A_61, %reduce_sum3A_62 [0] : vector<16x256x64xf32> to vector<256x64xf32>
    %get3A_64 = arith.constant 0 : index
    %get3A_65 = arith.constant 128 : index
    %get3A_66 = vector.load %arg8[%get3A_64, %get3A_65] : memref<64x512xf32, #tpu.memory_space<vmem>>, vector<64x64xf32>
    %dot_general3A_67 = arith.constant dense<0.000000e+00> : vector<64x256xf32>
    %dot_general3A_68 = tpu.matmul %get3A_66, %reduce_sum3A_63, %dot_general3A_67 {dimension_numbers = #tpu.dot_dimension_numbers<[0], [1], [1], [0], [0, 1, 1, 0], [], []>, transpose_lhs_hint = false} : vector<64x64xf32>, vector<256x64xf32>, vector<64x256xf32> -> vector<64x256xf32>
    %add3A_69 = arith.addf %add3A_58, %dot_general3A_68 : vector<64x256xf32>
    %slice3A_70 = vector.extract_strided_slice %reshape3A_30 {offsets = [0, 0, 3], sizes = [16, 256, 1], strides = [1, 1, 1]} : vector<16x256x8xf32> to vector<16x256x1xf32>
    %mul3A_71 = vector.broadcast %slice3A_70 : vector<16x256x1xf32> to vector<16x256x64xf32>
    %mul3A_72 = arith.mulf %get3A_36, %mul3A_71 : vector<16x256x64xf32>
    %reduce_sum3A_73 = arith.constant dense<0.000000e+00> : vector<256x64xf32>
    %reduce_sum3A_74 = vector.multi_reduction <add>, %mul3A_72, %reduce_sum3A_73 [0] : vector<16x256x64xf32> to vector<256x64xf32>
    %get3A_75 = arith.constant 0 : index
    %get3A_76 = arith.constant 192 : index
    %get3A_77 = vector.load %arg8[%get3A_75, %get3A_76] : memref<64x512xf32, #tpu.memory_space<vmem>>, vector<64x64xf32>
    %dot_general3A_78 = arith.constant dense<0.000000e+00> : vector<64x256xf32>
    %dot_general3A_79 = tpu.matmul %get3A_77, %reduce_sum3A_74, %dot_general3A_78 {dimension_numbers = #tpu.dot_dimension_numbers<[0], [1], [1], [0], [0, 1, 1, 0], [], []>, transpose_lhs_hint = false} : vector<64x64xf32>, vector<256x64xf32>, vector<64x256xf32> -> vector<64x256xf32>
    %add3A_80 = arith.addf %add3A_69, %dot_general3A_79 : vector<64x256xf32>
    %slice3A_81 = vector.extract_strided_slice %reshape3A_30 {offsets = [0, 0, 4], sizes = [16, 256, 1], strides = [1, 1, 1]} : vector<16x256x8xf32> to vector<16x256x1xf32>
    %mul3A_82 = vector.broadcast %slice3A_81 : vector<16x256x1xf32> to vector<16x256x64xf32>
    %mul3A_83 = arith.mulf %get3A_36, %mul3A_82 : vector<16x256x64xf32>
    %reduce_sum3A_84 = arith.constant dense<0.000000e+00> : vector<256x64xf32>
    %reduce_sum3A_85 = vector.multi_reduction <add>, %mul3A_83, %reduce_sum3A_84 [0] : vector<16x256x64xf32> to vector<256x64xf32>
    %get3A_86 = arith.constant 0 : index
    %get3A_87 = arith.constant 256 : index
    %get3A_88 = vector.load %arg8[%get3A_86, %get3A_87] : memref<64x512xf32, #tpu.memory_space<vmem>>, vector<64x64xf32>
    %dot_general3A_89 = arith.constant dense<0.000000e+00> : vector<64x256xf32>
    %dot_general3A_90 = tpu.matmul %get3A_88, %reduce_sum3A_85, %dot_general3A_89 {dimension_numbers = #tpu.dot_dimension_numbers<[0], [1], [1], [0], [0, 1, 1, 0], [], []>, transpose_lhs_hint = false} : vector<64x64xf32>, vector<256x64xf32>, vector<64x256xf32> -> vector<64x256xf32>
    %add3A_91 = arith.addf %add3A_80, %dot_general3A_90 : vector<64x256xf32>
    %slice3A_92 = vector.extract_strided_slice %reshape3A_30 {offsets = [0, 0, 5], sizes = [16, 256, 1], strides = [1, 1, 1]} : vector<16x256x8xf32> to vector<16x256x1xf32>
    %mul3A_93 = vector.broadcast %slice3A_92 : vector<16x256x1xf32> to vector<16x256x64xf32>
    %mul3A_94 = arith.mulf %get3A_36, %mul3A_93 : vector<16x256x64xf32>
    %reduce_sum3A_95 = arith.constant dense<0.000000e+00> : vector<256x64xf32>
    %reduce_sum3A_96 = vector.multi_reduction <add>, %mul3A_94, %reduce_sum3A_95 [0] : vector<16x256x64xf32> to vector<256x64xf32>
    %get3A_97 = arith.constant 0 : index
    %get3A_98 = arith.constant 320 : index
    %get3A_99 = vector.load %arg8[%get3A_97, %get3A_98] : memref<64x512xf32, #tpu.memory_space<vmem>>, vector<64x64xf32>
    %dot_general3A_100 = arith.constant dense<0.000000e+00> : vector<64x256xf32>
    %dot_general3A_101 = tpu.matmul %get3A_99, %reduce_sum3A_96, %dot_general3A_100 {dimension_numbers = #tpu.dot_dimension_numbers<[0], [1], [1], [0], [0, 1, 1, 0], [], []>, transpose_lhs_hint = false} : vector<64x64xf32>, vector<256x64xf32>, vector<64x256xf32> -> vector<64x256xf32>
    %add3A_102 = arith.addf %add3A_91, %dot_general3A_101 : vector<64x256xf32>
    %slice3A_103 = vector.extract_strided_slice %reshape3A_30 {offsets = [0, 0, 6], sizes = [16, 256, 1], strides = [1, 1, 1]} : vector<16x256x8xf32> to vector<16x256x1xf32>
    %mul3A_104 = vector.broadcast %slice3A_103 : vector<16x256x1xf32> to vector<16x256x64xf32>
    %mul3A_105 = arith.mulf %get3A_36, %mul3A_104 : vector<16x256x64xf32>
    %reduce_sum3A_106 = arith.constant dense<0.000000e+00> : vector<256x64xf32>
    %reduce_sum3A_107 = vector.multi_reduction <add>, %mul3A_105, %reduce_sum3A_106 [0] : vector<16x256x64xf32> to vector<256x64xf32>
    %get3A_108 = arith.constant 0 : index
    %get3A_109 = arith.constant 384 : index
    %get3A_110 = vector.load %arg8[%get3A_108, %get3A_109] : memref<64x512xf32, #tpu.memory_space<vmem>>, vector<64x64xf32>
    %dot_general3A_111 = arith.constant dense<0.000000e+00> : vector<64x256xf32>
    %dot_general3A_112 = tpu.matmul %get3A_110, %reduce_sum3A_107, %dot_general3A_111 {dimension_numbers = #tpu.dot_dimension_numbers<[0], [1], [1], [0], [0, 1, 1, 0], [], []>, transpose_lhs_hint = false} : vector<64x64xf32>, vector<256x64xf32>, vector<64x256xf32> -> vector<64x256xf32>
    %add3A_113 = arith.addf %add3A_102, %dot_general3A_112 : vector<64x256xf32>
    %slice3A_114 = vector.extract_strided_slice %reshape3A_30 {offsets = [0, 0, 7], sizes = [16, 256, 1], strides = [1, 1, 1]} : vector<16x256x8xf32> to vector<16x256x1xf32>
    %mul3A_115 = vector.broadcast %slice3A_114 : vector<16x256x1xf32> to vector<16x256x64xf32>
    %mul3A_116 = arith.mulf %get3A_36, %mul3A_115 : vector<16x256x64xf32>
    %reduce_sum3A_117 = arith.constant dense<0.000000e+00> : vector<256x64xf32>
    %reduce_sum3A_118 = vector.multi_reduction <add>, %mul3A_116, %reduce_sum3A_117 [0] : vector<16x256x64xf32> to vector<256x64xf32>
    %get3A_119 = arith.constant 0 : index
    %get3A_120 = arith.constant 448 : index
    %get3A_121 = vector.load %arg8[%get3A_119, %get3A_120] : memref<64x512xf32, #tpu.memory_space<vmem>>, vector<64x64xf32>
    %dot_general3A_122 = arith.constant dense<0.000000e+00> : vector<64x256xf32>
    %dot_general3A_123 = tpu.matmul %get3A_121, %reduce_sum3A_118, %dot_general3A_122 {dimension_numbers = #tpu.dot_dimension_numbers<[0], [1], [1], [0], [0, 1, 1, 0], [], []>, transpose_lhs_hint = false} : vector<64x64xf32>, vector<256x64xf32>, vector<64x256xf32> -> vector<64x256xf32>
    %add3A_124 = arith.addf %add3A_113, %dot_general3A_123 : vector<64x256xf32>
    %swap3A = arith.constant 0 : index
    %swap3A_125 = arith.constant 0 : index
    %swap3A_126 = arith.constant 0 : index
    %swap3A_127 = vector.load %arg9[%swap3A, %swap3A_125, %swap3A_126] : memref<1x64x256xf32, #tpu.memory_space<vmem>>, vector<1x64x256xf32>
    %swap3A_128 = vector.shape_cast %swap3A_127 : vector<1x64x256xf32> to vector<64x256xf32>
    %swap3A_129 = vector.shape_cast %add3A_124 : vector<64x256xf32> to vector<1x64x256xf32>
    tpu.vector_store %arg9[%swap3A, %swap3A_125, %swap3A_126], %swap3A_129 {strides = array<i32>} : memref<1x64x256xf32, #tpu.memory_space<vmem>>, vector<1x64x256xf32>,
    return
  }
  func.func @transform_0(%arg0: i32, %arg1: i32) -> (i32, i32, i32, i32) {
    %c0_i32 = arith.constant 0 : i32
    %c0_i32_0 = arith.constant 0 : i32
    %c0_i32_1 = arith.constant 0 : i32
    return %arg0, %c0_i32, %arg1, %c0_i32_0 : i32, i32, i32, i32
  }
  func.func @transform_1(%arg0: i32, %arg1: i32) -> (i32, i32, i32, i32) {
    %c0_i32 = arith.constant 0 : i32
    %c0_i32_0 = arith.constant 0 : i32
    %c0_i32_1 = arith.constant 0 : i32
    return %arg0, %c0_i32, %arg1, %c0_i32_0 : i32, i32, i32, i32
  }
  func.func @transform_2(%arg0: i32, %arg1: i32) -> (i32, i32) {
    %c0_i32 = arith.constant 0 : i32
    %c0_i32_0 = arith.constant 0 : i32
    %c0_i32_1 = arith.constant 0 : i32
    return %c0_i32, %c0_i32_0 : i32, i32
  }
  func.func @transform_3(%arg0: i32, %arg1: i32) -> (i32, i32) {
    %c0_i32 = arith.constant 0 : i32
    %c0_i32_0 = arith.constant 0 : i32
    %c0_i32_1 = arith.constant 0 : i32
    return %c0_i32, %c0_i32_0 : i32, i32
  }
  func.func @transform_4(%arg0: i32, %arg1: i32) -> (i32, i32) {
    %c0_i32 = arith.constant 0 : i32
    %c0_i32_0 = arith.constant 0 : i32
    %c0_i32_1 = arith.constant 0 : i32
    return %c0_i32, %c0_i32_0 : i32, i32
  }
  func.func @transform_5(%arg0: i32, %arg1: i32) -> (i32, i32) {
    %c0_i32 = arith.constant 0 : i32
    %c0_i32_0 = arith.constant 0 : i32
    %c0_i32_1 = arith.constant 0 : i32
    return %c0_i32, %c0_i32_0 : i32, i32
  }
  func.func @transform_6(%arg0: i32, %arg1: i32) -> (i32, i32) {
    %c0_i32 = arith.constant 0 : i32
    %c0_i32_0 = arith.constant 0 : i32
    %c0_i32_1 = arith.constant 0 : i32
    return %c0_i32, %c0_i32_0 : i32, i32
  }
  func.func @transform_7(%arg0: i32, %arg1: i32) -> (i32, i32, i32) {
    %c0_i32 = arith.constant 0 : i32
    %c0_i32_0 = arith.constant 0 : i32
    return %arg0, %c0_i32, %arg1 : i32, i32, i32
  }
}

module attributes {stable_mosaic.version = 14 : i64} {
  func.func @_bn_body(%arg0: memref<2x64x2048xf32, #tpu.memory_space<vmem>>, %arg1: memref<1x64x1xf32, #tpu.memory_space<vmem>>, %arg2: memref<1x64x1xf32, #tpu.memory_space<vmem>>, %arg3: memref<2x64x2048xf32, #tpu.memory_space<vmem>>) attributes {dimension_semantics = [], scalar_prefetch = 0 : i64, scratch_operands = 0 : i64, tpu.core_type = #tpu.core_type<tc>} {
    %get3A = arith.constant 0 : index
    %get3A_0 = arith.constant 0 : index
    %get3A_1 = arith.constant 0 : index
    %get3A_2 = vector.load %arg0[%get3A, %get3A_0, %get3A_1] : memref<2x64x2048xf32, #tpu.memory_space<vmem>>, vector<2x64x2048xf32>
    %reduce_sum3A = arith.constant dense<0.000000e+00> : vector<64x2048xf32>
    %reduce_sum3A_3 = vector.multi_reduction <add>, %get3A_2, %reduce_sum3A [0] : vector<2x64x2048xf32> to vector<64x2048xf32>
    %reduce_sum3A_4 = arith.constant dense<0.000000e+00> : vector<64xf32>
    %reduce_sum3A_5 = vector.multi_reduction <add>, %reduce_sum3A_3, %reduce_sum3A_4 [1] : vector<64x2048xf32> to vector<64xf32>
    %broadcast_in_dim3A = vector.shape_cast %reduce_sum3A_5 : vector<64xf32> to vector<64x1xf32>
    %div3A = arith.constant 4.096000e+03 : f32
    %div3A_6 = vector.broadcast %div3A : f32 to vector<64x1xf32>
    %div3A_7 = arith.divf %broadcast_in_dim3A, %div3A_6 : vector<64x1xf32>
    %broadcast_in_dim3A_8 = vector.shape_cast %div3A_7 : vector<64x1xf32> to vector<1x64x1xf32>
    %sub3A = vector.broadcast %broadcast_in_dim3A_8 : vector<1x64x1xf32> to vector<2x64x2048xf32>
    %sub3A_9 = arith.subf %get3A_2, %sub3A : vector<2x64x2048xf32>
    %mul3A = arith.mulf %sub3A_9, %sub3A_9 : vector<2x64x2048xf32>
    %reduce_sum3A_10 = arith.constant dense<0.000000e+00> : vector<64x2048xf32>
    %reduce_sum3A_11 = vector.multi_reduction <add>, %mul3A, %reduce_sum3A_10 [0] : vector<2x64x2048xf32> to vector<64x2048xf32>
    %reduce_sum3A_12 = arith.constant dense<0.000000e+00> : vector<64xf32>
    %reduce_sum3A_13 = vector.multi_reduction <add>, %reduce_sum3A_11, %reduce_sum3A_12 [1] : vector<64x2048xf32> to vector<64xf32>
    %broadcast_in_dim3A_14 = vector.shape_cast %reduce_sum3A_13 : vector<64xf32> to vector<64x1xf32>
    %div3A_15 = arith.constant 4.096000e+03 : f32
    %div3A_16 = vector.broadcast %div3A_15 : f32 to vector<64x1xf32>
    %div3A_17 = arith.divf %broadcast_in_dim3A_14, %div3A_16 : vector<64x1xf32>
    %add3A = arith.constant 9.99999974E-6 : f32
    %add3A_18 = vector.broadcast %add3A : f32 to vector<64x1xf32>
    %add3A_19 = arith.addf %div3A_17, %add3A_18 : vector<64x1xf32>
    %sqrt3A = math.sqrt %add3A_19 : vector<64x1xf32>
    %broadcast_in_dim3A_20 = vector.shape_cast %sqrt3A : vector<64x1xf32> to vector<1x64x1xf32>
    %div3A_21 = vector.broadcast %broadcast_in_dim3A_20 : vector<1x64x1xf32> to vector<2x64x2048xf32>
    %div3A_22 = arith.divf %sub3A_9, %div3A_21 : vector<2x64x2048xf32>
    %get3A_23 = arith.constant 0 : index
    %get3A_24 = arith.constant 0 : index
    %get3A_25 = arith.constant 0 : index
    %get3A_26 = vector.load %arg1[%get3A_23, %get3A_24, %get3A_25] : memref<1x64x1xf32, #tpu.memory_space<vmem>>, vector<1x64x1xf32>
    %mul3A_27 = vector.broadcast %get3A_26 : vector<1x64x1xf32> to vector<2x64x2048xf32>
    %mul3A_28 = arith.mulf %mul3A_27, %div3A_22 : vector<2x64x2048xf32>
    %get3A_29 = arith.constant 0 : index
    %get3A_30 = arith.constant 0 : index
    %get3A_31 = arith.constant 0 : index
    %get3A_32 = vector.load %arg2[%get3A_29, %get3A_30, %get3A_31] : memref<1x64x1xf32, #tpu.memory_space<vmem>>, vector<1x64x1xf32>
    %add3A_33 = vector.broadcast %get3A_32 : vector<1x64x1xf32> to vector<2x64x2048xf32>
    %add3A_34 = arith.addf %mul3A_28, %add3A_33 : vector<2x64x2048xf32>
    %max3A = arith.constant 0.000000e+00 : f32
    %max3A_35 = vector.broadcast %max3A : f32 to vector<2x64x2048xf32>
    %max3A_36 = arith.maximumf %add3A_34, %max3A_35 : vector<2x64x2048xf32>
    %swap3A = arith.constant 0 : index
    %swap3A_37 = arith.constant 0 : index
    %swap3A_38 = arith.constant 0 : index
    %swap3A_39 = vector.load %arg3[%swap3A, %swap3A_37, %swap3A_38] : memref<2x64x2048xf32, #tpu.memory_space<vmem>>, vector<2x64x2048xf32>
    tpu.vector_store %arg3[%swap3A, %swap3A_37, %swap3A_38], %max3A_36 {strides = array<i32>} : memref<2x64x2048xf32, #tpu.memory_space<vmem>>, vector<2x64x2048xf32>,
    return
  }
}

</mosaic_0001>

<sc_bundles>
// kernel: kernel.11.cloned.1.call-start
scs
__scs_entry_jumppad:
0x0: {  	(pc) =	sbr.rel $0x88, $3  }
0x1: {  	(tag) =	ssettag $0x0;
	lr =	simm.s32 $0x1  }
0x2: {  	[smem:$0x3F98] =	sst lr;
	_ =	strace $0xD0000000  }
0x3: {  	_ = 	snop  }
0x4: {  	_ = 	snop  }
0x5: {  	_ = 	snop  }
0x6: {  	_ = 	snop  }
0x7: {  	_ = 	snop  }
__scs_overlays_trampoline_lowered:
0x8: {  	[smem:$0x3FA7] =	sst s0  }
0x9: {  	[smem:$0x3FA8] =	sst s1  }
0xa: {  	[smem:$0x3FA9] =	sst s2  }
0xb: {  	[smem:$0x3FAA] =	sst s3  }
0xc: {  	[smem:$0x3FAB] =	sst s4  }
0xd: {  	[smem:$0x3FAC] =	sst s5  }
0xe: {  	[smem:$0x3FAD] =	sst s6  }
0xf: {  	[smem:$0x3FAE] =	sst s7  }
0x10: {  	[smem:$0x3FAF] =	sst s8  }
0x11: {  	[smem:$0x3FB0] =	sst s9;
	s0 =	simm.s32 @!p0 $0x0  }
0x12: {  	s1 =	sld [smem:$0x3F96];
	s0 =	simm.s32 @p0 $0x1  }
0x13: {  	[smem:$0x3FB1] =	sst s0;
	s0 =	simm.s32 @!p1 $0x0  }
0x14: {  	s2 =	sld [smem:$0x3F95];
	s0 =	simm.s32 @p1 $0x1  }
0x15: {  	[smem:$0x3FB2] =	sst s0;
	s0 =	simm.s32 @!p2 $0x0  }
0x16: {  	s3 =	sld [smem:$0x3FDB];
	s0 =	simm.s32 @p2 $0x1  }
0x17: {  	s4 =	simm.s32 $0x1BF5;
	[smem:$0x3FB4] =	sst s0  }
0x18: {  	s0 =	sld [smem:$0x3F97];
	_ =	swait.ge [sflag:s4], $0x0  }
0x19: {  	s7 =	sld [smem:$0x3F98]  }
0x1a: {  	s8 =	sadd.s32 $0xFFFFE003, lr  }
0x1b: {  	s9 =	sadd.s32 $0xFFFFFEF7, lr;
	s5 =	simm.s32 $0xFFFFFFFF;
	p2 =	slt.u32 s8, $0xFFFFF086  }
0x1c: {  	p1 =	slt.u32 s9, $0xF7A;
	s5 =	simm.s32 @!p2 $0x0  }
0x1d: {  	s5 =	simm.s32 @p1 $0x1;
	p0 =	seq.s32 s7, s2  }
0x1e: {  	s7 =	smul.u32 @!p0 $0xF7A, s2;
	p2 =	seq.s32 @!p0 s5, $0x0  }
0x1f: {  	s9 =	smul.u32 $0xF7A, s1;
	s8 =	simm.s32 @!p0 $0x1BF5;
	p2 =	por !p2, p0  }
0x20: {  	[sflag:s8] =	ssyncset.s32 @!p0 $0xFFFFF086;
	s6 =	sadd.s32 @!p0 s3, s7;
	s7 =	simm.s32 @!p0 $0x108  }
0x21: {  	s3 =	sadd.s32 s3, s9;
	s6 =	sadd.s32 @!p0 $0x88, s6;
	s7 =	simm.s32 @p2 $0x1082  }
0x22: {  	[simem:s7], [sflag:s8] =	dma.local @!p0 [hbm:s6], $0xF7A  }
0x23: {  	s9 =	sor.u32 $0xD0000000, s2;
	s6 =	simm.s32 $0x108;
	_ =	swait.ge @!p0 [sflag:s8], $0x0  }
0x24: {  	s3 =	sadd.s32 $0x88, s3;
	s6 =	simm.s32 @!p1 $0x1082;
	[sflag:s4] =	ssyncset.s32 $0xFFFFF086  }
0x25: {  	[simem:s6], [sflag:s4] =	dma.local [hbm:s3], $0xF7A  }
0x26: {  	[smem:$0x3F98] =	sst s1;
	(tag) =	ssettag s2;
	_ =	strace s9  }
0x27: {  	s1 =	sld [smem:$0x3FA8]  }
0x28: {  	s2 =	sld [smem:$0x3FA9]  }
0x29: {  	s4 =	sld [smem:$0x3FAB]  }
0x2a: {  	p0 =	seq.s32 s5, $0x0;
	s5 =	sld [smem:$0x3FAC]  }
0x2b: {  	s6 =	sld [smem:$0x3FAD]  }
0x2c: {  	s7 =	sld [smem:$0x3FAE]  }
0x2d: {  	s3 =	simm.s32 $0x108;
	s8 =	sld [smem:$0x3FAF]  }
0x2e: {  	s3 =	simm.s32 @!p0 $0x1082;
	s9 =	sld [smem:$0x3FB0]  }
0x2f: {  	lr =	sadd.s32 s0, s3;
	s0 =	sld [smem:$0x3FA7]  }
0x30: {  	s3 =	sld [smem:$0x3FAA]  }
0x31: {  	[smem:$0x3FB3] =	sst s10  }
0x32: {  	s10 =	sld [smem:$0x3FB1];
	_ =	sdelay $0x3  }
0x33: {  	p0 =	seq.s32 s10, $0x1;
	s10 =	sld [smem:$0x3FB3];
	_ =	sdelay $0x3  }
0x34: {  	[smem:$0x3FB3] =	sst s10  }
0x35: {  	s10 =	sld [smem:$0x3FB2];
	_ =	sdelay $0x3  }
0x36: {  	p1 =	seq.s32 s10, $0x1;
	s10 =	sld [smem:$0x3FB3];
	_ =	sdelay $0x3  }
0x37: {  	[smem:$0x3FB3] =	sst s10  }
0x38: {  	s10 =	sld [smem:$0x3FB4]  }
0x39: {  	_ = 	snop;
	(pc) =	sbr.ind lr, $3  }
0x3a: {  	_ = 	snop  }
0x3b: {  	_ = 	snop  }
0x3c: {  	p2 =	seq.s32 s10, $0x1;
	s10 =	sld [smem:$0x3FB3]  }
0x3d: {  	_ =	shalt  }
0x3e: {  	_ =	shalt  }
0x3f: {  	_ =	shalt  }
0x40: {  	_ =	shalt  }
0x41: {  	_ =	shalt  }
0x42: {  	_ =	shalt  }
0x43: {  	_ =	shalt  }
0x44: {  	_ =	shalt  }
0x45: {  	_ =	shalt  }
0x46: {  	_ =	shalt  }
0x47: {  	_ =	shalt  }
0x48: {  	_ =	shalt  }
0x49: {  	_ =	shalt  }
0x4a: {  	_ =	shalt  }
0x4b: {  	_ =	shalt  }
0x4c: {  	_ =	shalt  }
0x4d: {  	_ =	shalt  }
0x4e: {  	_ =	shalt  }
0x4f: {  	_ =	shalt  }
0x50: {  	_ =	shalt  }
0x51: {  	_ =	shalt  }
0x52: {  	_ =	shalt  }
0x53: {  	_ =	shalt  }
0x54: {  	_ =	shalt  }
0x55: {  	_ =	shalt  }
0x56: {  	_ =	shalt  }
0x57: {  	_ =	shalt  }
0x58: {  	_ =	shalt  }
0x59: {  	_ =	shalt  }
0x5a: {  	_ =	shalt  }
0x5b: {  	_ =	shalt  }
0x5c: {  	_ =	shalt  }
0x5d: {  	_ =	shalt  }
0x5e: {  	_ =	shalt  }
0x5f: {  	_ =	shalt  }
0x60: {  	_ =	shalt  }
0x61: {  	_ =	shalt  }
0x62: {  	_ =	shalt  }
0x63: {  	_ =	shalt  }
0x64: {  	_ =	shalt  }
0x65: {  	_ =	shalt  }
0x66: {  	_ =	shalt  }
0x67: {  	_ =	shalt  }
0x68: {  	_ =	shalt  }
0x69: {  	_ =	shalt  }
0x6a: {  	_ =	shalt  }
0x6b: {  	_ =	shalt  }
0x6c: {  	_ =	shalt  }
0x6d: {  	_ =	shalt  }
0x6e: {  	_ =	shalt  }
0x6f: {  	_ =	shalt  }
0x70: {  	_ =	shalt  }
0x71: {  	_ =	shalt  }
0x72: {  	_ =	shalt  }
0x73: {  	_ =	shalt  }
0x74: {  	_ =	shalt  }
0x75: {  	_ =	shalt  }
0x76: {  	_ =	shalt  }
0x77: {  	_ =	shalt  }
0x78: {  	_ =	shalt  }
0x79: {  	_ =	shalt  }
0x7a: {  	_ =	shalt  }
0x7b: {  	_ =	shalt  }
0x7c: {  	_ =	shalt  }
0x7d: {  	_ =	shalt  }
0x7e: {  	_ =	shalt  }
0x7f: {  	_ =	shalt  }
0x80: {  	_ =	shalt  }
0x81: {  	_ =	shalt  }
0x82: {  	_ =	shalt  }
0x83: {  	_ =	shalt  }
0x84: {  	_ =	shalt  }
0x85: {  	_ =	shalt  }
0x86: {  	_ =	shalt  }
0x87: {  	_ =	shalt  }
.Lfunc_end0:
.L_simem_size_0:
called_computation.1_lowered:
.L_overlay_start_0:
0x88: {  	s2 =	sld [smem:$0x3FD9]  }
0x89: {  	s3 =	sld [smem:$0x3FFE];
	_ =	sdelay $0x1  }
0x8a: {  	s1 =	srdreg.scid  }
0x8b: {  	s0 =	sand.u32 $0x1, s1  }
0x8c: {  	s14 =	sshll.u32 s0, $0xA;
	s2 =	sadd.s32 s3, s2  }
0x8d: {  	s2 =	sadd.s32 s2, s14  }
0x8e: {  	[smem:$0x3FBF] =	sst s2  }
0x8f: {  	_ = 	snop  }
0x90: {  	s2 =	sld [smem:$0x3FD0];
	_ =	sdelay $0x2  }
0x91: {  	s15 =	simm.s32 $0xA;
	s4 =	simm.s32 $0x10  }
0x92: {  	[smem:s4], [sflag:s15] =	dma.local [hbm:s2], $0x1  }
0x93: {  	_ =	swait.eq [sflag:s15], $0x1  }
0x94: {  	[sflag:s15] =	ssyncset.done $0x0  }
0x95: {  	[sflag:s15] =	ssyncadd.s32 $0xFFFFFFFF  }
0x96: {  	s16 =	sld [smem:$0x11];
	(tm) =	ssettm $0x1  }
0x97: {  	s17 =	sld [smem:$0x3FFB];
	_ =	sdelay $0x3  }
0x98: {  	_ =	strace s17  }
0x99: {  	s3 =	sld [smem:$0x3FFC];
	_ =	sdelay $0x3  }
0x9a: {  	_ =	strace s3  }
0x9b: {  	s3 =	sld [smem:$0x3FFD];
	_ =	sdelay $0x3  }
0x9c: {  	_ =	strace s3  }
0x9d: {  	_ =	strace $0x8FFFFFFF  }
0x9e: {  	s18 =	sld [smem:$0x3FDB];
	_ =	sdelay $0x1  }
0x9f: {  	s19 =	simm.s32 $_scs_section_size  }
0xa0: {  	s5 =	simm.s32 $_size__tile_overlayer_lowered;
	s6 =	simm.s32 $_tile_overlayer_lowered  }
0xa1: {  	s22 =	simm.s32 $0x1BFF;
	s21 =	sshll.u32 s6, $0x1;
	s3 =	sadd.s32 s19, s18  }
0xa2: {  	s7 =	simm.s32 $0x0;
	s20 =	sshll.u32 s5, $0x1;
	s5 =	sadd.s32 s21, s3  }
0xa3: {  	[timem:s7], [sflag:s22] =	dma.local [hbm:s5], s20  }
0xa4: {  	_ =	swait.ge [sflag:s22], s20  }
0xa5: {  	s4 =	ssub.s32 $0x0, s20;
	[sflag:s22] =	ssyncset.done $0x0  }
0xa6: {  	[sflag:s22] =	ssyncadd.s32 s4;
	_ =	sdelay $0x1  }
0xa7: {  	s23 =	simm.s32 $0x1B8B  }
0xa8: {  	_ =	swait.ge [sflag:s23], $0x1  }
0xa9: {  	[sflag:s23] =	ssyncset.done $0x0  }
0xaa: {  	s25 =	simm.s32 $0x1B8E;
	s24 =	sld [smem:$0x3FFE];
	[sflag:s23] =	ssyncadd.s32 $0xFFFFFFFF  }
0xab: {  	s26 =	simm.s32 $execute0_lowered;
	[smem:$0x3FD2] =	sst s25  }
0xac: {  	s5 =	sshll.u32 s26, $0x1;
	_ =	strace $0x80000049;
	[dreg:$0x1] =	wrdreg $0xFFFFFFFF  }
0xad: {  	s28 =	simm.s32 $_size_execute0_lowered;
	s3 =	sadd.s32 s3, s5;
	[dreg:$0x0] =	wrdreg $0x0  }
0xae: {  	s5 =	sshll.u32 s28, $0x1;
	[dreg:$0x2] =	wrdreg s3  }
0xaf: {  	[dreg:$0x3] =	wrdreg s5  }
0xb0: {  	[dreg:$0x4] =	wrdreg $0xC0  }
0xb1: {  	_ =	task [dreg:s7], $0x5FFFF  }
0xb2: {  	[dreg:$0x1] =	wrdreg $0xFFFFFFFF  }
0xb3: {  	[dreg:$0x0] =	wrdreg $0x60  }
0xb4: {  	[dreg:$0x2] =	wrdreg s24  }
0xb5: {  	[dreg:$0x3] =	wrdreg s16  }
0xb6: {  	[dreg:$0x4] =	wrdreg $0x9  }
0xb7: {  	_ =	task.clear_ibuf [dreg:s7], $0x5FFFF;
	_ =	strace $0x90000049  }
0xb8: {  	s29 =	simm.s32 $0x9;
	_ =	strace $0x8000004B  }
0xb9: {  	_ =	swait.ge [sflag:s29], $0x1  }
0xba: {  	[sflag:s29] =	ssyncadd.s32 $0xFFFFFFFF  }
0xbb: {  	_ =	strace $0x9000004B  }
0xbc: {  	_ =	sfence  }
0xbd: {  	s30 =	sld [smem:$0x0];
	_ =	sdelay $0x2  }
0xbe: {  	s31 =	sshll.u32 s1, $0xD;
	s1 =	sshrl.u32 s1, $0x2  }
0xbf: {  	s3 =	sand.u32 $0x4000, s31;
	s1 =	sadd.s32 s1, s30  }
0xc0: {  	s0 =	sor.u32 s3, s0;
	s1 =	sshll.u32 s1, $0x11  }
0xc1: {  	s0 =	sor.u32 s1, s0  }
0xc2: {  	s0 =	sadd.s32 $0x8F2B, s0  }
0xc3: {  	[sflag:s0] =	ssyncadd.remote.s32 $0x1  }
0xc4: {  	_ =	sfence.sel $0xFFFF  }
0xc5: {  	[dreg:$0x0] =	wrdreg $0xFFFFFFFF;
	(pc) =	sbr.abs _section_cstart, $3  }
0xc6: {  	[dreg:$0x1] =	wrdreg $0xFFFFFFFF  }
0xc7: {  	_ =	task.clear_ibuf [dreg:s7], $0x2FFFF;
	_ =	strace $0x9FFFFFFF  }
0xc8: {  	(tm) =	ssettm $0x7FFFFFFF  }
0xc9: {  	_ =	shalt  }
tec
execute0_lowered:
.L_overlay_start_1:
0x0: {  	(tag) =	ssettag $0x1  }
0x1: {  	s0 =	srdreg.scid;
	s1 =	rddreg [dreg:$0x0]  }
0x2: {  	s15 =	stileid.u32;
	s3 =	rddreg [dreg:$0x1]  }
0x3: {  	s9 =	simm.s32 $0x180;
	s11 =	simm.s32 $0x200;
	s12 =	simm.s32 $0x280  }
0x4: {  	s13 =	simm.s32 $0x300;
	s14 =	simm.s32 $0x380;
	s17 =	simm.s32 $0x800  }
0x5: {  	s16 =	simm.s32 $0x400;
	s18 =	simm.s32 $0x480;
	s0 =	sand.u32 $0x1, s0  }
0x6: {  	s19 =	simm.s32 $0x500;
	s2 =	sshll.u32 s15, $0xC;
	s4 =	sshll.u32 s0, $0xB  }
0x7: {  	s20 =	simm.s32 $0x580;
	s4 =	sor.u32 s4, s2;
	s2 =	simm.s32 $0x0  }
0x8: {  	s21 =	simm.s32 $0x600;
	s22 =	simm.s32 $0x680;
	[smem:$0x7FF] =	sst s2  }
0x9: {  	s23 =	simm.s32 $0x700;
	_ =	strace $0x8000004A;
	[dreg:$0xa] =	wrdreg s9  }
0xa: {  	s28 =	simm.s32 $0x980;
	s29 =	simm.s32 $0xA00;
	[dreg:$0xb] =	wrdreg s11  }
0xb: {  	s30 =	simm.s32 $0xA80;
	s31 =	simm.s32 $0xB00;
	[dreg:$0xc] =	wrdreg s12  }
0xc: {  	p0 =	por $0x0, $0x0;
	s6 =	sadd.s32 $0x26000, s1;
	[dreg:$0xd] =	wrdreg s13  }
0xd: {  	s8 =	sadd.s32 $0xA6000, s1;
	s0 =	ssub.s32 $0x2, s0;
	[dreg:$0xe] =	wrdreg s14  }
0xe: {  	s24 =	sadd.s32 $0x2000, s1;
	s10 =	sshrl.u32 s0, $0x1;
	[dreg:$0xf] =	wrdreg s16  }
0xf: {  	s5 =	sshrl.u32 s4, $0x3;
	s4 =	sshll.u32 s4, $0x3;
	[dreg:$0x10] =	wrdreg s18  }
0x10: {  	s0 =	ssub.s32 s0, s10;
	s10 =	simm.s32 $0x7000;
	[dreg:$0x11] =	wrdreg s19  }
0x11: {  	s5 =	sadd.s32 s5, s1;
	s25 =	sadd.s32 s6, s4;
	[dreg:$0x12] =	wrdreg s20  }
0x12: {  	s26 =	sor.u32 $0x2000, s4;
	s4 =	sadd.s32 s8, s4;
	[dreg:$0x13] =	wrdreg s21  }
0x13: {  	s0 =	smax.u32 s0, $0x1;
	s9 =	simm.s32 $0x5000;
	[dreg:$0x14] =	wrdreg s22  }
0x14: {  	s11 =	simm.s32 $0x9000;
	s12 =	simm.s32 $0xB000;
	[dreg:$0x15] =	wrdreg s23  }
0x15: {  	s13 =	simm.s32 $0xD000;
	s14 =	simm.s32 $0xF000;
	s16 =	simm.s32 $0xB80  }
0x16: {  	s18 =	simm.s32 $0xC80;
	s19 =	simm.s32 $0xD00;
	s20 =	simm.s32 $0xD80  }
0x17: {  	s21 =	simm.s32 $0xE00;
	s22 =	simm.s32 $0xE80;
	[dreg:$0x5] =	wrdreg s25  }
0x18: {  	s23 =	simm.s32 $0xF00;
	s7 =	sadd.s32 $0x22000, s5;
	[dreg:$0x7] =	wrdreg s4  }
0x19: {  	s5 =	sadd.s32 $0x24000, s5;
	s6 =	sadd.s32 s6, s26;
	[dreg:$0x3] =	wrdreg s7  }
0x1a: {  	s4 =	simm.s32 $0x2;
	s25 =	simm.s32 $0x780;
	[dreg:$0x4] =	wrdreg s5  }
0x1b: {  	p1 =	sne.s32 s0, $0x1;
	s1 =	sadd.s32 $0xFFFFFFFF, s0;
	[dreg:$0x6] =	wrdreg s6  }
.Ltmp0:
0x1c: {  	s7 =	sadd.s32 s8, s26;
	[dreg:$0x16] =	wrdreg s25;
	(pc) =	sbr.rel @!p1 .LBB2_1-.Ltmp0, $4  }
0x1d: {  	s8 =	simm.s32 $0x100;
	s6 =	simm.s32 $0x80;
	[dreg:$0x8] =	wrdreg s7  }
0x1e: {  	s5 =	simm.s32 $0x1000;
	s26 =	simm.s32 $0x880;
	[dreg:$0x9] =	wrdreg s8  }
0x1f: {  	s25 =	simm.s32 $0xF80;
	s8 =	simm.s32 $0x3000;
	[dreg:$0x17] =	wrdreg s26  }
0x20: {  	s7 =	simm.s32 $0x1;
	s26 =	simm.s32 $0x900;
	s0 =	rddreg [dreg:$0x3]  }
0x21: {  	[tilespmem:s2], [sflag:$0x2] =	stream.linear.gather [hbm4b:s0+s2], $0x800, $0x38;
	[tilespmem:$0x11000] =	vst v63  }
0x22: {  	_ =	swait.ge [sflag:s4], $0x800  }
0x23: {  	[sflag:s4] =	ssyncset.done $0x0  }
0x24: {  	s15 =	rddreg [dreg:$0x4];
	[sflag:s4] =	ssyncadd.s32 $0xFFFFF800  }
0x25: {  	[tilespmem:s17], [sflag:$0x2] =	stream.linear.gather [hbm4b:s15+s2], $0x800, $0x38;
	[tilespmem:$0x11000] =	vst v63  }
0x26: {  	_ =	swait.ge [sflag:s4], $0x800  }
0x27: {  	[sflag:s4] =	ssyncset.done $0x0  }
0x28: {  	[sflag:s4] =	ssyncadd.s32 $0xFFFFF800  }
0x29: {  	[tilespmem:s5], [sflag:$0x1] =	stream.indirect.gather [hbm4b:s24+s6], $0x40, s2, s6, $0xb8;
	[tilespmem:$0x11000] =	vst v63  }
0x2a: {  	_ = 	snop  }
0x2b: {  	[tilespmem:s8], [sflag:$0x1] =	stream.indirect.gather [hbm4b:s24+s6], $0x40, s6, s6, $0xb8;
	[tilespmem:$0x11000] =	vst v63  }
0x2c: {  	s0 =	rddreg [dreg:$0x9]  }
0x2d: {  	[tilespmem:s9], [sflag:$0x1] =	stream.indirect.gather [hbm4b:s24+s6], $0x40, s0, s6, $0xb8;
	[tilespmem:$0x11000] =	vst v63  }
0x2e: {  	s15 =	smov.u32 s1;
	s1 =	rddreg [dreg:$0xa]  }
0x2f: {  	[tilespmem:s10], [sflag:$0x1] =	stream.indirect.gather [hbm4b:s24+s6], $0x40, s1, s6, $0xb8;
	[tilespmem:$0x11000] =	vst v63  }
0x30: {  	s0 =	rddreg [dreg:$0xb]  }
0x31: {  	[tilespmem:s11], [sflag:$0x1] =	stream.indirect.gather [hbm4b:s24+s6], $0x40, s0, s6, $0xb8;
	[tilespmem:$0x11000] =	vst v63  }
0x32: {  	s1 =	rddreg [dreg:$0xc]  }
0x33: {  	[tilespmem:s12], [sflag:$0x1] =	stream.indirect.gather [hbm4b:s24+s6], $0x40, s1, s6, $0xb8;
	[tilespmem:$0x11000] =	vst v63  }
0x34: {  	s0 =	rddreg [dreg:$0xd]  }
0x35: {  	[tilespmem:s13], [sflag:$0x1] =	stream.indirect.gather [hbm4b:s24+s6], $0x40, s0, s6, $0xb8;
	[tilespmem:$0x11000] =	vst v63  }
0x36: {  	s1 =	rddreg [dreg:$0xe]  }
0x37: {  	[tilespmem:s14], [sflag:$0x1] =	stream.indirect.gather [hbm4b:s24+s6], $0x40, s1, s6, $0xb8;
	[tilespmem:$0x11000] =	vst v63  }
0x38: {  	_ =	swait.ge [sflag:s7], $0x2000  }
0x39: {  	[sflag:s7] =	ssyncset.done $0x0  }
0x3a: {  	[sflag:s7] =	ssyncadd.s32 $0xFFFFE000  }
0x3b: {  	_ =	swait.ge [sflag:s7], $0x2000  }
0x3c: {  	[sflag:s7] =	ssyncset.done $0x0  }
0x3d: {  	[sflag:s7] =	ssyncadd.s32 $0xFFFFE000  }
0x3e: {  	_ =	swait.ge [sflag:s7], $0x2000  }
0x3f: {  	[sflag:s7] =	ssyncset.done $0x0  }
0x40: {  	[sflag:s7] =	ssyncadd.s32 $0xFFFFE000  }
0x41: {  	_ =	swait.ge [sflag:s7], $0x2000  }
0x42: {  	[sflag:s7] =	ssyncset.done $0x0  }
0x43: {  	[sflag:s7] =	ssyncadd.s32 $0xFFFFE000  }
0x44: {  	_ =	swait.ge [sflag:s7], $0x2000  }
0x45: {  	[sflag:s7] =	ssyncset.done $0x0  }
0x46: {  	[sflag:s7] =	ssyncadd.s32 $0xFFFFE000  }
0x47: {  	_ =	swait.ge [sflag:s7], $0x2000  }
0x48: {  	[sflag:s7] =	ssyncset.done $0x0  }
0x49: {  	[sflag:s7] =	ssyncadd.s32 $0xFFFFE000  }
0x4a: {  	_ =	swait.ge [sflag:s7], $0x2000  }
0x4b: {  	[sflag:s7] =	ssyncset.done $0x0  }
0x4c: {  	[sflag:s7] =	ssyncadd.s32 $0xFFFFE000  }
0x4d: {  	_ =	swait.ge [sflag:s7], $0x2000  }
0x4e: {  	[sflag:s7] =	ssyncset.done $0x0  }
0x4f: {  	s1 =	rddreg [dreg:$0x5];
	[sflag:s7] =	ssyncadd.s32 $0xFFFFE000  }
0x50: {  	[hbm4b:s1+s2] =	stream.linear.scatter [tilespmem:s5], [sflag:$0x2], $0x10000, $0x38;
	[tilespmem:$0x11000] =	vst v63  }
0x51: {  	_ =	swait.ge [sflag:s4], $0x10000  }
0x52: {  	[sflag:s4] =	ssyncset.done $0x0  }
0x53: {  	s0 =	rddreg [dreg:$0xf];
	[sflag:s4] =	ssyncadd.s32 $0xFFFF0000  }
0x54: {  	[tilespmem:s5], [sflag:$0x1] =	stream.indirect.gather [hbm4b:s24+s6], $0x40, s0, s6, $0xb8;
	[tilespmem:$0x11000] =	vst v63  }
0x55: {  	s1 =	rddreg [dreg:$0x10]  }
0x56: {  	[tilespmem:s8], [sflag:$0x1] =	stream.indirect.gather [hbm4b:s24+s6], $0x40, s1, s6, $0xb8;
	[tilespmem:$0x11000] =	vst v63  }
0x57: {  	s0 =	rddreg [dreg:$0x11]  }
0x58: {  	[tilespmem:s9], [sflag:$0x1] =	stream.indirect.gather [hbm4b:s24+s6], $0x40, s0, s6, $0xb8;
	[tilespmem:$0x11000] =	vst v63  }
0x59: {  	s1 =	rddreg [dreg:$0x12]  }
0x5a: {  	[tilespmem:s10], [sflag:$0x1] =	stream.indirect.gather [hbm4b:s24+s6], $0x40, s1, s6, $0xb8;
	[tilespmem:$0x11000] =	vst v63  }
0x5b: {  	s0 =	rddreg [dreg:$0x13]  }
0x5c: {  	[tilespmem:s11], [sflag:$0x1] =	stream.indirect.gather [hbm4b:s24+s6], $0x40, s0, s6, $0xb8;
	[tilespmem:$0x11000] =	vst v63  }
0x5d: {  	s1 =	rddreg [dreg:$0x14]  }
0x5e: {  	[tilespmem:s12], [sflag:$0x1] =	stream.indirect.gather [hbm4b:s24+s6], $0x40, s1, s6, $0xb8;
	[tilespmem:$0x11000] =	vst v63  }
0x5f: {  	s0 =	rddreg [dreg:$0x15]  }
0x60: {  	[tilespmem:s13], [sflag:$0x1] =	stream.indirect.gather [hbm4b:s24+s6], $0x40, s0, s6, $0xb8;
	[tilespmem:$0x11000] =	vst v63  }
0x61: {  	s1 =	rddreg [dreg:$0x16]  }
0x62: {  	[tilespmem:s14], [sflag:$0x1] =	stream.indirect.gather [hbm4b:s24+s6], $0x40, s1, s6, $0xb8;
	[tilespmem:$0x11000] =	vst v63  }
0x63: {  	_ =	swait.ge [sflag:s7], $0x2000  }
0x64: {  	[sflag:s7] =	ssyncset.done $0x0  }
0x65: {  	[sflag:s7] =	ssyncadd.s32 $0xFFFFE000  }
0x66: {  	_ =	swait.ge [sflag:s7], $0x2000  }
0x67: {  	[sflag:s7] =	ssyncset.done $0x0  }
0x68: {  	[sflag:s7] =	ssyncadd.s32 $0xFFFFE000  }
0x69: {  	_ =	swait.ge [sflag:s7], $0x2000  }
0x6a: {  	[sflag:s7] =	ssyncset.done $0x0  }
0x6b: {  	[sflag:s7] =	ssyncadd.s32 $0xFFFFE000  }
0x6c: {  	_ =	swait.ge [sflag:s7], $0x2000  }
0x6d: {  	[sflag:s7] =	ssyncset.done $0x0  }
0x6e: {  	[sflag:s7] =	ssyncadd.s32 $0xFFFFE000  }
0x6f: {  	_ =	swait.ge [sflag:s7], $0x2000  }
0x70: {  	[sflag:s7] =	ssyncset.done $0x0  }
0x71: {  	[sflag:s7] =	ssyncadd.s32 $0xFFFFE000  }
0x72: {  	_ =	swait.ge [sflag:s7], $0x2000  }
0x73: {  	[sflag:s7] =	ssyncset.done $0x0  }
0x74: {  	[sflag:s7] =	ssyncadd.s32 $0xFFFFE000  }
0x75: {  	_ =	swait.ge [sflag:s7], $0x2000  }
0x76: {  	[sflag:s7] =	ssyncset.done $0x0  }
0x77: {  	[sflag:s7] =	ssyncadd.s32 $0xFFFFE000  }
0x78: {  	_ =	swait.ge [sflag:s7], $0x2000  }
0x79: {  	[sflag:s7] =	ssyncset.done $0x0  }
0x7a: {  	s1 =	rddreg [dreg:$0x6];
	[sflag:s7] =	ssyncadd.s32 $0xFFFFE000  }
0x7b: {  	[hbm4b:s1+s2] =	stream.linear.scatter [tilespmem:s5], [sflag:$0x2], $0x10000, $0x38;
	[tilespmem:$0x11000] =	vst v63  }
0x7c: {  	_ =	swait.ge [sflag:s4], $0x10000  }
0x7d: {  	[sflag:s4] =	ssyncset.done $0x0  }
0x7e: {  	[sflag:s4] =	ssyncadd.s32 $0xFFFF0000  }
0x7f: {  	[tilespmem:s5], [sflag:$0x1] =	stream.indirect.gather [hbm4b:s3+s6], $0x40, s17, s6, $0xb8;
	[tilespmem:$0x11000] =	vst v63  }
0x80: {  	s1 =	rddreg [dreg:$0x17]  }
0x81: {  	[tilespmem:s8], [sflag:$0x1] =	stream.indirect.gather [hbm4b:s3+s6], $0x40, s1, s6, $0xb8;
	[tilespmem:$0x11000] =	vst v63  }
0x82: {  	_ = 	snop  }
0x83: {  	[tilespmem:s9], [sflag:$0x1] =	stream.indirect.gather [hbm4b:s3+s6], $0x40, s26, s6, $0xb8;
	[tilespmem:$0x11000] =	vst v63  }
0x84: {  	_ = 	snop  }
0x85: {  	[tilespmem:s10], [sflag:$0x1] =	stream.indirect.gather [hbm4b:s3+s6], $0x40, s28, s6, $0xb8;
	[tilespmem:$0x11000] =	vst v63  }
0x86: {  	_ = 	snop  }
0x87: {  	[tilespmem:s11], [sflag:$0x1] =	stream.indirect.gather [hbm4b:s3+s6], $0x40, s29, s6, $0xb8;
	[tilespmem:$0x11000] =	vst v63  }
0x88: {  	_ = 	snop  }
0x89: {  	[tilespmem:s12], [sflag:$0x1] =	stream.indirect.gather [hbm4b:s3+s6], $0x40, s30, s6, $0xb8;
	[tilespmem:$0x11000] =	vst v63  }
0x8a: {  	_ = 	snop  }
0x8b: {  	[tilespmem:s13], [sflag:$0x1] =	stream.indirect.gather [hbm4b:s3+s6], $0x40, s31, s6, $0xb8;
	[tilespmem:$0x11000] =	vst v63  }
0x8c: {  	_ = 	snop  }
0x8d: {  	[tilespmem:s14], [sflag:$0x1] =	stream.indirect.gather [hbm4b:s3+s6], $0x40, s16, s6, $0xb8;
	[tilespmem:$0x11000] =	vst v63  }
0x8e: {  	_ =	swait.ge [sflag:s7], $0x2000  }
0x8f: {  	[sflag:s7] =	ssyncset.done $0x0  }
0x90: {  	[sflag:s7] =	ssyncadd.s32 $0xFFFFE000  }
0x91: {  	_ =	swait.ge [sflag:s7], $0x2000  }
0x92: {  	[sflag:s7] =	ssyncset.done $0x0  }
0x93: {  	[sflag:s7] =	ssyncadd.s32 $0xFFFFE000  }
0x94: {  	_ =	swait.ge [sflag:s7], $0x2000  }
0x95: {  	[sflag:s7] =	ssyncset.done $0x0  }
0x96: {  	[sflag:s7] =	ssyncadd.s32 $0xFFFFE000  }
0x97: {  	_ =	swait.ge [sflag:s7], $0x2000  }
0x98: {  	[sflag:s7] =	ssyncset.done $0x0  }
0x99: {  	[sflag:s7] =	ssyncadd.s32 $0xFFFFE000  }
0x9a: {  	_ =	swait.ge [sflag:s7], $0x2000  }
0x9b: {  	[sflag:s7] =	ssyncset.done $0x0  }
0x9c: {  	[sflag:s7] =	ssyncadd.s32 $0xFFFFE000  }
0x9d: {  	_ =	swait.ge [sflag:s7], $0x2000  }
0x9e: {  	[sflag:s7] =	ssyncset.done $0x0  }
0x9f: {  	[sflag:s7] =	ssyncadd.s32 $0xFFFFE000  }
0xa0: {  	_ =	swait.ge [sflag:s7], $0x2000  }
0xa1: {  	[sflag:s7] =	ssyncset.done $0x0  }
0xa2: {  	[sflag:s7] =	ssyncadd.s32 $0xFFFFE000  }
0xa3: {  	_ =	swait.ge [sflag:s7], $0x2000  }
0xa4: {  	[sflag:s7] =	ssyncset.done $0x0  }
0xa5: {  	s1 =	rddreg [dreg:$0x7];
	[sflag:s7] =	ssyncadd.s32 $0xFFFFE000  }
0xa6: {  	[hbm4b:s1+s2] =	stream.linear.scatter [tilespmem:s5], [sflag:$0x2], $0x10000, $0x38;
	[tilespmem:$0x11000] =	vst v63  }
0xa7: {  	_ =	swait.ge [sflag:s4], $0x10000  }
0xa8: {  	[sflag:s4] =	ssyncset.done $0x0  }
0xa9: {  	s1 =	simm.s32 $0xC00;
	[sflag:s4] =	ssyncadd.s32 $0xFFFF0000  }
0xaa: {  	[tilespmem:s5], [sflag:$0x1] =	stream.indirect.gather [hbm4b:s3+s6], $0x40, s1, s6, $0xb8;
	[tilespmem:$0x11000] =	vst v63  }
0xab: {  	_ = 	snop  }
0xac: {  	[tilespmem:s8], [sflag:$0x1] =	stream.indirect.gather [hbm4b:s3+s6], $0x40, s18, s6, $0xb8;
	[tilespmem:$0x11000] =	vst v63  }
0xad: {  	_ = 	snop  }
0xae: {  	[tilespmem:s9], [sflag:$0x1] =	stream.indirect.gather [hbm4b:s3+s6], $0x40, s19, s6, $0xb8;
	[tilespmem:$0x11000] =	vst v63  }
0xaf: {  	_ = 	snop  }
0xb0: {  	[tilespmem:s10], [sflag:$0x1] =	stream.indirect.gather [hbm4b:s3+s6], $0x40, s20, s6, $0xb8;
	[tilespmem:$0x11000] =	vst v63  }
0xb1: {  	_ = 	snop  }
0xb2: {  	[tilespmem:s11], [sflag:$0x1] =	stream.indirect.gather [hbm4b:s3+s6], $0x40, s21, s6, $0xb8;
	[tilespmem:$0x11000] =	vst v63  }
0xb3: {  	_ = 	snop  }
0xb4: {  	[tilespmem:s12], [sflag:$0x1] =	stream.indirect.gather [hbm4b:s3+s6], $0x40, s22, s6, $0xb8;
	[tilespmem:$0x11000] =	vst v63  }
0xb5: {  	_ = 	snop  }
0xb6: {  	[tilespmem:s13], [sflag:$0x1] =	stream.indirect.gather [hbm4b:s3+s6], $0x40, s23, s6, $0xb8;
	[tilespmem:$0x11000] =	vst v63  }
0xb7: {  	_ = 	snop  }
0xb8: {  	[tilespmem:s14], [sflag:$0x1] =	stream.indirect.gather [hbm4b:s3+s6], $0x40, s25, s6, $0xb8;
	[tilespmem:$0x11000] =	vst v63  }
0xb9: {  	_ =	swait.ge [sflag:s7], $0x2000  }
0xba: {  	[sflag:s7] =	ssyncset.done $0x0  }
0xbb: {  	[sflag:s7] =	ssyncadd.s32 $0xFFFFE000  }
0xbc: {  	_ =	swait.ge [sflag:s7], $0x2000  }
0xbd: {  	[sflag:s7] =	ssyncset.done $0x0  }
0xbe: {  	[sflag:s7] =	ssyncadd.s32 $0xFFFFE000  }
0xbf: {  	_ =	swait.ge [sflag:s7], $0x2000  }
0xc0: {  	[sflag:s7] =	ssyncset.done $0x0  }
0xc1: {  	[sflag:s7] =	ssyncadd.s32 $0xFFFFE000  }
0xc2: {  	_ =	swait.ge [sflag:s7], $0x2000  }
0xc3: {  	[sflag:s7] =	ssyncset.done $0x0  }
0xc4: {  	[sflag:s7] =	ssyncadd.s32 $0xFFFFE000  }
0xc5: {  	_ =	swait.ge [sflag:s7], $0x2000  }
0xc6: {  	[sflag:s7] =	ssyncset.done $0x0  }
0xc7: {  	[sflag:s7] =	ssyncadd.s32 $0xFFFFE000  }
0xc8: {  	_ =	swait.ge [sflag:s7], $0x2000  }
0xc9: {  	[sflag:s7] =	ssyncset.done $0x0  }
0xca: {  	[sflag:s7] =	ssyncadd.s32 $0xFFFFE000  }
0xcb: {  	_ =	swait.ge [sflag:s7], $0x2000  }
0xcc: {  	[sflag:s7] =	ssyncset.done $0x0  }
0xcd: {  	[sflag:s7] =	ssyncadd.s32 $0xFFFFE000  }
0xce: {  	p1 =	sne.s32 s15, $0x1;
	_ =	swait.ge [sflag:s7], $0x2000  }
.Ltmp1:
0xcf: {  	[sflag:s7] =	ssyncset.done $0x0;
	(pc) =	sbr.rel @!p1 .LBB2_3-.Ltmp1, $4  }
0xd0: {  	s1 =	rddreg [dreg:$0x8];
	[sflag:s7] =	ssyncadd.s32 $0xFFFFE000  }
0xd1: {  	[hbm4b:s1+s2] =	stream.linear.scatter [tilespmem:s5], [sflag:$0x2], $0x10000, $0x38;
	[tilespmem:$0x11000] =	vst v63  }
0xd2: {  	p0 =	por $0x1, $0x1;
	_ =	swait.ge [sflag:s4], $0x10000  }
0xd3: {  	s1 =	sadd.s32 $0xFFFFFFFF, s15;
	s0 =	rddreg [dreg:$0x3];
	[sflag:s4] =	ssyncset.done $0x0  }
.LBB2_4:
0xd4: {  	[sflag:s4] =	ssyncadd.s32 $0xFFFF0000  }
0xd5: {  	[tilespmem:s2], [sflag:$0x2] =	stream.linear.gather [hbm4b:s0+s2], $0x800, $0x38;
	[tilespmem:$0x11000] =	vst v63  }
0xd6: {  	_ =	swait.ge [sflag:s4], $0x800  }
0xd7: {  	[sflag:s4] =	ssyncset.done $0x0  }
0xd8: {  	s15 =	rddreg [dreg:$0x4];
	[sflag:s4] =	ssyncadd.s32 $0xFFFFF800  }
0xd9: {  	[tilespmem:s17], [sflag:$0x2] =	stream.linear.gather [hbm4b:s15+s2], $0x800, $0x38;
	[tilespmem:$0x11000] =	vst v63  }
0xda: {  	_ =	swait.ge [sflag:s4], $0x800  }
0xdb: {  	[sflag:s4] =	ssyncset.done $0x0  }
0xdc: {  	[sflag:s4] =	ssyncadd.s32 $0xFFFFF800  }
0xdd: {  	[tilespmem:s5], [sflag:$0x1] =	stream.indirect.gather [hbm4b:s24+s6], $0x40, s2, s6, $0xb8;
	[tilespmem:$0x11000] =	vst v63  }
0xde: {  	_ = 	snop  }
0xdf: {  	[tilespmem:s8], [sflag:$0x1] =	stream.indirect.gather [hbm4b:s24+s6], $0x40, s6, s6, $0xb8;
	[tilespmem:$0x11000] =	vst v63  }
0xe0: {  	s0 =	rddreg [dreg:$0x9]  }
0xe1: {  	[tilespmem:s9], [sflag:$0x1] =	stream.indirect.gather [hbm4b:s24+s6], $0x40, s0, s6, $0xb8;
	[tilespmem:$0x11000] =	vst v63  }
0xe2: {  	s15 =	rddreg [dreg:$0xa]  }
0xe3: {  	[tilespmem:s10], [sflag:$0x1] =	stream.indirect.gather [hbm4b:s24+s6], $0x40, s15, s6, $0xb8;
	[tilespmem:$0x11000] =	vst v63  }
0xe4: {  	s0 =	rddreg [dreg:$0xb]  }
0xe5: {  	[tilespmem:s11], [sflag:$0x1] =	stream.indirect.gather [hbm4b:s24+s6], $0x40, s0, s6, $0xb8;
	[tilespmem:$0x11000] =	vst v63  }
0xe6: {  	s15 =	rddreg [dreg:$0xc]  }
0xe7: {  	[tilespmem:s12], [sflag:$0x1] =	stream.indirect.gather [hbm4b:s24+s6], $0x40, s15, s6, $0xb8;
	[tilespmem:$0x11000] =	vst v63  }
0xe8: {  	s0 =	rddreg [dreg:$0xd]  }
0xe9: {  	[tilespmem:s13], [sflag:$0x1] =	stream.indirect.gather [hbm4b:s24+s6], $0x40, s0, s6, $0xb8;
	[tilespmem:$0x11000] =	vst v63  }
0xea: {  	s15 =	rddreg [dreg:$0xe]  }
0xeb: {  	[tilespmem:s14], [sflag:$0x1] =	stream.indirect.gather [hbm4b:s24+s6], $0x40, s15, s6, $0xb8;
	[tilespmem:$0x11000] =	vst v63  }
0xec: {  	_ =	swait.ge [sflag:s7], $0x2000  }
0xed: {  	[sflag:s7] =	ssyncset.done $0x0  }
0xee: {  	[sflag:s7] =	ssyncadd.s32 $0xFFFFE000  }
0xef: {  	_ =	swait.ge [sflag:s7], $0x2000  }
0xf0: {  	[sflag:s7] =	ssyncset.done $0x0  }
0xf1: {  	[sflag:s7] =	ssyncadd.s32 $0xFFFFE000  }
0xf2: {  	_ =	swait.ge [sflag:s7], $0x2000  }
0xf3: {  	[sflag:s7] =	ssyncset.done $0x0  }
0xf4: {  	[sflag:s7] =	ssyncadd.s32 $0xFFFFE000  }
0xf5: {  	_ =	swait.ge [sflag:s7], $0x2000  }
0xf6: {  	[sflag:s7] =	ssyncset.done $0x0  }
0xf7: {  	[sflag:s7] =	ssyncadd.s32 $0xFFFFE000  }
0xf8: {  	_ =	swait.ge [sflag:s7], $0x2000  }
0xf9: {  	[sflag:s7] =	ssyncset.done $0x0  }
0xfa: {  	[sflag:s7] =	ssyncadd.s32 $0xFFFFE000  }
0xfb: {  	_ =	swait.ge [sflag:s7], $0x2000  }
0xfc: {  	[sflag:s7] =	ssyncset.done $0x0  }
0xfd: {  	[sflag:s7] =	ssyncadd.s32 $0xFFFFE000  }
0xfe: {  	_ =	swait.ge [sflag:s7], $0x2000  }
0xff: {  	[sflag:s7] =	ssyncset.done $0x0  }
0x100: {  	[sflag:s7] =	ssyncadd.s32 $0xFFFFE000  }
0x101: {  	_ =	swait.ge [sflag:s7], $0x2000  }
0x102: {  	[sflag:s7] =	ssyncset.done $0x0  }
0x103: {  	s15 =	rddreg [dreg:$0x5];
	[sflag:s7] =	ssyncadd.s32 $0xFFFFE000  }
0x104: {  	[hbm4b:s15+s2] =	stream.linear.scatter [tilespmem:s5], [sflag:$0x2], $0x10000, $0x38;
	[tilespmem:$0x11000] =	vst v63  }
0x105: {  	_ =	swait.ge [sflag:s4], $0x10000  }
0x106: {  	[sflag:s4] =	ssyncset.done $0x0  }
0x107: {  	s0 =	rddreg [dreg:$0xf];
	[sflag:s4] =	ssyncadd.s32 $0xFFFF0000  }
0x108: {  	[tilespmem:s5], [sflag:$0x1] =	stream.indirect.gather [hbm4b:s24+s6], $0x40, s0, s6, $0xb8;
	[tilespmem:$0x11000] =	vst v63  }
0x109: {  	s15 =	rddreg [dreg:$0x10]  }
0x10a: {  	[tilespmem:s8], [sflag:$0x1] =	stream.indirect.gather [hbm4b:s24+s6], $0x40, s15, s6, $0xb8;
	[tilespmem:$0x11000] =	vst v63  }
0x10b: {  	s0 =	rddreg [dreg:$0x11]  }
0x10c: {  	[tilespmem:s9], [sflag:$0x1] =	stream.indirect.gather [hbm4b:s24+s6], $0x40, s0, s6, $0xb8;
	[tilespmem:$0x11000] =	vst v63  }
0x10d: {  	s15 =	rddreg [dreg:$0x12]  }
0x10e: {  	[tilespmem:s10], [sflag:$0x1] =	stream.indirect.gather [hbm4b:s24+s6], $0x40, s15, s6, $0xb8;
	[tilespmem:$0x11000] =	vst v63  }
0x10f: {  	s0 =	rddreg [dreg:$0x13]  }
0x110: {  	[tilespmem:s11], [sflag:$0x1] =	stream.indirect.gather [hbm4b:s24+s6], $0x40, s0, s6, $0xb8;
	[tilespmem:$0x11000] =	vst v63  }
0x111: {  	s15 =	rddreg [dreg:$0x14]  }
0x112: {  	[tilespmem:s12], [sflag:$0x1] =	stream.indirect.gather [hbm4b:s24+s6], $0x40, s15, s6, $0xb8;
	[tilespmem:$0x11000] =	vst v63  }
0x113: {  	s0 =	rddreg [dreg:$0x15]  }
0x114: {  	[tilespmem:s13], [sflag:$0x1] =	stream.indirect.gather [hbm4b:s24+s6], $0x40, s0, s6, $0xb8;
	[tilespmem:$0x11000] =	vst v63  }
0x115: {  	s15 =	rddreg [dreg:$0x16]  }
0x116: {  	[tilespmem:s14], [sflag:$0x1] =	stream.indirect.gather [hbm4b:s24+s6], $0x40, s15, s6, $0xb8;
	[tilespmem:$0x11000] =	vst v63  }
0x117: {  	_ =	swait.ge [sflag:s7], $0x2000  }
0x118: {  	[sflag:s7] =	ssyncset.done $0x0  }
0x119: {  	[sflag:s7] =	ssyncadd.s32 $0xFFFFE000  }
0x11a: {  	_ =	swait.ge [sflag:s7], $0x2000  }
0x11b: {  	[sflag:s7] =	ssyncset.done $0x0  }
0x11c: {  	[sflag:s7] =	ssyncadd.s32 $0xFFFFE000  }
0x11d: {  	_ =	swait.ge [sflag:s7], $0x2000  }
0x11e: {  	[sflag:s7] =	ssyncset.done $0x0  }
0x11f: {  	[sflag:s7] =	ssyncadd.s32 $0xFFFFE000  }
0x120: {  	_ =	swait.ge [sflag:s7], $0x2000  }
0x121: {  	[sflag:s7] =	ssyncset.done $0x0  }
0x122: {  	[sflag:s7] =	ssyncadd.s32 $0xFFFFE000  }
0x123: {  	_ =	swait.ge [sflag:s7], $0x2000  }
0x124: {  	[sflag:s7] =	ssyncset.done $0x0  }
0x125: {  	[sflag:s7] =	ssyncadd.s32 $0xFFFFE000  }
0x126: {  	_ =	swait.ge [sflag:s7], $0x2000  }
0x127: {  	[sflag:s7] =	ssyncset.done $0x0  }
0x128: {  	[sflag:s7] =	ssyncadd.s32 $0xFFFFE000  }
0x129: {  	_ =	swait.ge [sflag:s7], $0x2000  }
0x12a: {  	[sflag:s7] =	ssyncset.done $0x0  }
0x12b: {  	[sflag:s7] =	ssyncadd.s32 $0xFFFFE000  }
0x12c: {  	_ =	swait.ge [sflag:s7], $0x2000  }
0x12d: {  	[sflag:s7] =	ssyncset.done $0x0  }
0x12e: {  	s15 =	rddreg [dreg:$0x6];
	[sflag:s7] =	ssyncadd.s32 $0xFFFFE000  }
0x12f: {  	[hbm4b:s15+s2] =	stream.linear.scatter [tilespmem:s5], [sflag:$0x2], $0x10000, $0x38;
	[tilespmem:$0x11000] =	vst v63  }
0x130: {  	_ =	swait.ge [sflag:s4], $0x10000  }
0x131: {  	[sflag:s4] =	ssyncset.done $0x0  }
0x132: {  	[sflag:s4] =	ssyncadd.s32 $0xFFFF0000  }
0x133: {  	[tilespmem:s5], [sflag:$0x1] =	stream.indirect.gather [hbm4b:s3+s6], $0x40, s17, s6, $0xb8;
	[tilespmem:$0x11000] =	vst v63  }
0x134: {  	s15 =	rddreg [dreg:$0x17]  }
0x135: {  	[tilespmem:s8], [sflag:$0x1] =	stream.indirect.gather [hbm4b:s3+s6], $0x40, s15, s6, $0xb8;
	[tilespmem:$0x11000] =	vst v63  }
0x136: {  	_ = 	snop  }
0x137: {  	[tilespmem:s9], [sflag:$0x1] =	stream.indirect.gather [hbm4b:s3+s6], $0x40, s26, s6, $0xb8;
	[tilespmem:$0x11000] =	vst v63  }
0x138: {  	_ = 	snop  }
0x139: {  	[tilespmem:s10], [sflag:$0x1] =	stream.indirect.gather [hbm4b:s3+s6], $0x40, s28, s6, $0xb8;
	[tilespmem:$0x11000] =	vst v63  }
0x13a: {  	_ = 	snop  }
0x13b: {  	[tilespmem:s11], [sflag:$0x1] =	stream.indirect.gather [hbm4b:s3+s6], $0x40, s29, s6, $0xb8;
	[tilespmem:$0x11000] =	vst v63  }
0x13c: {  	_ = 	snop  }
0x13d: {  	[tilespmem:s12], [sflag:$0x1] =	stream.indirect.gather [hbm4b:s3+s6], $0x40, s30, s6, $0xb8;
	[tilespmem:$0x11000] =	vst v63  }
0x13e: {  	_ = 	snop  }
0x13f: {  	[tilespmem:s13], [sflag:$0x1] =	stream.indirect.gather [hbm4b:s3+s6], $0x40, s31, s6, $0xb8;
	[tilespmem:$0x11000] =	vst v63  }
0x140: {  	_ = 	snop  }
0x141: {  	[tilespmem:s14], [sflag:$0x1] =	stream.indirect.gather [hbm4b:s3+s6], $0x40, s16, s6, $0xb8;
	[tilespmem:$0x11000] =	vst v63  }
0x142: {  	_ =	swait.ge [sflag:s7], $0x2000  }
0x143: {  	[sflag:s7] =	ssyncset.done $0x0  }
0x144: {  	[sflag:s7] =	ssyncadd.s32 $0xFFFFE000  }
0x145: {  	_ =	swait.ge [sflag:s7], $0x2000  }
0x146: {  	[sflag:s7] =	ssyncset.done $0x0  }
0x147: {  	[sflag:s7] =	ssyncadd.s32 $0xFFFFE000  }
0x148: {  	_ =	swait.ge [sflag:s7], $0x2000  }
0x149: {  	[sflag:s7] =	ssyncset.done $0x0  }
0x14a: {  	[sflag:s7] =	ssyncadd.s32 $0xFFFFE000  }
0x14b: {  	_ =	swait.ge [sflag:s7], $0x2000  }
0x14c: {  	[sflag:s7] =	ssyncset.done $0x0  }
0x14d: {  	[sflag:s7] =	ssyncadd.s32 $0xFFFFE000  }
0x14e: {  	_ =	swait.ge [sflag:s7], $0x2000  }
0x14f: {  	[sflag:s7] =	ssyncset.done $0x0  }
0x150: {  	[sflag:s7] =	ssyncadd.s32 $0xFFFFE000  }
0x151: {  	_ =	swait.ge [sflag:s7], $0x2000  }
0x152: {  	[sflag:s7] =	ssyncset.done $0x0  }
0x153: {  	[sflag:s7] =	ssyncadd.s32 $0xFFFFE000  }
0x154: {  	_ =	swait.ge [sflag:s7], $0x2000  }
0x155: {  	[sflag:s7] =	ssyncset.done $0x0  }
0x156: {  	[sflag:s7] =	ssyncadd.s32 $0xFFFFE000  }
0x157: {  	_ =	swait.ge [sflag:s7], $0x2000  }
0x158: {  	[sflag:s7] =	ssyncset.done $0x0  }
0x159: {  	s15 =	rddreg [dreg:$0x7];
	[sflag:s7] =	ssyncadd.s32 $0xFFFFE000  }
0x15a: {  	[hbm4b:s15+s2] =	stream.linear.scatter [tilespmem:s5], [sflag:$0x2], $0x10000, $0x38;
	[tilespmem:$0x11000] =	vst v63  }
0x15b: {  	_ =	swait.ge [sflag:s4], $0x10000  }
0x15c: {  	[sflag:s4] =	ssyncset.done $0x0  }
0x15d: {  	s15 =	simm.s32 $0xC00;
	[sflag:s4] =	ssyncadd.s32 $0xFFFF0000  }
0x15e: {  	[tilespmem:s5], [sflag:$0x1] =	stream.indirect.gather [hbm4b:s3+s6], $0x40, s15, s6, $0xb8;
	[tilespmem:$0x11000] =	vst v63  }
0x15f: {  	_ = 	snop  }
0x160: {  	[tilespmem:s8], [sflag:$0x1] =	stream.indirect.gather [hbm4b:s3+s6], $0x40, s18, s6, $0xb8;
	[tilespmem:$0x11000] =	vst v63  }
0x161: {  	_ = 	snop  }
0x162: {  	[tilespmem:s9], [sflag:$0x1] =	stream.indirect.gather [hbm4b:s3+s6], $0x40, s19, s6, $0xb8;
	[tilespmem:$0x11000] =	vst v63  }
0x163: {  	_ = 	snop  }
0x164: {  	[tilespmem:s10], [sflag:$0x1] =	stream.indirect.gather [hbm4b:s3+s6], $0x40, s20, s6, $0xb8;
	[tilespmem:$0x11000] =	vst v63  }
0x165: {  	_ = 	snop  }
0x166: {  	[tilespmem:s11], [sflag:$0x1] =	stream.indirect.gather [hbm4b:s3+s6], $0x40, s21, s6, $0xb8;
	[tilespmem:$0x11000] =	vst v63  }
0x167: {  	_ = 	snop  }
0x168: {  	[tilespmem:s12], [sflag:$0x1] =	stream.indirect.gather [hbm4b:s3+s6], $0x40, s22, s6, $0xb8;
	[tilespmem:$0x11000] =	vst v63  }
0x169: {  	_ = 	snop  }
0x16a: {  	[tilespmem:s13], [sflag:$0x1] =	stream.indirect.gather [hbm4b:s3+s6], $0x40, s23, s6, $0xb8;
	[tilespmem:$0x11000] =	vst v63  }
0x16b: {  	_ = 	snop  }
0x16c: {  	[tilespmem:s14], [sflag:$0x1] =	stream.indirect.gather [hbm4b:s3+s6], $0x40, s25, s6, $0xb8;
	[tilespmem:$0x11000] =	vst v63  }
0x16d: {  	_ =	swait.ge [sflag:s7], $0x2000  }
0x16e: {  	[sflag:s7] =	ssyncset.done $0x0  }
0x16f: {  	[sflag:s7] =	ssyncadd.s32 $0xFFFFE000  }
0x170: {  	_ =	swait.ge [sflag:s7], $0x2000  }
0x171: {  	[sflag:s7] =	ssyncset.done $0x0  }
0x172: {  	[sflag:s7] =	ssyncadd.s32 $0xFFFFE000  }
0x173: {  	_ =	swait.ge [sflag:s7], $0x2000  }
0x174: {  	[sflag:s7] =	ssyncset.done $0x0  }
0x175: {  	[sflag:s7] =	ssyncadd.s32 $0xFFFFE000  }
0x176: {  	_ =	swait.ge [sflag:s7], $0x2000  }
0x177: {  	[sflag:s7] =	ssyncset.done $0x0  }
0x178: {  	[sflag:s7] =	ssyncadd.s32 $0xFFFFE000  }
0x179: {  	_ =	swait.ge [sflag:s7], $0x2000  }
0x17a: {  	[sflag:s7] =	ssyncset.done $0x0  }
0x17b: {  	[sflag:s7] =	ssyncadd.s32 $0xFFFFE000  }
0x17c: {  	_ =	swait.ge [sflag:s7], $0x2000  }
0x17d: {  	[sflag:s7] =	ssyncset.done $0x0  }
0x17e: {  	[sflag:s7] =	ssyncadd.s32 $0xFFFFE000  }
0x17f: {  	_ =	swait.ge [sflag:s7], $0x2000  }
0x180: {  	[sflag:s7] =	ssyncset.done $0x0  }
0x181: {  	[sflag:s7] =	ssyncadd.s32 $0xFFFFE000  }
0x182: {  	p1 =	sne.s32 s1, $0x1;
	_ =	swait.ge [sflag:s7], $0x2000  }
.Ltmp2:
0x183: {  	[sflag:s7] =	ssyncset.done $0x0;
	(pc) =	sbr.rel @p1 .LBB2_4-.Ltmp2, $4  }
0x184: {  	s15 =	rddreg [dreg:$0x8];
	[sflag:s7] =	ssyncadd.s32 $0xFFFFE000  }
0x185: {  	[hbm4b:s15+s2] =	stream.linear.scatter [tilespmem:s5], [sflag:$0x2], $0x10000, $0x38;
	[tilespmem:$0x11000] =	vst v63  }
0x186: {  	_ =	swait.ge [sflag:s4], $0x10000  }
0x187: {  	s1 =	sadd.s32 $0xFFFFFFFF, s1;
	s0 =	rddreg [dreg:$0x3];
	[sflag:s4] =	ssyncset.done $0x0  }
0x188: {  	s25 =	simm.s32 $0xB80;
	s31 =	simm.s32 $0xB00  }
0x189: {  	s30 =	simm.s32 $0xA80;
	s29 =	simm.s32 $0xA00;
	s28 =	simm.s32 $0x980  }
0x18a: {  	s26 =	simm.s32 $0x900;
	s23 =	simm.s32 $0xF00;
	s22 =	simm.s32 $0xE80  }
0x18b: {  	s21 =	simm.s32 $0xE00;
	s20 =	simm.s32 $0xD80;
	s19 =	simm.s32 $0xD00  }
0x18c: {  	s18 =	simm.s32 $0xC80;
	s16 =	simm.s32 $0xC00;
	s15 =	stileid.u32  }
.LBB2_6:
0x18d: {  	[sflag:s4] =	ssyncadd.s32 @p0 $0xFFFF0000  }
0x18e: {  	[tilespmem:s2], [sflag:$0x2] =	stream.linear.gather [hbm4b:s0+s2], $0x800, $0x38;
	[tilespmem:$0x11000] =	vst v63  }
0x18f: {  	_ =	swait.ge [sflag:s4], $0x800  }
0x190: {  	[sflag:s4] =	ssyncset.done $0x0  }
0x191: {  	s1 =	rddreg [dreg:$0x4];
	[sflag:s4] =	ssyncadd.s32 $0xFFFFF800  }
0x192: {  	[tilespmem:s17], [sflag:$0x2] =	stream.linear.gather [hbm4b:s1+s2], $0x800, $0x38;
	[tilespmem:$0x11000] =	vst v63  }
0x193: {  	_ =	swait.ge [sflag:s4], $0x800  }
0x194: {  	[sflag:s4] =	ssyncset.done $0x0  }
0x195: {  	[sflag:s4] =	ssyncadd.s32 $0xFFFFF800  }
0x196: {  	[tilespmem:s5], [sflag:$0x1] =	stream.indirect.gather [hbm4b:s24+s6], $0x40, s2, s6, $0xb8;
	[tilespmem:$0x11000] =	vst v63  }
0x197: {  	_ = 	snop  }
0x198: {  	[tilespmem:s8], [sflag:$0x1] =	stream.indirect.gather [hbm4b:s24+s6], $0x40, s6, s6, $0xb8;
	[tilespmem:$0x11000] =	vst v63  }
0x199: {  	s0 =	rddreg [dreg:$0x9]  }
0x19a: {  	[tilespmem:s9], [sflag:$0x1] =	stream.indirect.gather [hbm4b:s24+s6], $0x40, s0, s6, $0xb8;
	[tilespmem:$0x11000] =	vst v63  }
0x19b: {  	s1 =	rddreg [dreg:$0xa]  }
0x19c: {  	[tilespmem:s10], [sflag:$0x1] =	stream.indirect.gather [hbm4b:s24+s6], $0x40, s1, s6, $0xb8;
	[tilespmem:$0x11000] =	vst v63  }
0x19d: {  	s0 =	rddreg [dreg:$0xb]  }
0x19e: {  	[tilespmem:s11], [sflag:$0x1] =	stream.indirect.gather [hbm4b:s24+s6], $0x40, s0, s6, $0xb8;
	[tilespmem:$0x11000] =	vst v63  }
0x19f: {  	s1 =	rddreg [dreg:$0xc]  }
0x1a0: {  	[tilespmem:s12], [sflag:$0x1] =	stream.indirect.gather [hbm4b:s24+s6], $0x40, s1, s6, $0xb8;
	[tilespmem:$0x11000] =	vst v63  }
0x1a1: {  	s0 =	rddreg [dreg:$0xd]  }
0x1a2: {  	[tilespmem:s13], [sflag:$0x1] =	stream.indirect.gather [hbm4b:s24+s6], $0x40, s0, s6, $0xb8;
	[tilespmem:$0x11000] =	vst v63  }
0x1a3: {  	s1 =	rddreg [dreg:$0xe]  }
0x1a4: {  	[tilespmem:s14], [sflag:$0x1] =	stream.indirect.gather [hbm4b:s24+s6], $0x40, s1, s6, $0xb8;
	[tilespmem:$0x11000] =	vst v63  }
0x1a5: {  	_ =	swait.ge [sflag:s7], $0x2000  }
0x1a6: {  	[sflag:s7] =	ssyncset.done $0x0  }
0x1a7: {  	[sflag:s7] =	ssyncadd.s32 $0xFFFFE000  }
0x1a8: {  	_ =	swait.ge [sflag:s7], $0x2000  }
0x1a9: {  	[sflag:s7] =	ssyncset.done $0x0  }
0x1aa: {  	[sflag:s7] =	ssyncadd.s32 $0xFFFFE000  }
0x1ab: {  	_ =	swait.ge [sflag:s7], $0x2000  }
0x1ac: {  	[sflag:s7] =	ssyncset.done $0x0  }
0x1ad: {  	[sflag:s7] =	ssyncadd.s32 $0xFFFFE000  }
0x1ae: {  	_ =	swait.ge [sflag:s7], $0x2000  }
0x1af: {  	[sflag:s7] =	ssyncset.done $0x0  }
0x1b0: {  	[sflag:s7] =	ssyncadd.s32 $0xFFFFE000  }
0x1b1: {  	_ =	swait.ge [sflag:s7], $0x2000  }
0x1b2: {  	[sflag:s7] =	ssyncset.done $0x0  }
0x1b3: {  	[sflag:s7] =	ssyncadd.s32 $0xFFFFE000  }
0x1b4: {  	_ =	swait.ge [sflag:s7], $0x2000  }
0x1b5: {  	[sflag:s7] =	ssyncset.done $0x0  }
0x1b6: {  	[sflag:s7] =	ssyncadd.s32 $0xFFFFE000  }
0x1b7: {  	_ =	swait.ge [sflag:s7], $0x2000  }
0x1b8: {  	[sflag:s7] =	ssyncset.done $0x0  }
0x1b9: {  	[sflag:s7] =	ssyncadd.s32 $0xFFFFE000  }
0x1ba: {  	_ =	swait.ge [sflag:s7], $0x2000  }
0x1bb: {  	[sflag:s7] =	ssyncset.done $0x0  }
0x1bc: {  	s1 =	rddreg [dreg:$0x5];
	[sflag:s7] =	ssyncadd.s32 $0xFFFFE000  }
0x1bd: {  	[hbm4b:s1+s2] =	stream.linear.scatter [tilespmem:s5], [sflag:$0x2], $0x10000, $0x38;
	[tilespmem:$0x11000] =	vst v63  }
0x1be: {  	_ =	swait.ge [sflag:s4], $0x10000  }
0x1bf: {  	[sflag:s4] =	ssyncset.done $0x0  }
0x1c0: {  	s0 =	rddreg [dreg:$0xf];
	[sflag:s4] =	ssyncadd.s32 $0xFFFF0000  }
0x1c1: {  	[tilespmem:s5], [sflag:$0x1] =	stream.indirect.gather [hbm4b:s24+s6], $0x40, s0, s6, $0xb8;
	[tilespmem:$0x11000] =	vst v63  }
0x1c2: {  	s1 =	rddreg [dreg:$0x10]  }
0x1c3: {  	[tilespmem:s8], [sflag:$0x1] =	stream.indirect.gather [hbm4b:s24+s6], $0x40, s1, s6, $0xb8;
	[tilespmem:$0x11000] =	vst v63  }
0x1c4: {  	s0 =	rddreg [dreg:$0x11]  }
0x1c5: {  	[tilespmem:s9], [sflag:$0x1] =	stream.indirect.gather [hbm4b:s24+s6], $0x40, s0, s6, $0xb8;
	[tilespmem:$0x11000] =	vst v63  }
0x1c6: {  	s1 =	rddreg [dreg:$0x12]  }
0x1c7: {  	[tilespmem:s10], [sflag:$0x1] =	stream.indirect.gather [hbm4b:s24+s6], $0x40, s1, s6, $0xb8;
	[tilespmem:$0x11000] =	vst v63  }
0x1c8: {  	s0 =	rddreg [dreg:$0x13]  }
0x1c9: {  	[tilespmem:s11], [sflag:$0x1] =	stream.indirect.gather [hbm4b:s24+s6], $0x40, s0, s6, $0xb8;
	[tilespmem:$0x11000] =	vst v63  }
0x1ca: {  	s1 =	rddreg [dreg:$0x14]  }
0x1cb: {  	[tilespmem:s12], [sflag:$0x1] =	stream.indirect.gather [hbm4b:s24+s6], $0x40, s1, s6, $0xb8;
	[tilespmem:$0x11000] =	vst v63  }
0x1cc: {  	s0 =	rddreg [dreg:$0x15]  }
0x1cd: {  	[tilespmem:s13], [sflag:$0x1] =	stream.indirect.gather [hbm4b:s24+s6], $0x40, s0, s6, $0xb8;
	[tilespmem:$0x11000] =	vst v63  }
0x1ce: {  	s1 =	rddreg [dreg:$0x16]  }
0x1cf: {  	[tilespmem:s14], [sflag:$0x1] =	stream.indirect.gather [hbm4b:s24+s6], $0x40, s1, s6, $0xb8;
	[tilespmem:$0x11000] =	vst v63  }
0x1d0: {  	_ =	swait.ge [sflag:s7], $0x2000  }
0x1d1: {  	[sflag:s7] =	ssyncset.done $0x0  }
0x1d2: {  	[sflag:s7] =	ssyncadd.s32 $0xFFFFE000  }
0x1d3: {  	_ =	swait.ge [sflag:s7], $0x2000  }
0x1d4: {  	[sflag:s7] =	ssyncset.done $0x0  }
0x1d5: {  	[sflag:s7] =	ssyncadd.s32 $0xFFFFE000  }
0x1d6: {  	_ =	swait.ge [sflag:s7], $0x2000  }
0x1d7: {  	[sflag:s7] =	ssyncset.done $0x0  }
0x1d8: {  	[sflag:s7] =	ssyncadd.s32 $0xFFFFE000  }
0x1d9: {  	_ =	swait.ge [sflag:s7], $0x2000  }
0x1da: {  	[sflag:s7] =	ssyncset.done $0x0  }
0x1db: {  	[sflag:s7] =	ssyncadd.s32 $0xFFFFE000  }
0x1dc: {  	_ =	swait.ge [sflag:s7], $0x2000  }
0x1dd: {  	[sflag:s7] =	ssyncset.done $0x0  }
0x1de: {  	[sflag:s7] =	ssyncadd.s32 $0xFFFFE000  }
0x1df: {  	_ =	swait.ge [sflag:s7], $0x2000  }
0x1e0: {  	[sflag:s7] =	ssyncset.done $0x0  }
0x1e1: {  	[sflag:s7] =	ssyncadd.s32 $0xFFFFE000  }
0x1e2: {  	_ =	swait.ge [sflag:s7], $0x2000  }
0x1e3: {  	[sflag:s7] =	ssyncset.done $0x0  }
0x1e4: {  	[sflag:s7] =	ssyncadd.s32 $0xFFFFE000  }
0x1e5: {  	_ =	swait.ge [sflag:s7], $0x2000  }
0x1e6: {  	[sflag:s7] =	ssyncset.done $0x0  }
0x1e7: {  	s1 =	rddreg [dreg:$0x6];
	[sflag:s7] =	ssyncadd.s32 $0xFFFFE000  }
0x1e8: {  	[hbm4b:s1+s2] =	stream.linear.scatter [tilespmem:s5], [sflag:$0x2], $0x10000, $0x38;
	[tilespmem:$0x11000] =	vst v63  }
0x1e9: {  	_ =	swait.ge [sflag:s4], $0x10000  }
0x1ea: {  	[sflag:s4] =	ssyncset.done $0x0  }
0x1eb: {  	[sflag:s4] =	ssyncadd.s32 $0xFFFF0000  }
0x1ec: {  	[tilespmem:s5], [sflag:$0x1] =	stream.indirect.gather [hbm4b:s3+s6], $0x40, s17, s6, $0xb8;
	[tilespmem:$0x11000] =	vst v63  }
0x1ed: {  	s24 =	rddreg [dreg:$0x17]  }
0x1ee: {  	[tilespmem:s8], [sflag:$0x1] =	stream.indirect.gather [hbm4b:s3+s6], $0x40, s24, s6, $0xb8;
	[tilespmem:$0x11000] =	vst v63  }
0x1ef: {  	_ = 	snop  }
0x1f0: {  	[tilespmem:s9], [sflag:$0x1] =	stream.indirect.gather [hbm4b:s3+s6], $0x40, s26, s6, $0xb8;
	[tilespmem:$0x11000] =	vst v63  }
0x1f1: {  	_ = 	snop  }
0x1f2: {  	[tilespmem:s10], [sflag:$0x1] =	stream.indirect.gather [hbm4b:s3+s6], $0x40, s28, s6, $0xb8;
	[tilespmem:$0x11000] =	vst v63  }
0x1f3: {  	_ = 	snop  }
0x1f4: {  	[tilespmem:s11], [sflag:$0x1] =	stream.indirect.gather [hbm4b:s3+s6], $0x40, s29, s6, $0xb8;
	[tilespmem:$0x11000] =	vst v63  }
0x1f5: {  	_ = 	snop  }
0x1f6: {  	[tilespmem:s12], [sflag:$0x1] =	stream.indirect.gather [hbm4b:s3+s6], $0x40, s30, s6, $0xb8;
	[tilespmem:$0x11000] =	vst v63  }
0x1f7: {  	_ = 	snop  }
0x1f8: {  	[tilespmem:s13], [sflag:$0x1] =	stream.indirect.gather [hbm4b:s3+s6], $0x40, s31, s6, $0xb8;
	[tilespmem:$0x11000] =	vst v63  }
0x1f9: {  	_ = 	snop  }
0x1fa: {  	[tilespmem:s14], [sflag:$0x1] =	stream.indirect.gather [hbm4b:s3+s6], $0x40, s25, s6, $0xb8;
	[tilespmem:$0x11000] =	vst v63  }
0x1fb: {  	_ =	swait.ge [sflag:s7], $0x2000  }
0x1fc: {  	[sflag:s7] =	ssyncset.done $0x0  }
0x1fd: {  	[sflag:s7] =	ssyncadd.s32 $0xFFFFE000  }
0x1fe: {  	_ =	swait.ge [sflag:s7], $0x2000  }
0x1ff: {  	[sflag:s7] =	ssyncset.done $0x0  }
0x200: {  	[sflag:s7] =	ssyncadd.s32 $0xFFFFE000  }
0x201: {  	_ =	swait.ge [sflag:s7], $0x2000  }
0x202: {  	[sflag:s7] =	ssyncset.done $0x0  }
0x203: {  	[sflag:s7] =	ssyncadd.s32 $0xFFFFE000  }
0x204: {  	_ =	swait.ge [sflag:s7], $0x2000  }
0x205: {  	[sflag:s7] =	ssyncset.done $0x0  }
0x206: {  	[sflag:s7] =	ssyncadd.s32 $0xFFFFE000  }
0x207: {  	_ =	swait.ge [sflag:s7], $0x2000  }
0x208: {  	[sflag:s7] =	ssyncset.done $0x0  }
0x209: {  	[sflag:s7] =	ssyncadd.s32 $0xFFFFE000  }
0x20a: {  	_ =	swait.ge [sflag:s7], $0x2000  }
0x20b: {  	[sflag:s7] =	ssyncset.done $0x0  }
0x20c: {  	[sflag:s7] =	ssyncadd.s32 $0xFFFFE000  }
0x20d: {  	_ =	swait.ge [sflag:s7], $0x2000  }
0x20e: {  	[sflag:s7] =	ssyncset.done $0x0  }
0x20f: {  	[sflag:s7] =	ssyncadd.s32 $0xFFFFE000  }
0x210: {  	_ =	swait.ge [sflag:s7], $0x2000  }
0x211: {  	[sflag:s7] =	ssyncset.done $0x0  }
0x212: {  	s29 =	rddreg [dreg:$0x7];
	[sflag:s7] =	ssyncadd.s32 $0xFFFFE000  }
0x213: {  	[hbm4b:s29+s2] =	stream.linear.scatter [tilespmem:s5], [sflag:$0x2], $0x10000, $0x38;
	[tilespmem:$0x11000] =	vst v63  }
0x214: {  	_ =	swait.ge [sflag:s4], $0x10000  }
0x215: {  	[sflag:s4] =	ssyncset.done $0x0  }
0x216: {  	[sflag:s4] =	ssyncadd.s32 $0xFFFF0000  }
0x217: {  	[tilespmem:s5], [sflag:$0x1] =	stream.indirect.gather [hbm4b:s3+s6], $0x40, s16, s6, $0xb8;
	[tilespmem:$0x11000] =	vst v63  }
0x218: {  	_ = 	snop  }
0x219: {  	[tilespmem:s8], [sflag:$0x1] =	stream.indirect.gather [hbm4b:s3+s6], $0x40, s18, s6, $0xb8;
	[tilespmem:$0x11000] =	vst v63  }
0x21a: {  	_ = 	snop  }
0x21b: {  	[tilespmem:s9], [sflag:$0x1] =	stream.indirect.gather [hbm4b:s3+s6], $0x40, s19, s6, $0xb8;
	[tilespmem:$0x11000] =	vst v63  }
0x21c: {  	_ = 	snop  }
0x21d: {  	[tilespmem:s10], [sflag:$0x1] =	stream.indirect.gather [hbm4b:s3+s6], $0x40, s20, s6, $0xb8;
	[tilespmem:$0x11000] =	vst v63  }
0x21e: {  	_ = 	snop  }
0x21f: {  	[tilespmem:s11], [sflag:$0x1] =	stream.indirect.gather [hbm4b:s3+s6], $0x40, s21, s6, $0xb8;
	[tilespmem:$0x11000] =	vst v63  }
0x220: {  	_ = 	snop  }
0x221: {  	[tilespmem:s12], [sflag:$0x1] =	stream.indirect.gather [hbm4b:s3+s6], $0x40, s22, s6, $0xb8;
	[tilespmem:$0x11000] =	vst v63  }
0x222: {  	_ = 	snop  }
0x223: {  	[tilespmem:s13], [sflag:$0x1] =	stream.indirect.gather [hbm4b:s3+s6], $0x40, s23, s6, $0xb8;
	[tilespmem:$0x11000] =	vst v63  }
0x224: {  	s30 =	simm.s32 $0xF80  }
0x225: {  	[tilespmem:s14], [sflag:$0x1] =	stream.indirect.gather [hbm4b:s3+s6], $0x40, s30, s6, $0xb8;
	[tilespmem:$0x11000] =	vst v63  }
0x226: {  	_ =	swait.ge [sflag:s7], $0x2000  }
0x227: {  	[sflag:s7] =	ssyncset.done $0x0  }
0x228: {  	[sflag:s7] =	ssyncadd.s32 $0xFFFFE000  }
0x229: {  	_ =	swait.ge [sflag:s7], $0x2000  }
0x22a: {  	[sflag:s7] =	ssyncset.done $0x0  }
0x22b: {  	[sflag:s7] =	ssyncadd.s32 $0xFFFFE000  }
0x22c: {  	_ =	swait.ge [sflag:s7], $0x2000  }
0x22d: {  	[sflag:s7] =	ssyncset.done $0x0  }
0x22e: {  	[sflag:s7] =	ssyncadd.s32 $0xFFFFE000  }
0x22f: {  	_ =	swait.ge [sflag:s7], $0x2000  }
0x230: {  	[sflag:s7] =	ssyncset.done $0x0  }
0x231: {  	[sflag:s7] =	ssyncadd.s32 $0xFFFFE000  }
0x232: {  	_ =	swait.ge [sflag:s7], $0x2000  }
0x233: {  	[sflag:s7] =	ssyncset.done $0x0  }
0x234: {  	[sflag:s7] =	ssyncadd.s32 $0xFFFFE000  }
0x235: {  	_ =	swait.ge [sflag:s7], $0x2000  }
0x236: {  	[sflag:s7] =	ssyncset.done $0x0  }
0x237: {  	[sflag:s7] =	ssyncadd.s32 $0xFFFFE000  }
0x238: {  	_ =	swait.ge [sflag:s7], $0x2000  }
0x239: {  	[sflag:s7] =	ssyncset.done $0x0  }
0x23a: {  	[sflag:s7] =	ssyncadd.s32 $0xFFFFE000  }
0x23b: {  	_ =	swait.ge [sflag:s7], $0x2000  }
0x23c: {  	[sflag:s7] =	ssyncset.done $0x0  }
0x23d: {  	s31 =	rddreg [dreg:$0x8];
	[sflag:s7] =	ssyncadd.s32 $0xFFFFE000  }
0x23e: {  	[hbm4b:s31+s2] =	stream.linear.scatter [tilespmem:s5], [sflag:$0x2], $0x10000, $0x38;
	[tilespmem:$0x11000] =	vst v63  }
0x23f: {  	_ =	swait.ge [sflag:s4], $0x10000  }
0x240: {  	[sflag:s4] =	ssyncset.done $0x0  }
0x241: {  	[sflag:s4] =	ssyncadd.s32 $0xFFFF0000  }
0x242: {  	_ =	sfence.sel $0x180000  }
0x243: {  	[bflag:$0x0] =	sbarrier.arrive $0xFFFF  }
0x244: {  	_ =	strace $0x9000004A  }
0x245: {  	[bflag:$0x2] =	sbarrier.arrive $0xFFFF  }
0x246: {  	p0 =	sne.s32 s15, $0x0;
	s0 =	rddreg [dreg:$0x2]  }
0x247: {  	s0 =	sadd.s32 @!p0 $0x100000, s0  }
0x248: {  	[sflag:s0] =	ssyncadd.tile.s32 @!p0 $0x1;
	_ =	shalt  }
.LBB2_1:
.Ltmp3:
0x249: {  	s25 =	simm.s32 $0xB80;
	(pc) =	sbr.rel .LBB2_6-.Ltmp3, $4  }
0x24a: {  	s31 =	simm.s32 $0xB00;
	s30 =	simm.s32 $0xA80;
	s29 =	simm.s32 $0xA00  }
0x24b: {  	s28 =	simm.s32 $0x980;
	s26 =	simm.s32 $0x900;
	s23 =	simm.s32 $0xF00  }
0x24c: {  	s22 =	simm.s32 $0xE80;
	s21 =	simm.s32 $0xE00;
	s20 =	simm.s32 $0xD80  }
0x24d: {  	s19 =	simm.s32 $0xD00;
	s18 =	simm.s32 $0xC80;
	s16 =	simm.s32 $0xC00  }
.LBB2_3:
.Ltmp4:
0x24e: {  	s25 =	simm.s32 $0xB80;
	s31 =	simm.s32 $0xB00;
	(pc) =	sbr.rel .LBB2_6-.Ltmp4, $4  }
0x24f: {  	s30 =	simm.s32 $0xA80;
	s29 =	simm.s32 $0xA00;
	s28 =	simm.s32 $0x980  }
0x250: {  	s26 =	simm.s32 $0x900;
	s23 =	simm.s32 $0xF00;
	s22 =	simm.s32 $0xE80  }
0x251: {  	s21 =	simm.s32 $0xE00;
	s20 =	simm.s32 $0xD80;
	s19 =	simm.s32 $0xD00  }
0x252: {  	s18 =	simm.s32 $0xC80;
	s16 =	simm.s32 $0xC00;
	s15 =	stileid.u32  }
.Lfunc_end2:
_tile_overlayer_lowered:
.L_overlay_start_2:
0x253: {  	(tag) =	ssettag $0x2  }
0x254: {  	s0 =	rddreg [dreg:$0x0];
	s2 =	stileid.u32  }
0x255: {  	s1 =	rddreg [dreg:$0x1];
	p0 =	sne.s32 s2, $0x0  }
0x256: {  	s3 =	rddreg [dreg:$0x2];
	[bflag:$0x3] =	sbarrier.arrive $0xFFFF;
	s2 =	simm.s32 @!p0 $0x1C02  }
0x257: {  	[timem:s3], [sflag:s2] =	dma.local @!p0 [hbm:s0], s1  }
0x258: {  	s0 =	simm.s32 @!p0 $0x2  }
0x259: {  	_ =	swait.ge @!p0 [sflag:s0], s1  }
0x25a: {  	s1 =	ssub.s32 @!p0 $0x0, s1;
	[sflag:s0] =	ssyncset.done @!p0 $0x0  }
0x25b: {  	[sflag:s0] =	ssyncadd.s32 @!p0 s1  }
0x25c: {  	[bflag:$0x3] =	sbarrier.arrive $0xFFFF  }
0x25d: {  	_ =	shalt  }

// kernel: kernel.8.cloned.1.call-start
scs
__scs_entry_jumppad:
0x0: {  	(pc) =	sbr.rel $0x88, $3  }
0x1: {  	(tag) =	ssettag $0x0;
	lr =	simm.s32 $0x1  }
0x2: {  	[smem:$0x3F98] =	sst lr;
	_ =	strace $0xD0000000  }
0x3: {  	_ = 	snop  }
0x4: {  	_ = 	snop  }
0x5: {  	_ = 	snop  }
0x6: {  	_ = 	snop  }
0x7: {  	_ = 	snop  }
__scs_overlays_trampoline_lowered:
0x8: {  	[smem:$0x3FA7] =	sst s0  }
0x9: {  	[smem:$0x3FA8] =	sst s1  }
0xa: {  	[smem:$0x3FA9] =	sst s2  }
0xb: {  	[smem:$0x3FAA] =	sst s3  }
0xc: {  	[smem:$0x3FAB] =	sst s4  }
0xd: {  	[smem:$0x3FAC] =	sst s5  }
0xe: {  	[smem:$0x3FAD] =	sst s6  }
0xf: {  	[smem:$0x3FAE] =	sst s7  }
0x10: {  	[smem:$0x3FAF] =	sst s8  }
0x11: {  	[smem:$0x3FB0] =	sst s9;
	s0 =	simm.s32 @!p0 $0x0  }
0x12: {  	s1 =	sld [smem:$0x3F96];
	s0 =	simm.s32 @p0 $0x1  }
0x13: {  	[smem:$0x3FB1] =	sst s0;
	s0 =	simm.s32 @!p1 $0x0  }
0x14: {  	s2 =	sld [smem:$0x3F95];
	s0 =	simm.s32 @p1 $0x1  }
0x15: {  	[smem:$0x3FB2] =	sst s0;
	s0 =	simm.s32 @!p2 $0x0  }
0x16: {  	s3 =	sld [smem:$0x3FDB];
	s0 =	simm.s32 @p2 $0x1  }
0x17: {  	s4 =	simm.s32 $0x1BF5;
	[smem:$0x3FB4] =	sst s0  }
0x18: {  	s0 =	sld [smem:$0x3F97];
	_ =	swait.ge [sflag:s4], $0x0  }
0x19: {  	s7 =	sld [smem:$0x3F98]  }
0x1a: {  	s8 =	sadd.s32 $0xFFFFE003, lr  }
0x1b: {  	s9 =	sadd.s32 $0xFFFFFEF7, lr;
	s5 =	simm.s32 $0xFFFFFFFF;
	p2 =	slt.u32 s8, $0xFFFFF086  }
0x1c: {  	p1 =	slt.u32 s9, $0xF7A;
	s5 =	simm.s32 @!p2 $0x0  }
0x1d: {  	s5 =	simm.s32 @p1 $0x1;
	p0 =	seq.s32 s7, s2  }
0x1e: {  	s7 =	smul.u32 @!p0 $0xF7A, s2;
	p2 =	seq.s32 @!p0 s5, $0x0  }
0x1f: {  	s9 =	smul.u32 $0xF7A, s1;
	s8 =	simm.s32 @!p0 $0x1BF5;
	p2 =	por !p2, p0  }
0x20: {  	[sflag:s8] =	ssyncset.s32 @!p0 $0xFFFFF086;
	s6 =	sadd.s32 @!p0 s3, s7;
	s7 =	simm.s32 @!p0 $0x108  }
0x21: {  	s3 =	sadd.s32 s3, s9;
	s6 =	sadd.s32 @!p0 $0x88, s6;
	s7 =	simm.s32 @p2 $0x1082  }
0x22: {  	[simem:s7], [sflag:s8] =	dma.local @!p0 [hbm:s6], $0xF7A  }
0x23: {  	s9 =	sor.u32 $0xD0000000, s2;
	s6 =	simm.s32 $0x108;
	_ =	swait.ge @!p0 [sflag:s8], $0x0  }
0x24: {  	s3 =	sadd.s32 $0x88, s3;
	s6 =	simm.s32 @!p1 $0x1082;
	[sflag:s4] =	ssyncset.s32 $0xFFFFF086  }
0x25: {  	[simem:s6], [sflag:s4] =	dma.local [hbm:s3], $0xF7A  }
0x26: {  	[smem:$0x3F98] =	sst s1;
	(tag) =	ssettag s2;
	_ =	strace s9  }
0x27: {  	s1 =	sld [smem:$0x3FA8]  }
0x28: {  	s2 =	sld [smem:$0x3FA9]  }
0x29: {  	s4 =	sld [smem:$0x3FAB]  }
0x2a: {  	p0 =	seq.s32 s5, $0x0;
	s5 =	sld [smem:$0x3FAC]  }
0x2b: {  	s6 =	sld [smem:$0x3FAD]  }
0x2c: {  	s7 =	sld [smem:$0x3FAE]  }
0x2d: {  	s3 =	simm.s32 $0x108;
	s8 =	sld [smem:$0x3FAF]  }
0x2e: {  	s3 =	simm.s32 @!p0 $0x1082;
	s9 =	sld [smem:$0x3FB0]  }
0x2f: {  	lr =	sadd.s32 s0, s3;
	s0 =	sld [smem:$0x3FA7]  }
0x30: {  	s3 =	sld [smem:$0x3FAA]  }
0x31: {  	[smem:$0x3FB3] =	sst s10  }
0x32: {  	s10 =	sld [smem:$0x3FB1];
	_ =	sdelay $0x3  }
0x33: {  	p0 =	seq.s32 s10, $0x1;
	s10 =	sld [smem:$0x3FB3];
	_ =	sdelay $0x3  }
0x34: {  	[smem:$0x3FB3] =	sst s10  }
0x35: {  	s10 =	sld [smem:$0x3FB2];
	_ =	sdelay $0x3  }
0x36: {  	p1 =	seq.s32 s10, $0x1;
	s10 =	sld [smem:$0x3FB3];
	_ =	sdelay $0x3  }
0x37: {  	[smem:$0x3FB3] =	sst s10  }
0x38: {  	s10 =	sld [smem:$0x3FB4]  }
0x39: {  	_ = 	snop;
	(pc) =	sbr.ind lr, $3  }
0x3a: {  	_ = 	snop  }
0x3b: {  	_ = 	snop  }
0x3c: {  	p2 =	seq.s32 s10, $0x1;
	s10 =	sld [smem:$0x3FB3]  }
0x3d: {  	_ =	shalt  }
0x3e: {  	_ =	shalt  }
0x3f: {  	_ =	shalt  }
0x40: {  	_ =	shalt  }
0x41: {  	_ =	shalt  }
0x42: {  	_ =	shalt  }
0x43: {  	_ =	shalt  }
0x44: {  	_ =	shalt  }
0x45: {  	_ =	shalt  }
0x46: {  	_ =	shalt  }
0x47: {  	_ =	shalt  }
0x48: {  	_ =	shalt  }
0x49: {  	_ =	shalt  }
0x4a: {  	_ =	shalt  }
0x4b: {  	_ =	shalt  }
0x4c: {  	_ =	shalt  }
0x4d: {  	_ =	shalt  }
0x4e: {  	_ =	shalt  }
0x4f: {  	_ =	shalt  }
0x50: {  	_ =	shalt  }
0x51: {  	_ =	shalt  }
0x52: {  	_ =	shalt  }
0x53: {  	_ =	shalt  }
0x54: {  	_ =	shalt  }
0x55: {  	_ =	shalt  }
0x56: {  	_ =	shalt  }
0x57: {  	_ =	shalt  }
0x58: {  	_ =	shalt  }
0x59: {  	_ =	shalt  }
0x5a: {  	_ =	shalt  }
0x5b: {  	_ =	shalt  }
0x5c: {  	_ =	shalt  }
0x5d: {  	_ =	shalt  }
0x5e: {  	_ =	shalt  }
0x5f: {  	_ =	shalt  }
0x60: {  	_ =	shalt  }
0x61: {  	_ =	shalt  }
0x62: {  	_ =	shalt  }
0x63: {  	_ =	shalt  }
0x64: {  	_ =	shalt  }
0x65: {  	_ =	shalt  }
0x66: {  	_ =	shalt  }
0x67: {  	_ =	shalt  }
0x68: {  	_ =	shalt  }
0x69: {  	_ =	shalt  }
0x6a: {  	_ =	shalt  }
0x6b: {  	_ =	shalt  }
0x6c: {  	_ =	shalt  }
0x6d: {  	_ =	shalt  }
0x6e: {  	_ =	shalt  }
0x6f: {  	_ =	shalt  }
0x70: {  	_ =	shalt  }
0x71: {  	_ =	shalt  }
0x72: {  	_ =	shalt  }
0x73: {  	_ =	shalt  }
0x74: {  	_ =	shalt  }
0x75: {  	_ =	shalt  }
0x76: {  	_ =	shalt  }
0x77: {  	_ =	shalt  }
0x78: {  	_ =	shalt  }
0x79: {  	_ =	shalt  }
0x7a: {  	_ =	shalt  }
0x7b: {  	_ =	shalt  }
0x7c: {  	_ =	shalt  }
0x7d: {  	_ =	shalt  }
0x7e: {  	_ =	shalt  }
0x7f: {  	_ =	shalt  }
0x80: {  	_ =	shalt  }
0x81: {  	_ =	shalt  }
0x82: {  	_ =	shalt  }
0x83: {  	_ =	shalt  }
0x84: {  	_ =	shalt  }
0x85: {  	_ =	shalt  }
0x86: {  	_ =	shalt  }
0x87: {  	_ =	shalt  }
.Lfunc_end0:
.L_simem_size_0:
called_computation_lowered:
.L_overlay_start_0:
0x88: {  	s2 =	sld [smem:$0x3FD9]  }
0x89: {  	s3 =	sld [smem:$0x3FFE];
	_ =	sdelay $0x1  }
0x8a: {  	s1 =	srdreg.scid  }
0x8b: {  	s0 =	sand.u32 $0x1, s1  }
0x8c: {  	s14 =	sshll.u32 s0, $0xA;
	s2 =	sadd.s32 s3, s2  }
0x8d: {  	s2 =	sadd.s32 s2, s14  }
0x8e: {  	[smem:$0x3FBF] =	sst s2  }
0x8f: {  	_ = 	snop  }
0x90: {  	s2 =	sld [smem:$0x3FD0];
	_ =	sdelay $0x2  }
0x91: {  	s15 =	simm.s32 $0xA;
	s4 =	simm.s32 $0x10  }
0x92: {  	[smem:s4], [sflag:s15] =	dma.local [hbm:s2], $0x1  }
0x93: {  	_ =	swait.eq [sflag:s15], $0x1  }
0x94: {  	[sflag:s15] =	ssyncset.done $0x0  }
0x95: {  	s16 =	sld [smem:$0x10];
	[sflag:s15] =	ssyncadd.s32 $0xFFFFFFFF  }
0x96: {  	s17 =	sld [smem:$0x11];
	(tm) =	ssettm $0x1  }
0x97: {  	s18 =	sld [smem:$0x3FFB];
	_ =	sdelay $0x3  }
0x98: {  	_ =	strace s18  }
0x99: {  	s4 =	sld [smem:$0x3FFC];
	_ =	sdelay $0x3  }
0x9a: {  	_ =	strace s4  }
0x9b: {  	s4 =	sld [smem:$0x3FFD];
	_ =	sdelay $0x3  }
0x9c: {  	_ =	strace s4  }
0x9d: {  	_ =	strace $0x8FFFFFFF  }
0x9e: {  	s19 =	sld [smem:$0x3FDB];
	_ =	sdelay $0x1  }
0x9f: {  	s5 =	simm.s32 $_scs_section_size  }
0xa0: {  	s6 =	simm.s32 $_size__tile_overlayer_lowered;
	s7 =	simm.s32 $_tile_overlayer_lowered  }
0xa1: {  	s22 =	simm.s32 $0x1BFF;
	s21 =	sshll.u32 s7, $0x1;
	s4 =	sadd.s32 s5, s19  }
0xa2: {  	s8 =	simm.s32 $0x0;
	s20 =	sshll.u32 s6, $0x1;
	s6 =	sadd.s32 s21, s4  }
0xa3: {  	[timem:s8], [sflag:s22] =	dma.local [hbm:s6], s20  }
0xa4: {  	_ =	swait.ge [sflag:s22], s20  }
0xa5: {  	s5 =	ssub.s32 $0x0, s20;
	[sflag:s22] =	ssyncset.done $0x0  }
0xa6: {  	[sflag:s22] =	ssyncadd.s32 s5;
	_ =	sdelay $0x1  }
0xa7: {  	s23 =	simm.s32 $0x1B8B  }
0xa8: {  	_ =	swait.ge [sflag:s23], $0x1  }
0xa9: {  	[sflag:s23] =	ssyncset.done $0x0  }
0xaa: {  	s25 =	simm.s32 $0x1B8E;
	s24 =	sld [smem:$0x3FFE];
	[sflag:s23] =	ssyncadd.s32 $0xFFFFFFFF  }
0xab: {  	s26 =	simm.s32 $execute0_lowered;
	[smem:$0x3FD2] =	sst s25  }
0xac: {  	s6 =	sshll.u32 s26, $0x1;
	_ =	strace $0x80000046;
	[dreg:$0x1] =	wrdreg $0xFFFFFFFF  }
0xad: {  	s28 =	simm.s32 $_size_execute0_lowered;
	s4 =	sadd.s32 s4, s6;
	[dreg:$0x0] =	wrdreg $0x0  }
0xae: {  	s6 =	sshll.u32 s28, $0x1;
	[dreg:$0x2] =	wrdreg s4  }
0xaf: {  	[dreg:$0x3] =	wrdreg s6  }
0xb0: {  	[dreg:$0x4] =	wrdreg $0xC0  }
0xb1: {  	_ =	task [dreg:s8], $0x5FFFF  }
0xb2: {  	[dreg:$0x1] =	wrdreg $0xFFFFFFFF  }
0xb3: {  	[dreg:$0x0] =	wrdreg $0x60  }
0xb4: {  	[dreg:$0x2] =	wrdreg s24  }
0xb5: {  	[dreg:$0x3] =	wrdreg s16  }
0xb6: {  	[dreg:$0x4] =	wrdreg s17  }
0xb7: {  	[dreg:$0x5] =	wrdreg $0x9  }
0xb8: {  	_ =	task.clear_ibuf [dreg:s8], $0x6FFFF;
	_ =	strace $0x90000046  }
0xb9: {  	s29 =	simm.s32 $0x9;
	_ =	strace $0x80000048  }
0xba: {  	_ =	swait.ge [sflag:s29], $0x1  }
0xbb: {  	[sflag:s29] =	ssyncadd.s32 $0xFFFFFFFF  }
0xbc: {  	_ =	strace $0x90000048  }
0xbd: {  	_ =	sfence  }
0xbe: {  	s30 =	sld [smem:$0x0];
	_ =	sdelay $0x2  }
0xbf: {  	s31 =	sshll.u32 s1, $0xD;
	s1 =	sshrl.u32 s1, $0x2  }
0xc0: {  	s3 =	sand.u32 $0x4000, s31;
	s1 =	sadd.s32 s1, s30  }
0xc1: {  	s0 =	sor.u32 s3, s0;
	s1 =	sshll.u32 s1, $0x11  }
0xc2: {  	s0 =	sor.u32 s1, s0  }
0xc3: {  	s0 =	sadd.s32 $0x8F2B, s0  }
0xc4: {  	[sflag:s0] =	ssyncadd.remote.s32 $0x1  }
0xc5: {  	_ =	sfence.sel $0xFFFF  }
0xc6: {  	[dreg:$0x0] =	wrdreg $0xFFFFFFFF;
	(pc) =	sbr.abs _section_cstart, $3  }
0xc7: {  	[dreg:$0x1] =	wrdreg $0xFFFFFFFF  }
0xc8: {  	_ =	task.clear_ibuf [dreg:s8], $0x2FFFF;
	_ =	strace $0x9FFFFFFF  }
0xc9: {  	(tm) =	ssettm $0x7FFFFFFF  }
tec
execute0_lowered:
.L_overlay_start_1:
0x0: {  	(tag) =	ssettag $0x1  }
0x1: {  	s5 =	rddreg [dreg:$0x0]  }
0x2: {  	s1 =	srdreg.scid;
	s3 =	rddreg [dreg:$0x1]  }
0x3: {  	s0 =	stileid.u32;
	s8 =	rddreg [dreg:$0x2];
	s6 =	sand.u32 $0x1, s1  }
0x4: {  	s2 =	simm.s32 $0x0;
	s4 =	sshll.u32 s0, $0x8;
	s7 =	sshll.u32 s6, $0x7  }
0x5: {  	[smem:$0x7FF] =	sst s2;
	s9 =	sor.u32 s7, s4  }
0x6: {  	s1 =	rddreg [dreg:$0x3];
	_ =	strace $0x80000047;
	s4 =	sshrl.u32 s9, $0x3  }
0x7: {  	s10 =	ssub.s32 $0x2, s6;
	s4 =	sadd.s32 s3, s4;
	s3 =	simm.s32 $0x2  }
0x8: {  	[tilespmem:s2], [sflag:$0x2] =	stream.linear.gather [hbm4b:s4+s2], $0x80, $0x38;
	[tilespmem:$0x2080] =	vst v63  }
0x9: {  	s5 =	sadd.s32 $0x2000, s5;
	s11 =	sshrl.u32 s10, $0x1;
	_ =	swait.ge [sflag:s3], $0x80  }
0xa: {  	s6 =	simm.s32 $0x80;
	s10 =	ssub.s32 s10, s11;
	[sflag:s3] =	ssyncset.done $0x0  }
0xb: {  	s7 =	simm.s32 $0x1;
	s31 =	smax.u32 s10, $0x1;
	[sflag:s3] =	ssyncadd.s32 $0xFFFFFF80  }
0xc: {  	[tilespmem:s6], [sflag:$0x1] =	stream.indirect.gather [hbm4b:s5+s6], $0x40, s2, s6, $0xb8;
	[tilespmem:$0x2080] =	vst v63  }
0xd: {  	p0 =	sne.s32 s31, $0x1;
	_ =	swait.ge [sflag:s7], $0x2000  }
.Ltmp0:
0xe: {  	s9 =	sshll.u32 s9, $0x3;
	[sflag:s7] =	ssyncset.done $0x0;
	(pc) =	sbr.rel @!p0 .LBB2_2-.Ltmp0, $4  }
0xf: {  	s8 =	sadd.s32 s8, s9;
	[sflag:s7] =	ssyncadd.s32 $0xFFFFE000  }
0x10: {  	[hbm4b:s8+s2] =	stream.linear.scatter [tilespmem:s6], [sflag:$0x2], $0x2000, $0x38;
	[tilespmem:$0x2080] =	vst v63  }
0x11: {  	_ =	swait.ge [sflag:s3], $0x2000  }
0x12: {  	s9 =	sadd.s32 $0xFFFFFFFF, s31;
	[sflag:s3] =	ssyncset.done $0x0  }
.LBB2_1:
0x13: {  	p0 =	sne.s32 s9, $0x1;
	s9 =	sadd.s32 $0xFFFFFFFF, s9;
	[sflag:s3] =	ssyncadd.s32 $0xFFFFE000  }
0x14: {  	[tilespmem:s2], [sflag:$0x2] =	stream.linear.gather [hbm4b:s4+s2], $0x80, $0x38;
	[tilespmem:$0x2080] =	vst v63  }
0x15: {  	_ =	swait.ge [sflag:s3], $0x80  }
0x16: {  	[sflag:s3] =	ssyncset.done $0x0  }
0x17: {  	[sflag:s3] =	ssyncadd.s32 $0xFFFFFF80  }
0x18: {  	[tilespmem:s6], [sflag:$0x1] =	stream.indirect.gather [hbm4b:s5+s6], $0x40, s2, s6, $0xb8;
	[tilespmem:$0x2080] =	vst v63  }
0x19: {  	_ =	swait.ge [sflag:s7], $0x2000  }
.Ltmp1:
0x1a: {  	[sflag:s7] =	ssyncset.done $0x0;
	(pc) =	sbr.rel @p0 .LBB2_1-.Ltmp1, $4  }
0x1b: {  	[sflag:s7] =	ssyncadd.s32 $0xFFFFE000  }
0x1c: {  	[hbm4b:s8+s2] =	stream.linear.scatter [tilespmem:s6], [sflag:$0x2], $0x2000, $0x38;
	[tilespmem:$0x2080] =	vst v63  }
0x1d: {  	_ =	swait.ge [sflag:s3], $0x2000  }
0x1e: {  	[sflag:s3] =	ssyncset.done $0x0  }
.LBB2_2:
0x1f: {  	[sflag:s3] =	ssyncadd.s32 $0xFFFFE000  }
0x20: {  	_ =	sfence.sel $0x180000  }
0x21: {  	[bflag:$0x0] =	sbarrier.arrive $0xFFFF  }
0x22: {  	p0 =	sne.s32 s0, $0x0;
	_ =	strace $0x90000047  }
0x23: {  	s0 =	sadd.s32 @!p0 $0x100000, s1;
	[bflag:$0x2] =	sbarrier.arrive $0xFFFF  }
0x24: {  	[sflag:s0] =	ssyncadd.tile.s32 @!p0 $0x1;
	_ =	shalt  }
.Lfunc_end2:
_tile_overlayer_lowered:
.L_overlay_start_2:
0x25: {  	(tag) =	ssettag $0x2  }
0x26: {  	s0 =	rddreg [dreg:$0x0];
	s2 =	stileid.u32  }
0x27: {  	s1 =	rddreg [dreg:$0x1];
	p0 =	sne.s32 s2, $0x0  }
0x28: {  	s3 =	rddreg [dreg:$0x2];
	[bflag:$0x3] =	sbarrier.arrive $0xFFFF;
	s2 =	simm.s32 @!p0 $0x1C02  }
0x29: {  	[timem:s3], [sflag:s2] =	dma.local @!p0 [hbm:s0], s1  }
0x2a: {  	s0 =	simm.s32 @!p0 $0x2  }
0x2b: {  	_ =	swait.ge @!p0 [sflag:s0], s1  }
0x2c: {  	s1 =	ssub.s32 @!p0 $0x0, s1;
	[sflag:s0] =	ssyncset.done @!p0 $0x0  }
0x2d: {  	[sflag:s0] =	ssyncadd.s32 @!p0 s1  }
0x2e: {  	[bflag:$0x3] =	sbarrier.arrive $0xFFFF  }
0x2f: {  	_ =	shalt  }

</sc_bundles>
